<compile_context>
chip_gen: v7x
topology: tpu7x:2x2x1
jax: 0.10.2.dev20260603
libtpu: 0.0.44.dev20260713+nightly
codegen_flags: <defaults>
</compile_context>

<pallas_src>
import functools

import jax
import jax.numpy as jnp
from jax import lax
from jax.experimental import pallas as pl
from jax.experimental.pallas import tpu as pltpu
from jax.experimental.pallas import tpu_sc as plsc

N = 10000
E = 320000
D = 128

NC = 2
NS = 16
NW = NC * NS
EPW = E // NW
C = 40
NCHUNK = EPW // C
L = 16

NB = 5
NI = 10
SLACK = 1
LEADI = NI - SLACK
NDG = NCHUNK // NI

RC = 40
NRCH = N // RC
RITER = (NRCH + NS - 1) // NS
CS = 2000
NCS = N // CS
RW = 200
NWCH = N // RW
WITER = (NWCH + NS - 1) // NS


def _sc_body(x_hbm, src_hbm, dst_hbm, psum_hbm, cnt0_hbm, cnt1_hbm, *sc):
    sidx = list(sc[0:NI])
    didx = list(sc[NI:2 * NI])
    rows = list(sc[2 * NI:2 * NI + NB])
    ones_v = sc[2 * NI + NB]
    cstg = sc[2 * NI + NB + 1]
    acc_sh = sc[2 * NI + NB + 2]
    cnt_sh = sc[2 * NI + NB + 3]
    isem = sc[2 * NI + NB + 4]
    gsem = sc[2 * NI + NB + 5]
    ssem = sc[2 * NI + NB + 6]

    c = lax.axis_index("c")
    s = lax.axis_index("s")
    wid = c * NS + s
    ebase = wid * EPW

    def idx_load(chunk, m):
        pltpu.async_copy(src_hbm.at[pl.ds(ebase + chunk * C, C)], sidx[m],
                         isem.at[m])
        pltpu.async_copy(dst_hbm.at[pl.ds(ebase + chunk * C, C)], didx[m],
                         isem.at[m])

    def idx_wait(m):
        pltpu.make_async_copy(src_hbm.at[pl.ds(0, C)], sidx[m],
                              isem.at[m]).wait()
        pltpu.make_async_copy(dst_hbm.at[pl.ds(0, C)], didx[m],
                              isem.at[m]).wait()

    def gather_wait(b):
        pltpu.make_async_copy(x_hbm.at[pl.ds(0, C)], rows[b],
                              gsem.at[b]).wait()

    def scatter_wait(b):
        pltpu.make_async_copy(x_hbm.at[pl.ds(0, C)], rows[b],
                              ssem.at[b]).wait()
        pltpu.make_async_copy(cnt0_hbm.at[pl.ds(0, C)], ones_v,
                              ssem.at[b]).wait()

    for m in range(LEADI):
        idx_load(m, m)

    zero16 = jnp.zeros((L,), jnp.float32)
    one16 = jnp.ones((L,), jnp.float32)

    ones_v[pl.ds(0, L)] = one16
    ones_v[pl.ds(16, L)] = one16
    ones_v[pl.ds(24, L)] = one16

    def zrow(i, _):
        def zcol(jj, _):
            rows[0][i, pl.ds(jj * L, L)] = zero16
            return 0
        return lax.fori_loop(0, D // L, zcol, 0)
    lax.fori_loop(0, RC, zrow, 0)

    def zstg(i, _):
        cstg[pl.ds(i * L, L)] = zero16
        return 0
    lax.fori_loop(0, CS // L, zstg, 0)

    def zacc(j, _):
        cid = s + j * NS
        @pl.when(cid < NRCH)
        def _():
            pltpu.async_copy(rows[0], acc_sh.at[pl.ds(cid * RC, RC)],
                             ssem.at[0])
        return 0
    lax.fori_loop(0, RITER, zacc, 0)

    @pl.when(s == 0)
    def _():
        for k in range(NCS):
            pltpu.async_copy(cstg, cnt_sh.at[pl.ds(k * CS, CS)], ssem.at[1])
        for k in range(NCS):
            pltpu.make_async_copy(cstg, cnt_sh.at[pl.ds(0, CS)],
                                  ssem.at[1]).wait()

    for b in range(1, NB):
        idx_wait(b)
        pltpu.async_copy(x_hbm.at[sidx[b]], rows[b], gsem.at[b])

    def zdrain(j, _):
        cid = s + j * NS
        @pl.when(cid < NRCH)
        def _():
            pltpu.make_async_copy(rows[0], acc_sh.at[pl.ds(0, RC)],
                                  ssem.at[0]).wait()
        return 0
    lax.fori_loop(0, RITER, zdrain, 0)

    idx_wait(0)
    pltpu.async_copy(x_hbm.at[sidx[0]], rows[0], gsem.at[0])

    plsc.subcore_barrier()

    def dgroup(G, _):
        for u in range(NI):
            j = G * NI + u
            b = u % NB
            gather_wait(b)
            pltpu.async_copy(rows[b], acc_sh.at[didx[u]], ssem.at[b],
                             add=True)
            pltpu.async_copy(ones_v, cnt_sh.at[didx[u]], ssem.at[b],
                             add=True)
            jd = j - SLACK
            jn = j + NB - SLACK
            bd = (u + NB - SLACK) % NB
            mn = (u + NB - SLACK) % NI
            @pl.when((jd >= 0) & (jn < NCHUNK))
            def _():
                scatter_wait(bd)
                idx_wait(mn)
                pltpu.async_copy(x_hbm.at[sidx[mn]], rows[bd], gsem.at[bd])
            jl = j + LEADI
            ml = (u + LEADI) % NI
            @pl.when(jl < NCHUNK)
            def _():
                idx_load(jl, ml)
        return 0
    lax.fori_loop(0, NDG, dgroup, 0)

    for b in range(NB):
        scatter_wait(b)

    plsc.subcore_barrier()

    def wout(j, _):
        cid = s + j * NS
        @pl.when(cid < NWCH)
        def _():
            r0w = cid * RW
            pltpu.async_copy(acc_sh.at[pl.ds(r0w, RW)],
                             psum_hbm.at[c, pl.ds(r0w, RW)], gsem.at[0])
        return 0
    lax.fori_loop(0, WITER, wout, 0)

    @pl.when(s == 0)
    def _():
        @pl.when(c == 0)
        def _():
            pltpu.async_copy(cnt_sh, cnt0_hbm, gsem.at[1])
        @pl.when(c == 1)
        def _():
            pltpu.async_copy(cnt_sh, cnt1_hbm, gsem.at[1])
        pltpu.make_async_copy(cnt_sh, cnt0_hbm, gsem.at[1]).wait()

    def wdrain(j, _):
        cid = s + j * NS
        @pl.when(cid < NWCH)
        def _():
            pltpu.make_async_copy(acc_sh.at[pl.ds(0, RW)],
                                  psum_hbm.at[0, pl.ds(0, RW)],
                                  gsem.at[0]).wait()
        return 0
    lax.fori_loop(0, WITER, wdrain, 0)


_sc_agg = functools.partial(
    pl.kernel,
    out_type=(jax.ShapeDtypeStruct((NC, N, D), jnp.float32),
              jax.ShapeDtypeStruct((N,), jnp.float32),
              jax.ShapeDtypeStruct((N,), jnp.float32)),
    mesh=plsc.VectorSubcoreMesh(core_axis_name="c", subcore_axis_name="s"),
    scratch_types=(
        [pltpu.VMEM((C,), jnp.int32) for _ in range(NI)] +
        [pltpu.VMEM((C,), jnp.int32) for _ in range(NI)] +
        [pltpu.VMEM((C, D), jnp.float32) for _ in range(NB)] +
        [
            pltpu.VMEM((C,), jnp.float32),
            pltpu.VMEM((CS,), jnp.float32),
            pltpu.VMEM_SHARED((N, D), jnp.float32),
            pltpu.VMEM_SHARED((N,), jnp.float32),
            pltpu.SemaphoreType.DMA((NI,)),
            pltpu.SemaphoreType.DMA((NB,)),
            pltpu.SemaphoreType.DMA((NB,)),
        ]
    ),
)(_sc_body)


R = 2000
GRID = N // R


def _tc_body(x_ref, p_ref, c0_ref, c1_ref, wl_ref, wr_ref, bl_ref, o_ref):
    xb = x_ref[...]
    p = p_ref[0] + p_ref[1]
    cntc = c0_ref[...] + c1_ref[...]
    inv = 1.0 / jnp.maximum(cntc, 1.0)
    mean = p * inv
    h = lax.dot_general(mean, wl_ref[...], (((1,), (1,)), ((), ())),
                        preferred_element_type=jnp.float32)
    h = h + bl_ref[...]
    h = h + lax.dot_general(xb, wr_ref[...], (((1,), (1,)), ((), ())),
                            preferred_element_type=jnp.float32)
    o_ref[...] = xb + jnp.maximum(h, 0.0)


def _tc_fuse(x, psum, cnt0, cnt1, W_l, W_r, b_l2):
    return pl.pallas_call(
        _tc_body,
        grid=(GRID,),
        in_specs=[
            pl.BlockSpec((R, D), lambda i: (i, 0)),
            pl.BlockSpec((NC, R, D), lambda i: (0, i, 0)),
            pl.BlockSpec((R, 1), lambda i: (i, 0)),
            pl.BlockSpec((R, 1), lambda i: (i, 0)),
            pl.BlockSpec((D, D), lambda i: (0, 0)),
            pl.BlockSpec((D, D), lambda i: (0, 0)),
            pl.BlockSpec((1, D), lambda i: (0, 0)),
        ],
        out_specs=pl.BlockSpec((R, D), lambda i: (i, 0)),
        out_shape=jax.ShapeDtypeStruct((N, D), jnp.float32),
    )(x, psum, cnt0, cnt1, W_l, W_r, b_l2)


def kernel(x, edge_index, edge_weight, W_l, b_l, W_r):
    src = edge_index[0].astype(jnp.int32)
    dst = edge_index[1].astype(jnp.int32)
    psum, cnt0, cnt1 = _sc_agg(x, src, dst)
    return _tc_fuse(x, psum, cnt0.reshape(N, 1), cnt1.reshape(N, 1),
                    W_l, W_r, b_l.reshape(1, D))

# --- scband reference (transcript-rebuilt; emitter-appended) ---
"""Pipeline reference for scband-sageextractor-57921928954039 (READ-ONLY COPY).

The authoritative reference and input builder live on the scoring server;
editing this copy changes nothing except your own understanding.
"""

import jax, jax.numpy as jnp
import numpy as np

N = 10000
E = 320000
D = 128


def setup_inputs(seed: int = 0) -> dict:
    key = jax.random.key(seed)
    k1, k2, k3, k4, k5, k6 = jax.random.split(key, 6)
    x = jax.random.normal(k1, (N, D), dtype=jnp.float32)
    edge_index = jax.random.randint(k2, (2, E), 0, N).astype(jnp.int64)
    edge_weight = jax.random.uniform(k3, (E,), dtype=jnp.float32)
    lim = 1.0 / np.sqrt(D)
    W_l = jax.random.uniform(k4, (D, D), minval=-lim, maxval=lim, dtype=jnp.float32)
    b_l = jax.random.uniform(k5, (D,), minval=-lim, maxval=lim, dtype=jnp.float32)
    W_r = jax.random.uniform(k6, (D, D), minval=-lim, maxval=lim, dtype=jnp.float32)
    return {"x": x, "edge_index": edge_index, "edge_weight": edge_weight,
            "W_l": W_l, "b_l": b_l, "W_r": W_r}


def reference(x, edge_index, edge_weight, W_l, b_l, W_r):
    # SAGEExtractor.forward (eval mode: dropout is identity):
    #   h = x
    #   x = SAGEConvwithRelu(x, edge_index, edge_weight)  # edge_weight unused by conv
    #   x = dropout(x)  -> identity in eval
    #   return x + h
    src = edge_index[0]
    dst = edge_index[1]
    # message: x_j gathered from source nodes
    msgs = jnp.take(x, src, axis=0)
    # aggr='mean' at destination nodes
    summed = jax.ops.segment_sum(msgs, dst, num_segments=N)
    cnt = jax.ops.segment_sum(jnp.ones((E,), dtype=jnp.float32), dst, num_segments=N)
    mean_agg = summed / jnp.clip(cnt, 1.0, None)[:, None]
    # out = lin_l(mean_agg) + temp_weight(x) (root weight, no bias)
    out = mean_agg @ W_l.T + b_l + x @ W_r.T
    # normalize=False inside SAGEConvwithRelu (default), then ReLU
    out = jax.nn.relu(out)
    # residual connection
    return x + out

if __name__ == "__main__":
    import jax
    _d = setup_inputs()
    print(jax.jit(kernel)(*tuple(_d.values())))

</pallas_src>

<mosaic_0001>
#map = affine_map<(d0, d1) -> (0, 0)>
#map1 = affine_map<(d0, d1) -> (0)>
#map2 = affine_map<(d0, d1) -> (0, 0, 0)>
module attributes {stable_mosaic.version = 14 : i64} {
  func.func @_sc_body(%arg0: i32, %arg1: i32, %arg2: memref<10000x128xf32, #tpu.memory_space<hbm>>, %arg3: memref<320000xi32, #tpu.memory_space<hbm>>, %arg4: memref<320000xi32, #tpu.memory_space<hbm>>, %arg5: memref<2x10000x128xf32, #tpu.memory_space<hbm>>, %arg6: memref<10000xf32, #tpu.memory_space<hbm>>, %arg7: memref<10000xf32, #tpu.memory_space<hbm>>, %arg8: memref<40xi32, #tpu.memory_space<vmem>>, %arg9: memref<40xi32, #tpu.memory_space<vmem>>, %arg10: memref<40xi32, #tpu.memory_space<vmem>>, %arg11: memref<40xi32, #tpu.memory_space<vmem>>, %arg12: memref<40xi32, #tpu.memory_space<vmem>>, %arg13: memref<40xi32, #tpu.memory_space<vmem>>, %arg14: memref<40xi32, #tpu.memory_space<vmem>>, %arg15: memref<40xi32, #tpu.memory_space<vmem>>, %arg16: memref<40xi32, #tpu.memory_space<vmem>>, %arg17: memref<40xi32, #tpu.memory_space<vmem>>, %arg18: memref<40xi32, #tpu.memory_space<vmem>>, %arg19: memref<40xi32, #tpu.memory_space<vmem>>, %arg20: memref<40xi32, #tpu.memory_space<vmem>>, %arg21: memref<40xi32, #tpu.memory_space<vmem>>, %arg22: memref<40xi32, #tpu.memory_space<vmem>>, %arg23: memref<40xi32, #tpu.memory_space<vmem>>, %arg24: memref<40xi32, #tpu.memory_space<vmem>>, %arg25: memref<40xi32, #tpu.memory_space<vmem>>, %arg26: memref<40xi32, #tpu.memory_space<vmem>>, %arg27: memref<40xi32, #tpu.memory_space<vmem>>, %arg28: memref<40x128xf32, #tpu.memory_space<vmem>>, %arg29: memref<40x128xf32, #tpu.memory_space<vmem>>, %arg30: memref<40x128xf32, #tpu.memory_space<vmem>>, %arg31: memref<40x128xf32, #tpu.memory_space<vmem>>, %arg32: memref<40x128xf32, #tpu.memory_space<vmem>>, %arg33: memref<40xf32, #tpu.memory_space<vmem>>, %arg34: memref<2000xf32, #tpu.memory_space<vmem>>, %arg35: memref<10000x128xf32, #tpu.memory_space<vmem_shared>>, %arg36: memref<10000xf32, #tpu.memory_space<vmem_shared>>, %arg37: memref<10x!tpu.dma_semaphore, #tpu.memory_space<semaphore_mem>>, %arg38: memref<5x!tpu.dma_semaphore, #tpu.memory_space<semaphore_mem>>, %arg39: memref<5x!tpu.dma_semaphore, #tpu.memory_space<semaphore_mem>>) attributes {dimension_semantics = [#tpu.dimension_semantics<core_parallel>, #tpu.dimension_semantics<subcore_parallel>], iteration_bounds = array<i64: 2, 16>, scalar_prefetch = 0 : i64, scratch_operands = 32 : i64, tpu.core_type = #tpu.core_type<sc_vector_subcore>, window_params = [{transform_indices = #map}, {transform_indices = #map1}, {transform_indices = #map1}, {transform_indices = #map2}, {transform_indices = #map1}, {transform_indices = #map1}]} {
    %mul3A = arith.constant 16 : i32
    %mul3A_0 = arith.muli %arg0, %mul3A : i32
    %add3A = arith.addi %mul3A_0, %arg1 : i32
    %mul3A_1 = arith.constant 10000 : i32
    %mul3A_2 = arith.muli %add3A, %mul3A_1 : i32
    %add3A_3 = arith.constant 0 : i32
    %add3A_4 = arith.addi %mul3A_2, %add3A_3 : i32
    %dma_start3A = arith.constant 0 : i32
    %dma_start3A_5 = tpu.memref_slice %arg3[%add3A_4] : memref<320000xi32, #tpu.memory_space<hbm>> -> memref<40xi32, #tpu.memory_space<hbm>>
    %dma_start3A_6 = tpu.memref_slice %arg37[%dma_start3A] : memref<10x!tpu.dma_semaphore, #tpu.memory_space<semaphore_mem>> -> memref<1x!tpu.dma_semaphore, #tpu.memory_space<semaphore_mem>>
    %dma_start3A_7 = tpu.memref_squeeze %dma_start3A_6 : memref<1x!tpu.dma_semaphore, #tpu.memory_space<semaphore_mem>> -> memref<!tpu.dma_semaphore, #tpu.memory_space<semaphore_mem>>
    %dma_start3A_8 = tpu.memref_slice %arg3[%add3A_4] : memref<320000xi32, #tpu.memory_space<hbm>> -> memref<40xi32, #tpu.memory_space<hbm>>
    tpu.enqueue_dma source(%dma_start3A_8 : memref<40xi32, #tpu.memory_space<hbm>>) target(%arg8 : memref<40xi32, #tpu.memory_space<vmem>>) target_semaphore(%dma_start3A_7 : memref<!tpu.dma_semaphore, #tpu.memory_space<semaphore_mem>>)
    %add3A_9 = arith.constant 0 : i32
    %add3A_10 = arith.addi %mul3A_2, %add3A_9 : i32
    %dma_start3A_11 = arith.constant 0 : i32
    %dma_start3A_12 = tpu.memref_slice %arg4[%add3A_10] : memref<320000xi32, #tpu.memory_space<hbm>> -> memref<40xi32, #tpu.memory_space<hbm>>
    %dma_start3A_13 = tpu.memref_slice %arg37[%dma_start3A_11] : memref<10x!tpu.dma_semaphore, #tpu.memory_space<semaphore_mem>> -> memref<1x!tpu.dma_semaphore, #tpu.memory_space<semaphore_mem>>
    %dma_start3A_14 = tpu.memref_squeeze %dma_start3A_13 : memref<1x!tpu.dma_semaphore, #tpu.memory_space<semaphore_mem>> -> memref<!tpu.dma_semaphore, #tpu.memory_space<semaphore_mem>>
    %dma_start3A_15 = tpu.memref_slice %arg4[%add3A_10] : memref<320000xi32, #tpu.memory_space<hbm>> -> memref<40xi32, #tpu.memory_space<hbm>>
    tpu.enqueue_dma source(%dma_start3A_15 : memref<40xi32, #tpu.memory_space<hbm>>) target(%arg18 : memref<40xi32, #tpu.memory_space<vmem>>) target_semaphore(%dma_start3A_14 : memref<!tpu.dma_semaphore, #tpu.memory_space<semaphore_mem>>)
    %add3A_16 = arith.constant 40 : i32
    %add3A_17 = arith.addi %mul3A_2, %add3A_16 : i32
    %dma_start3A_18 = arith.constant 1 : i32
    %dma_start3A_19 = tpu.memref_slice %arg3[%add3A_17] : memref<320000xi32, #tpu.memory_space<hbm>> -> memref<40xi32, #tpu.memory_space<hbm>>
    %dma_start3A_20 = tpu.memref_slice %arg37[%dma_start3A_18] : memref<10x!tpu.dma_semaphore, #tpu.memory_space<semaphore_mem>> -> memref<1x!tpu.dma_semaphore, #tpu.memory_space<semaphore_mem>>
    %dma_start3A_21 = tpu.memref_squeeze %dma_start3A_20 : memref<1x!tpu.dma_semaphore, #tpu.memory_space<semaphore_mem>> -> memref<!tpu.dma_semaphore, #tpu.memory_space<semaphore_mem>>
    %dma_start3A_22 = tpu.memref_slice %arg3[%add3A_17] : memref<320000xi32, #tpu.memory_space<hbm>> -> memref<40xi32, #tpu.memory_space<hbm>>
    tpu.enqueue_dma source(%dma_start3A_22 : memref<40xi32, #tpu.memory_space<hbm>>) target(%arg9 : memref<40xi32, #tpu.memory_space<vmem>>) target_semaphore(%dma_start3A_21 : memref<!tpu.dma_semaphore, #tpu.memory_space<semaphore_mem>>)
    %add3A_23 = arith.constant 40 : i32
    %add3A_24 = arith.addi %mul3A_2, %add3A_23 : i32
    %dma_start3A_25 = arith.constant 1 : i32
    %dma_start3A_26 = tpu.memref_slice %arg4[%add3A_24] : memref<320000xi32, #tpu.memory_space<hbm>> -> memref<40xi32, #tpu.memory_space<hbm>>
    %dma_start3A_27 = tpu.memref_slice %arg37[%dma_start3A_25] : memref<10x!tpu.dma_semaphore, #tpu.memory_space<semaphore_mem>> -> memref<1x!tpu.dma_semaphore, #tpu.memory_space<semaphore_mem>>
    %dma_start3A_28 = tpu.memref_squeeze %dma_start3A_27 : memref<1x!tpu.dma_semaphore, #tpu.memory_space<semaphore_mem>> -> memref<!tpu.dma_semaphore, #tpu.memory_space<semaphore_mem>>
    %dma_start3A_29 = tpu.memref_slice %arg4[%add3A_24] : memref<320000xi32, #tpu.memory_space<hbm>> -> memref<40xi32, #tpu.memory_space<hbm>>
    tpu.enqueue_dma source(%dma_start3A_29 : memref<40xi32, #tpu.memory_space<hbm>>) target(%arg19 : memref<40xi32, #tpu.memory_space<vmem>>) target_semaphore(%dma_start3A_28 : memref<!tpu.dma_semaphore, #tpu.memory_space<semaphore_mem>>)
    %add3A_30 = arith.constant 80 : i32
    %add3A_31 = arith.addi %mul3A_2, %add3A_30 : i32
    %dma_start3A_32 = arith.constant 2 : i32
    %dma_start3A_33 = tpu.memref_slice %arg3[%add3A_31] : memref<320000xi32, #tpu.memory_space<hbm>> -> memref<40xi32, #tpu.memory_space<hbm>>
    %dma_start3A_34 = tpu.memref_slice %arg37[%dma_start3A_32] : memref<10x!tpu.dma_semaphore, #tpu.memory_space<semaphore_mem>> -> memref<1x!tpu.dma_semaphore, #tpu.memory_space<semaphore_mem>>
    %dma_start3A_35 = tpu.memref_squeeze %dma_start3A_34 : memref<1x!tpu.dma_semaphore, #tpu.memory_space<semaphore_mem>> -> memref<!tpu.dma_semaphore, #tpu.memory_space<semaphore_mem>>
    %dma_start3A_36 = tpu.memref_slice %arg3[%add3A_31] : memref<320000xi32, #tpu.memory_space<hbm>> -> memref<40xi32, #tpu.memory_space<hbm>>
    tpu.enqueue_dma source(%dma_start3A_36 : memref<40xi32, #tpu.memory_space<hbm>>) target(%arg10 : memref<40xi32, #tpu.memory_space<vmem>>) target_semaphore(%dma_start3A_35 : memref<!tpu.dma_semaphore, #tpu.memory_space<semaphore_mem>>)
    %add3A_37 = arith.constant 80 : i32
    %add3A_38 = arith.addi %mul3A_2, %add3A_37 : i32
    %dma_start3A_39 = arith.constant 2 : i32
    %dma_start3A_40 = tpu.memref_slice %arg4[%add3A_38] : memref<320000xi32, #tpu.memory_space<hbm>> -> memref<40xi32, #tpu.memory_space<hbm>>
    %dma_start3A_41 = tpu.memref_slice %arg37[%dma_start3A_39] : memref<10x!tpu.dma_semaphore, #tpu.memory_space<semaphore_mem>> -> memref<1x!tpu.dma_semaphore, #tpu.memory_space<semaphore_mem>>
    %dma_start3A_42 = tpu.memref_squeeze %dma_start3A_41 : memref<1x!tpu.dma_semaphore, #tpu.memory_space<semaphore_mem>> -> memref<!tpu.dma_semaphore, #tpu.memory_space<semaphore_mem>>
    %dma_start3A_43 = tpu.memref_slice %arg4[%add3A_38] : memref<320000xi32, #tpu.memory_space<hbm>> -> memref<40xi32, #tpu.memory_space<hbm>>
    tpu.enqueue_dma source(%dma_start3A_43 : memref<40xi32, #tpu.memory_space<hbm>>) target(%arg20 : memref<40xi32, #tpu.memory_space<vmem>>) target_semaphore(%dma_start3A_42 : memref<!tpu.dma_semaphore, #tpu.memory_space<semaphore_mem>>)
    %add3A_44 = arith.constant 120 : i32
    %add3A_45 = arith.addi %mul3A_2, %add3A_44 : i32
    %dma_start3A_46 = arith.constant 3 : i32
    %dma_start3A_47 = tpu.memref_slice %arg3[%add3A_45] : memref<320000xi32, #tpu.memory_space<hbm>> -> memref<40xi32, #tpu.memory_space<hbm>>
    %dma_start3A_48 = tpu.memref_slice %arg37[%dma_start3A_46] : memref<10x!tpu.dma_semaphore, #tpu.memory_space<semaphore_mem>> -> memref<1x!tpu.dma_semaphore, #tpu.memory_space<semaphore_mem>>
    %dma_start3A_49 = tpu.memref_squeeze %dma_start3A_48 : memref<1x!tpu.dma_semaphore, #tpu.memory_space<semaphore_mem>> -> memref<!tpu.dma_semaphore, #tpu.memory_space<semaphore_mem>>
    %dma_start3A_50 = tpu.memref_slice %arg3[%add3A_45] : memref<320000xi32, #tpu.memory_space<hbm>> -> memref<40xi32, #tpu.memory_space<hbm>>
    tpu.enqueue_dma source(%dma_start3A_50 : memref<40xi32, #tpu.memory_space<hbm>>) target(%arg11 : memref<40xi32, #tpu.memory_space<vmem>>) target_semaphore(%dma_start3A_49 : memref<!tpu.dma_semaphore, #tpu.memory_space<semaphore_mem>>)
    %add3A_51 = arith.constant 120 : i32
    %add3A_52 = arith.addi %mul3A_2, %add3A_51 : i32
    %dma_start3A_53 = arith.constant 3 : i32
    %dma_start3A_54 = tpu.memref_slice %arg4[%add3A_52] : memref<320000xi32, #tpu.memory_space<hbm>> -> memref<40xi32, #tpu.memory_space<hbm>>
    %dma_start3A_55 = tpu.memref_slice %arg37[%dma_start3A_53] : memref<10x!tpu.dma_semaphore, #tpu.memory_space<semaphore_mem>> -> memref<1x!tpu.dma_semaphore, #tpu.memory_space<semaphore_mem>>
    %dma_start3A_56 = tpu.memref_squeeze %dma_start3A_55 : memref<1x!tpu.dma_semaphore, #tpu.memory_space<semaphore_mem>> -> memref<!tpu.dma_semaphore, #tpu.memory_space<semaphore_mem>>
    %dma_start3A_57 = tpu.memref_slice %arg4[%add3A_52] : memref<320000xi32, #tpu.memory_space<hbm>> -> memref<40xi32, #tpu.memory_space<hbm>>
    tpu.enqueue_dma source(%dma_start3A_57 : memref<40xi32, #tpu.memory_space<hbm>>) target(%arg21 : memref<40xi32, #tpu.memory_space<vmem>>) target_semaphore(%dma_start3A_56 : memref<!tpu.dma_semaphore, #tpu.memory_space<semaphore_mem>>)
    %add3A_58 = arith.constant 160 : i32
    %add3A_59 = arith.addi %mul3A_2, %add3A_58 : i32
    %dma_start3A_60 = arith.constant 4 : i32
    %dma_start3A_61 = tpu.memref_slice %arg3[%add3A_59] : memref<320000xi32, #tpu.memory_space<hbm>> -> memref<40xi32, #tpu.memory_space<hbm>>
    %dma_start3A_62 = tpu.memref_slice %arg37[%dma_start3A_60] : memref<10x!tpu.dma_semaphore, #tpu.memory_space<semaphore_mem>> -> memref<1x!tpu.dma_semaphore, #tpu.memory_space<semaphore_mem>>
    %dma_start3A_63 = tpu.memref_squeeze %dma_start3A_62 : memref<1x!tpu.dma_semaphore, #tpu.memory_space<semaphore_mem>> -> memref<!tpu.dma_semaphore, #tpu.memory_space<semaphore_mem>>
    %dma_start3A_64 = tpu.memref_slice %arg3[%add3A_59] : memref<320000xi32, #tpu.memory_space<hbm>> -> memref<40xi32, #tpu.memory_space<hbm>>
    tpu.enqueue_dma source(%dma_start3A_64 : memref<40xi32, #tpu.memory_space<hbm>>) target(%arg12 : memref<40xi32, #tpu.memory_space<vmem>>) target_semaphore(%dma_start3A_63 : memref<!tpu.dma_semaphore, #tpu.memory_space<semaphore_mem>>)
    %add3A_65 = arith.constant 160 : i32
    %add3A_66 = arith.addi %mul3A_2, %add3A_65 : i32
    %dma_start3A_67 = arith.constant 4 : i32
    %dma_start3A_68 = tpu.memref_slice %arg4[%add3A_66] : memref<320000xi32, #tpu.memory_space<hbm>> -> memref<40xi32, #tpu.memory_space<hbm>>
    %dma_start3A_69 = tpu.memref_slice %arg37[%dma_start3A_67] : memref<10x!tpu.dma_semaphore, #tpu.memory_space<semaphore_mem>> -> memref<1x!tpu.dma_semaphore, #tpu.memory_space<semaphore_mem>>
    %dma_start3A_70 = tpu.memref_squeeze %dma_start3A_69 : memref<1x!tpu.dma_semaphore, #tpu.memory_space<semaphore_mem>> -> memref<!tpu.dma_semaphore, #tpu.memory_space<semaphore_mem>>
    %dma_start3A_71 = tpu.memref_slice %arg4[%add3A_66] : memref<320000xi32, #tpu.memory_space<hbm>> -> memref<40xi32, #tpu.memory_space<hbm>>
    tpu.enqueue_dma source(%dma_start3A_71 : memref<40xi32, #tpu.memory_space<hbm>>) target(%arg22 : memref<40xi32, #tpu.memory_space<vmem>>) target_semaphore(%dma_start3A_70 : memref<!tpu.dma_semaphore, #tpu.memory_space<semaphore_mem>>)
    %add3A_72 = arith.constant 200 : i32
    %add3A_73 = arith.addi %mul3A_2, %add3A_72 : i32
    %dma_start3A_74 = arith.constant 5 : i32
    %dma_start3A_75 = tpu.memref_slice %arg3[%add3A_73] : memref<320000xi32, #tpu.memory_space<hbm>> -> memref<40xi32, #tpu.memory_space<hbm>>
    %dma_start3A_76 = tpu.memref_slice %arg37[%dma_start3A_74] : memref<10x!tpu.dma_semaphore, #tpu.memory_space<semaphore_mem>> -> memref<1x!tpu.dma_semaphore, #tpu.memory_space<semaphore_mem>>
    %dma_start3A_77 = tpu.memref_squeeze %dma_start3A_76 : memref<1x!tpu.dma_semaphore, #tpu.memory_space<semaphore_mem>> -> memref<!tpu.dma_semaphore, #tpu.memory_space<semaphore_mem>>
    %dma_start3A_78 = tpu.memref_slice %arg3[%add3A_73] : memref<320000xi32, #tpu.memory_space<hbm>> -> memref<40xi32, #tpu.memory_space<hbm>>
    tpu.enqueue_dma source(%dma_start3A_78 : memref<40xi32, #tpu.memory_space<hbm>>) target(%arg13 : memref<40xi32, #tpu.memory_space<vmem>>) target_semaphore(%dma_start3A_77 : memref<!tpu.dma_semaphore, #tpu.memory_space<semaphore_mem>>)
    %add3A_79 = arith.constant 200 : i32
    %add3A_80 = arith.addi %mul3A_2, %add3A_79 : i32
    %dma_start3A_81 = arith.constant 5 : i32
    %dma_start3A_82 = tpu.memref_slice %arg4[%add3A_80] : memref<320000xi32, #tpu.memory_space<hbm>> -> memref<40xi32, #tpu.memory_space<hbm>>
    %dma_start3A_83 = tpu.memref_slice %arg37[%dma_start3A_81] : memref<10x!tpu.dma_semaphore, #tpu.memory_space<semaphore_mem>> -> memref<1x!tpu.dma_semaphore, #tpu.memory_space<semaphore_mem>>
    %dma_start3A_84 = tpu.memref_squeeze %dma_start3A_83 : memref<1x!tpu.dma_semaphore, #tpu.memory_space<semaphore_mem>> -> memref<!tpu.dma_semaphore, #tpu.memory_space<semaphore_mem>>
    %dma_start3A_85 = tpu.memref_slice %arg4[%add3A_80] : memref<320000xi32, #tpu.memory_space<hbm>> -> memref<40xi32, #tpu.memory_space<hbm>>
    tpu.enqueue_dma source(%dma_start3A_85 : memref<40xi32, #tpu.memory_space<hbm>>) target(%arg23 : memref<40xi32, #tpu.memory_space<vmem>>) target_semaphore(%dma_start3A_84 : memref<!tpu.dma_semaphore, #tpu.memory_space<semaphore_mem>>)
    %add3A_86 = arith.constant 240 : i32
    %add3A_87 = arith.addi %mul3A_2, %add3A_86 : i32
    %dma_start3A_88 = arith.constant 6 : i32
    %dma_start3A_89 = tpu.memref_slice %arg3[%add3A_87] : memref<320000xi32, #tpu.memory_space<hbm>> -> memref<40xi32, #tpu.memory_space<hbm>>
    %dma_start3A_90 = tpu.memref_slice %arg37[%dma_start3A_88] : memref<10x!tpu.dma_semaphore, #tpu.memory_space<semaphore_mem>> -> memref<1x!tpu.dma_semaphore, #tpu.memory_space<semaphore_mem>>
    %dma_start3A_91 = tpu.memref_squeeze %dma_start3A_90 : memref<1x!tpu.dma_semaphore, #tpu.memory_space<semaphore_mem>> -> memref<!tpu.dma_semaphore, #tpu.memory_space<semaphore_mem>>
    %dma_start3A_92 = tpu.memref_slice %arg3[%add3A_87] : memref<320000xi32, #tpu.memory_space<hbm>> -> memref<40xi32, #tpu.memory_space<hbm>>
    tpu.enqueue_dma source(%dma_start3A_92 : memref<40xi32, #tpu.memory_space<hbm>>) target(%arg14 : memref<40xi32, #tpu.memory_space<vmem>>) target_semaphore(%dma_start3A_91 : memref<!tpu.dma_semaphore, #tpu.memory_space<semaphore_mem>>)
    %add3A_93 = arith.constant 240 : i32
    %add3A_94 = arith.addi %mul3A_2, %add3A_93 : i32
    %dma_start3A_95 = arith.constant 6 : i32
    %dma_start3A_96 = tpu.memref_slice %arg4[%add3A_94] : memref<320000xi32, #tpu.memory_space<hbm>> -> memref<40xi32, #tpu.memory_space<hbm>>
    %dma_start3A_97 = tpu.memref_slice %arg37[%dma_start3A_95] : memref<10x!tpu.dma_semaphore, #tpu.memory_space<semaphore_mem>> -> memref<1x!tpu.dma_semaphore, #tpu.memory_space<semaphore_mem>>
    %dma_start3A_98 = tpu.memref_squeeze %dma_start3A_97 : memref<1x!tpu.dma_semaphore, #tpu.memory_space<semaphore_mem>> -> memref<!tpu.dma_semaphore, #tpu.memory_space<semaphore_mem>>
    %dma_start3A_99 = tpu.memref_slice %arg4[%add3A_94] : memref<320000xi32, #tpu.memory_space<hbm>> -> memref<40xi32, #tpu.memory_space<hbm>>
    tpu.enqueue_dma source(%dma_start3A_99 : memref<40xi32, #tpu.memory_space<hbm>>) target(%arg24 : memref<40xi32, #tpu.memory_space<vmem>>) target_semaphore(%dma_start3A_98 : memref<!tpu.dma_semaphore, #tpu.memory_space<semaphore_mem>>)
    %add3A_100 = arith.constant 280 : i32
    %add3A_101 = arith.addi %mul3A_2, %add3A_100 : i32
    %dma_start3A_102 = arith.constant 7 : i32
    %dma_start3A_103 = tpu.memref_slice %arg3[%add3A_101] : memref<320000xi32, #tpu.memory_space<hbm>> -> memref<40xi32, #tpu.memory_space<hbm>>
    %dma_start3A_104 = tpu.memref_slice %arg37[%dma_start3A_102] : memref<10x!tpu.dma_semaphore, #tpu.memory_space<semaphore_mem>> -> memref<1x!tpu.dma_semaphore, #tpu.memory_space<semaphore_mem>>
    %dma_start3A_105 = tpu.memref_squeeze %dma_start3A_104 : memref<1x!tpu.dma_semaphore, #tpu.memory_space<semaphore_mem>> -> memref<!tpu.dma_semaphore, #tpu.memory_space<semaphore_mem>>
    %dma_start3A_106 = tpu.memref_slice %arg3[%add3A_101] : memref<320000xi32, #tpu.memory_space<hbm>> -> memref<40xi32, #tpu.memory_space<hbm>>
    tpu.enqueue_dma source(%dma_start3A_106 : memref<40xi32, #tpu.memory_space<hbm>>) target(%arg15 : memref<40xi32, #tpu.memory_space<vmem>>) target_semaphore(%dma_start3A_105 : memref<!tpu.dma_semaphore, #tpu.memory_space<semaphore_mem>>)
    %add3A_107 = arith.constant 280 : i32
    %add3A_108 = arith.addi %mul3A_2, %add3A_107 : i32
    %dma_start3A_109 = arith.constant 7 : i32
    %dma_start3A_110 = tpu.memref_slice %arg4[%add3A_108] : memref<320000xi32, #tpu.memory_space<hbm>> -> memref<40xi32, #tpu.memory_space<hbm>>
    %dma_start3A_111 = tpu.memref_slice %arg37[%dma_start3A_109] : memref<10x!tpu.dma_semaphore, #tpu.memory_space<semaphore_mem>> -> memref<1x!tpu.dma_semaphore, #tpu.memory_space<semaphore_mem>>
    %dma_start3A_112 = tpu.memref_squeeze %dma_start3A_111 : memref<1x!tpu.dma_semaphore, #tpu.memory_space<semaphore_mem>> -> memref<!tpu.dma_semaphore, #tpu.memory_space<semaphore_mem>>
    %dma_start3A_113 = tpu.memref_slice %arg4[%add3A_108] : memref<320000xi32, #tpu.memory_space<hbm>> -> memref<40xi32, #tpu.memory_space<hbm>>
    tpu.enqueue_dma source(%dma_start3A_113 : memref<40xi32, #tpu.memory_space<hbm>>) target(%arg25 : memref<40xi32, #tpu.memory_space<vmem>>) target_semaphore(%dma_start3A_112 : memref<!tpu.dma_semaphore, #tpu.memory_space<semaphore_mem>>)
    %add3A_114 = arith.constant 320 : i32
    %add3A_115 = arith.addi %mul3A_2, %add3A_114 : i32
    %dma_start3A_116 = arith.constant 8 : i32
    %dma_start3A_117 = tpu.memref_slice %arg3[%add3A_115] : memref<320000xi32, #tpu.memory_space<hbm>> -> memref<40xi32, #tpu.memory_space<hbm>>
    %dma_start3A_118 = tpu.memref_slice %arg37[%dma_start3A_116] : memref<10x!tpu.dma_semaphore, #tpu.memory_space<semaphore_mem>> -> memref<1x!tpu.dma_semaphore, #tpu.memory_space<semaphore_mem>>
    %dma_start3A_119 = tpu.memref_squeeze %dma_start3A_118 : memref<1x!tpu.dma_semaphore, #tpu.memory_space<semaphore_mem>> -> memref<!tpu.dma_semaphore, #tpu.memory_space<semaphore_mem>>
    %dma_start3A_120 = tpu.memref_slice %arg3[%add3A_115] : memref<320000xi32, #tpu.memory_space<hbm>> -> memref<40xi32, #tpu.memory_space<hbm>>
    tpu.enqueue_dma source(%dma_start3A_120 : memref<40xi32, #tpu.memory_space<hbm>>) target(%arg16 : memref<40xi32, #tpu.memory_space<vmem>>) target_semaphore(%dma_start3A_119 : memref<!tpu.dma_semaphore, #tpu.memory_space<semaphore_mem>>)
    %add3A_121 = arith.constant 320 : i32
    %add3A_122 = arith.addi %mul3A_2, %add3A_121 : i32
    %dma_start3A_123 = arith.constant 8 : i32
    %dma_start3A_124 = tpu.memref_slice %arg4[%add3A_122] : memref<320000xi32, #tpu.memory_space<hbm>> -> memref<40xi32, #tpu.memory_space<hbm>>
    %dma_start3A_125 = tpu.memref_slice %arg37[%dma_start3A_123] : memref<10x!tpu.dma_semaphore, #tpu.memory_space<semaphore_mem>> -> memref<1x!tpu.dma_semaphore, #tpu.memory_space<semaphore_mem>>
    %dma_start3A_126 = tpu.memref_squeeze %dma_start3A_125 : memref<1x!tpu.dma_semaphore, #tpu.memory_space<semaphore_mem>> -> memref<!tpu.dma_semaphore, #tpu.memory_space<semaphore_mem>>
    %dma_start3A_127 = tpu.memref_slice %arg4[%add3A_122] : memref<320000xi32, #tpu.memory_space<hbm>> -> memref<40xi32, #tpu.memory_space<hbm>>
    tpu.enqueue_dma source(%dma_start3A_127 : memref<40xi32, #tpu.memory_space<hbm>>) target(%arg26 : memref<40xi32, #tpu.memory_space<vmem>>) target_semaphore(%dma_start3A_126 : memref<!tpu.dma_semaphore, #tpu.memory_space<semaphore_mem>>)
    %broadcast_in_dim3A = arith.constant 0.000000e+00 : f32
    %broadcast_in_dim3A_128 = vector.broadcast %broadcast_in_dim3A : f32 to vector<16xf32>
    %broadcast_in_dim3A_129 = arith.constant 1.000000e+00 : f32
    %broadcast_in_dim3A_130 = vector.broadcast %broadcast_in_dim3A_129 : f32 to vector<16xf32>
    %swap3A = arith.constant 0 : index
    %swap3A_131 = tpu.vector_load %arg33[%swap3A] {strides = array<i32>} : memref<40xf32, #tpu.memory_space<vmem>>, vector<16xf32>,
    %swap3A_132 = vector.shape_cast %swap3A_131 : vector<16xf32> to vector<16xf32>
    %swap3A_133 = vector.shape_cast %broadcast_in_dim3A_130 : vector<16xf32> to vector<16xf32>
    tpu.vector_store %arg33[%swap3A], %swap3A_133 {strides = array<i32>} : memref<40xf32, #tpu.memory_space<vmem>>, vector<16xf32>,
    %swap3A_134 = arith.constant 16 : index
    %swap3A_135 = tpu.vector_load %arg33[%swap3A_134] {strides = array<i32>} : memref<40xf32, #tpu.memory_space<vmem>>, vector<16xf32>,
    %swap3A_136 = vector.shape_cast %swap3A_135 : vector<16xf32> to vector<16xf32>
    %swap3A_137 = vector.shape_cast %broadcast_in_dim3A_130 : vector<16xf32> to vector<16xf32>
    tpu.vector_store %arg33[%swap3A_134], %swap3A_137 {strides = array<i32>} : memref<40xf32, #tpu.memory_space<vmem>>, vector<16xf32>,
    %swap3A_138 = arith.constant 24 : index
    %swap3A_139 = tpu.vector_load %arg33[%swap3A_138] {strides = array<i32>} : memref<40xf32, #tpu.memory_space<vmem>>, vector<16xf32>,
    %swap3A_140 = vector.shape_cast %swap3A_139 : vector<16xf32> to vector<16xf32>
    %swap3A_141 = vector.shape_cast %broadcast_in_dim3A_130 : vector<16xf32> to vector<16xf32>
    tpu.vector_store %arg33[%swap3A_138], %swap3A_141 {strides = array<i32>} : memref<40xf32, #tpu.memory_space<vmem>>, vector<16xf32>,
    %scan3A = arith.constant 0 : i32
    %scan3A_142 = arith.constant 0 : i32
    %scan3A_143 = arith.constant 40 : i32
    %scan3A_144 = arith.addi %scan3A_142, %scan3A_143 : i32
    %scan3A_145 = arith.constant 1 : i32
    %scan3A_146 = scf.for %scan3A_377 = %scan3A_142 to %scan3A_144 step %scan3A_145 iter_args(%scan3A_378 = %scan3A) -> (i32)  : i32 {
      %scan3A_379 = arith.constant 0 : i32
      %scan3A_380 = arith.constant 0 : i32
      %scan3A_381 = arith.constant 8 : i32
      %scan3A_382 = arith.addi %scan3A_380, %scan3A_381 : i32
      %scan3A_383 = arith.constant 1 : i32
      %scan3A_384 = scf.for %scan3A_386 = %scan3A_380 to %scan3A_382 step %scan3A_383 iter_args(%scan3A_387 = %scan3A_379) -> (i32)  : i32 {
        %mul3A_388 = arith.constant 16 : i32
        %mul3A_389 = arith.muli %scan3A_386, %mul3A_388 : i32
        %swap3A_390 = arith.index_cast %scan3A_377 : i32 to index
        %swap3A_391 = arith.index_cast %mul3A_389 : i32 to index
        %swap3A_392 = tpu.vector_load %arg28[%swap3A_390, %swap3A_391] {strides = array<i32>} : memref<40x128xf32, #tpu.memory_space<vmem>>, vector<1x16xf32>,
        %swap3A_393 = vector.shape_cast %swap3A_392 : vector<1x16xf32> to vector<16xf32>
        %swap3A_394 = vector.shape_cast %broadcast_in_dim3A_128 : vector<16xf32> to vector<1x16xf32>
        tpu.vector_store %arg28[%swap3A_390, %swap3A_391], %swap3A_394 {strides = array<i32>} : memref<40x128xf32, #tpu.memory_space<vmem>>, vector<1x16xf32>,
        %scan3A_395 = arith.constant 0 : i32
        scf.yield %scan3A_395 : i32
      }
      %scan3A_385 = arith.constant 8 : i32
      scf.yield %scan3A_384 : i32
    }
    %scan3A_147 = arith.constant 40 : i32
    %scan3A_148 = arith.constant 0 : i32
    %scan3A_149 = arith.constant 0 : i32
    %scan3A_150 = arith.constant 125 : i32
    %scan3A_151 = arith.addi %scan3A_149, %scan3A_150 : i32
    %scan3A_152 = arith.constant 1 : i32
    %scan3A_153 = scf.for %scan3A_377 = %scan3A_149 to %scan3A_151 step %scan3A_152 iter_args(%scan3A_378 = %scan3A_148) -> (i32)  : i32 {
      %mul3A_379 = arith.constant 16 : i32
      %mul3A_380 = arith.muli %scan3A_377, %mul3A_379 : i32
      %swap3A_381 = arith.index_cast %mul3A_380 : i32 to index
      %swap3A_382 = tpu.vector_load %arg34[%swap3A_381] {strides = array<i32>} : memref<2000xf32, #tpu.memory_space<vmem>>, vector<16xf32>,
      %swap3A_383 = vector.shape_cast %swap3A_382 : vector<16xf32> to vector<16xf32>
      %swap3A_384 = vector.shape_cast %broadcast_in_dim3A_128 : vector<16xf32> to vector<16xf32>
      tpu.vector_store %arg34[%swap3A_381], %swap3A_384 {strides = array<i32>} : memref<2000xf32, #tpu.memory_space<vmem>>, vector<16xf32>,
      %scan3A_385 = arith.constant 0 : i32
      scf.yield %scan3A_385 : i32
    }
    %scan3A_154 = arith.constant 125 : i32
    %scan3A_155 = arith.constant 0 : i32
    %scan3A_156 = arith.constant 0 : i32
    %scan3A_157 = arith.constant 16 : i32
    %scan3A_158 = arith.addi %scan3A_156, %scan3A_157 : i32
    %scan3A_159 = arith.constant 1 : i32
    %scan3A_160 = scf.for %scan3A_377 = %scan3A_156 to %scan3A_158 step %scan3A_159 iter_args(%scan3A_378 = %scan3A_155) -> (i32)  : i32 {
      %mul3A_379 = arith.constant 16 : i32
      %mul3A_380 = arith.muli %scan3A_377, %mul3A_379 : i32
      %add3A_381 = arith.addi %arg1, %mul3A_380 : i32
      %lt3A = arith.constant 250 : i32
      %lt3A_382 = arith.cmpi slt, %add3A_381, %lt3A : i32
      %convert_element_type3A_383 = arith.extui %lt3A_382 : i1 to i32
      %cond3A_384 = arith.constant 0 : i32
      %cond3A_385 = arith.cmpi ne, %convert_element_type3A_383, %cond3A_384 : i32
      scf.if %cond3A_385 {
        %mul3A_387 = arith.constant 40 : i32
        %mul3A_388 = arith.muli %add3A_381, %mul3A_387 : i32
        %dma_start3A_389 = arith.constant 0 : i32
        %dma_start3A_390 = arith.constant 0 : i32
        %dma_start3A_391 = tpu.memref_slice %arg35[%mul3A_388, %dma_start3A_390] : memref<10000x128xf32, #tpu.memory_space<vmem_shared>> -> memref<40x128xf32, #tpu.memory_space<vmem_shared>>
        %dma_start3A_392 = tpu.memref_slice %arg39[%dma_start3A_389] : memref<5x!tpu.dma_semaphore, #tpu.memory_space<semaphore_mem>> -> memref<1x!tpu.dma_semaphore, #tpu.memory_space<semaphore_mem>>
        %dma_start3A_393 = tpu.memref_squeeze %dma_start3A_392 : memref<1x!tpu.dma_semaphore, #tpu.memory_space<semaphore_mem>> -> memref<!tpu.dma_semaphore, #tpu.memory_space<semaphore_mem>>
        %dma_start3A_394 = arith.constant 0 : i32
        %dma_start3A_395 = tpu.memref_slice %arg35[%mul3A_388, %dma_start3A_394] : memref<10000x128xf32, #tpu.memory_space<vmem_shared>> -> memref<40x128xf32, #tpu.memory_space<vmem_shared>>
        tpu.enqueue_dma source(%arg28 : memref<40x128xf32, #tpu.memory_space<vmem>>) target(%dma_start3A_395 : memref<40x128xf32, #tpu.memory_space<vmem_shared>>) target_semaphore(%dma_start3A_393 : memref<!tpu.dma_semaphore, #tpu.memory_space<semaphore_mem>>)
      } else {
      }
      %scan3A_386 = arith.constant 0 : i32
      scf.yield %scan3A_386 : i32
    }
    %scan3A_161 = arith.constant 16 : i32
    %eq3A = arith.constant 0 : i32
    %eq3A_162 = arith.cmpi eq, %arg1, %eq3A : i32
    %convert_element_type3A = arith.extui %eq3A_162 : i1 to i32
    %cond3A = arith.constant 0 : i32
    %cond3A_163 = arith.cmpi ne, %convert_element_type3A, %cond3A : i32
    scf.if %cond3A_163 {
      %dma_start3A_377 = arith.constant 1 : i32
      %dma_start3A_378 = arith.constant 0 : i32
      %dma_start3A_379 = tpu.memref_slice %arg36[%dma_start3A_378] : memref<10000xf32, #tpu.memory_space<vmem_shared>> -> memref<2000xf32, #tpu.memory_space<vmem_shared>>
      %dma_start3A_380 = tpu.memref_slice %arg39[%dma_start3A_377] : memref<5x!tpu.dma_semaphore, #tpu.memory_space<semaphore_mem>> -> memref<1x!tpu.dma_semaphore, #tpu.memory_space<semaphore_mem>>
      %dma_start3A_381 = tpu.memref_squeeze %dma_start3A_380 : memref<1x!tpu.dma_semaphore, #tpu.memory_space<semaphore_mem>> -> memref<!tpu.dma_semaphore, #tpu.memory_space<semaphore_mem>>
      %dma_start3A_382 = arith.constant 0 : i32
      %dma_start3A_383 = tpu.memref_slice %arg36[%dma_start3A_382] : memref<10000xf32, #tpu.memory_space<vmem_shared>> -> memref<2000xf32, #tpu.memory_space<vmem_shared>>
      tpu.enqueue_dma source(%arg34 : memref<2000xf32, #tpu.memory_space<vmem>>) target(%dma_start3A_383 : memref<2000xf32, #tpu.memory_space<vmem_shared>>) target_semaphore(%dma_start3A_381 : memref<!tpu.dma_semaphore, #tpu.memory_space<semaphore_mem>>)
      %dma_start3A_384 = arith.constant 1 : i32
      %dma_start3A_385 = arith.constant 2000 : i32
      %dma_start3A_386 = tpu.memref_slice %arg36[%dma_start3A_385] : memref<10000xf32, #tpu.memory_space<vmem_shared>> -> memref<2000xf32, #tpu.memory_space<vmem_shared>>
      %dma_start3A_387 = tpu.memref_slice %arg39[%dma_start3A_384] : memref<5x!tpu.dma_semaphore, #tpu.memory_space<semaphore_mem>> -> memref<1x!tpu.dma_semaphore, #tpu.memory_space<semaphore_mem>>
      %dma_start3A_388 = tpu.memref_squeeze %dma_start3A_387 : memref<1x!tpu.dma_semaphore, #tpu.memory_space<semaphore_mem>> -> memref<!tpu.dma_semaphore, #tpu.memory_space<semaphore_mem>>
      %dma_start3A_389 = arith.constant 2000 : i32
      %dma_start3A_390 = tpu.memref_slice %arg36[%dma_start3A_389] : memref<10000xf32, #tpu.memory_space<vmem_shared>> -> memref<2000xf32, #tpu.memory_space<vmem_shared>>
      tpu.enqueue_dma source(%arg34 : memref<2000xf32, #tpu.memory_space<vmem>>) target(%dma_start3A_390 : memref<2000xf32, #tpu.memory_space<vmem_shared>>) target_semaphore(%dma_start3A_388 : memref<!tpu.dma_semaphore, #tpu.memory_space<semaphore_mem>>)
      %dma_start3A_391 = arith.constant 1 : i32
      %dma_start3A_392 = arith.constant 4000 : i32
      %dma_start3A_393 = tpu.memref_slice %arg36[%dma_start3A_392] : memref<10000xf32, #tpu.memory_space<vmem_shared>> -> memref<2000xf32, #tpu.memory_space<vmem_shared>>
      %dma_start3A_394 = tpu.memref_slice %arg39[%dma_start3A_391] : memref<5x!tpu.dma_semaphore, #tpu.memory_space<semaphore_mem>> -> memref<1x!tpu.dma_semaphore, #tpu.memory_space<semaphore_mem>>
      %dma_start3A_395 = tpu.memref_squeeze %dma_start3A_394 : memref<1x!tpu.dma_semaphore, #tpu.memory_space<semaphore_mem>> -> memref<!tpu.dma_semaphore, #tpu.memory_space<semaphore_mem>>
      %dma_start3A_396 = arith.constant 4000 : i32
      %dma_start3A_397 = tpu.memref_slice %arg36[%dma_start3A_396] : memref<10000xf32, #tpu.memory_space<vmem_shared>> -> memref<2000xf32, #tpu.memory_space<vmem_shared>>
      tpu.enqueue_dma source(%arg34 : memref<2000xf32, #tpu.memory_space<vmem>>) target(%dma_start3A_397 : memref<2000xf32, #tpu.memory_space<vmem_shared>>) target_semaphore(%dma_start3A_395 : memref<!tpu.dma_semaphore, #tpu.memory_space<semaphore_mem>>)
      %dma_start3A_398 = arith.constant 1 : i32
      %dma_start3A_399 = arith.constant 6000 : i32
      %dma_start3A_400 = tpu.memref_slice %arg36[%dma_start3A_399] : memref<10000xf32, #tpu.memory_space<vmem_shared>> -> memref<2000xf32, #tpu.memory_space<vmem_shared>>
      %dma_start3A_401 = tpu.memref_slice %arg39[%dma_start3A_398] : memref<5x!tpu.dma_semaphore, #tpu.memory_space<semaphore_mem>> -> memref<1x!tpu.dma_semaphore, #tpu.memory_space<semaphore_mem>>
      %dma_start3A_402 = tpu.memref_squeeze %dma_start3A_401 : memref<1x!tpu.dma_semaphore, #tpu.memory_space<semaphore_mem>> -> memref<!tpu.dma_semaphore, #tpu.memory_space<semaphore_mem>>
      %dma_start3A_403 = arith.constant 6000 : i32
      %dma_start3A_404 = tpu.memref_slice %arg36[%dma_start3A_403] : memref<10000xf32, #tpu.memory_space<vmem_shared>> -> memref<2000xf32, #tpu.memory_space<vmem_shared>>
      tpu.enqueue_dma source(%arg34 : memref<2000xf32, #tpu.memory_space<vmem>>) target(%dma_start3A_404 : memref<2000xf32, #tpu.memory_space<vmem_shared>>) target_semaphore(%dma_start3A_402 : memref<!tpu.dma_semaphore, #tpu.memory_space<semaphore_mem>>)
      %dma_start3A_405 = arith.constant 1 : i32
      %dma_start3A_406 = arith.constant 8000 : i32
      %dma_start3A_407 = tpu.memref_slice %arg36[%dma_start3A_406] : memref<10000xf32, #tpu.memory_space<vmem_shared>> -> memref<2000xf32, #tpu.memory_space<vmem_shared>>
      %dma_start3A_408 = tpu.memref_slice %arg39[%dma_start3A_405] : memref<5x!tpu.dma_semaphore, #tpu.memory_space<semaphore_mem>> -> memref<1x!tpu.dma_semaphore, #tpu.memory_space<semaphore_mem>>
      %dma_start3A_409 = tpu.memref_squeeze %dma_start3A_408 : memref<1x!tpu.dma_semaphore, #tpu.memory_space<semaphore_mem>> -> memref<!tpu.dma_semaphore, #tpu.memory_space<semaphore_mem>>
      %dma_start3A_410 = arith.constant 8000 : i32
      %dma_start3A_411 = tpu.memref_slice %arg36[%dma_start3A_410] : memref<10000xf32, #tpu.memory_space<vmem_shared>> -> memref<2000xf32, #tpu.memory_space<vmem_shared>>
      tpu.enqueue_dma source(%arg34 : memref<2000xf32, #tpu.memory_space<vmem>>) target(%dma_start3A_411 : memref<2000xf32, #tpu.memory_space<vmem_shared>>) target_semaphore(%dma_start3A_409 : memref<!tpu.dma_semaphore, #tpu.memory_space<semaphore_mem>>)
      %dma_wait3A_412 = arith.constant 1 : i32
      %dma_wait3A_413 = arith.constant 0 : i32
      %dma_wait3A_414 = tpu.memref_slice %arg36[%dma_wait3A_413] : memref<10000xf32, #tpu.memory_space<vmem_shared>> -> memref<2000xf32, #tpu.memory_space<vmem_shared>>
      %dma_wait3A_415 = tpu.memref_slice %arg39[%dma_wait3A_412] : memref<5x!tpu.dma_semaphore, #tpu.memory_space<semaphore_mem>> -> memref<1x!tpu.dma_semaphore, #tpu.memory_space<semaphore_mem>>
      %dma_wait3A_416 = tpu.memref_squeeze %dma_wait3A_415 : memref<1x!tpu.dma_semaphore, #tpu.memory_space<semaphore_mem>> -> memref<!tpu.dma_semaphore, #tpu.memory_space<semaphore_mem>>
      %dma_wait3A_417 = arith.constant 0 : i32
      %dma_wait3A_418 = tpu.memref_slice %arg36[%dma_wait3A_417] : memref<10000xf32, #tpu.memory_space<vmem_shared>> -> memref<2000xf32, #tpu.memory_space<vmem_shared>>
      tpu.wait_dma2 semaphore(%dma_wait3A_416 : memref<!tpu.dma_semaphore, #tpu.memory_space<semaphore_mem>>) src(%arg34 : memref<2000xf32, #tpu.memory_space<vmem>>) dst(%dma_wait3A_418 : memref<2000xf32, #tpu.memory_space<vmem_shared>>)
      %dma_wait3A_419 = arith.constant 1 : i32
      %dma_wait3A_420 = arith.constant 0 : i32
      %dma_wait3A_421 = tpu.memref_slice %arg36[%dma_wait3A_420] : memref<10000xf32, #tpu.memory_space<vmem_shared>> -> memref<2000xf32, #tpu.memory_space<vmem_shared>>
      %dma_wait3A_422 = tpu.memref_slice %arg39[%dma_wait3A_419] : memref<5x!tpu.dma_semaphore, #tpu.memory_space<semaphore_mem>> -> memref<1x!tpu.dma_semaphore, #tpu.memory_space<semaphore_mem>>
      %dma_wait3A_423 = tpu.memref_squeeze %dma_wait3A_422 : memref<1x!tpu.dma_semaphore, #tpu.memory_space<semaphore_mem>> -> memref<!tpu.dma_semaphore, #tpu.memory_space<semaphore_mem>>
      %dma_wait3A_424 = arith.constant 0 : i32
      %dma_wait3A_425 = tpu.memref_slice %arg36[%dma_wait3A_424] : memref<10000xf32, #tpu.memory_space<vmem_shared>> -> memref<2000xf32, #tpu.memory_space<vmem_shared>>
      tpu.wait_dma2 semaphore(%dma_wait3A_423 : memref<!tpu.dma_semaphore, #tpu.memory_space<semaphore_mem>>) src(%arg34 : memref<2000xf32, #tpu.memory_space<vmem>>) dst(%dma_wait3A_425 : memref<2000xf32, #tpu.memory_space<vmem_shared>>)
      %dma_wait3A_426 = arith.constant 1 : i32
      %dma_wait3A_427 = arith.constant 0 : i32
      %dma_wait3A_428 = tpu.memref_slice %arg36[%dma_wait3A_427] : memref<10000xf32, #tpu.memory_space<vmem_shared>> -> memref<2000xf32, #tpu.memory_space<vmem_shared>>
      %dma_wait3A_429 = tpu.memref_slice %arg39[%dma_wait3A_426] : memref<5x!tpu.dma_semaphore, #tpu.memory_space<semaphore_mem>> -> memref<1x!tpu.dma_semaphore, #tpu.memory_space<semaphore_mem>>
      %dma_wait3A_430 = tpu.memref_squeeze %dma_wait3A_429 : memref<1x!tpu.dma_semaphore, #tpu.memory_space<semaphore_mem>> -> memref<!tpu.dma_semaphore, #tpu.memory_space<semaphore_mem>>
      %dma_wait3A_431 = arith.constant 0 : i32
      %dma_wait3A_432 = tpu.memref_slice %arg36[%dma_wait3A_431] : memref<10000xf32, #tpu.memory_space<vmem_shared>> -> memref<2000xf32, #tpu.memory_space<vmem_shared>>
      tpu.wait_dma2 semaphore(%dma_wait3A_430 : memref<!tpu.dma_semaphore, #tpu.memory_space<semaphore_mem>>) src(%arg34 : memref<2000xf32, #tpu.memory_space<vmem>>) dst(%dma_wait3A_432 : memref<2000xf32, #tpu.memory_space<vmem_shared>>)
      %dma_wait3A_433 = arith.constant 1 : i32
      %dma_wait3A_434 = arith.constant 0 : i32
      %dma_wait3A_435 = tpu.memref_slice %arg36[%dma_wait3A_434] : memref<10000xf32, #tpu.memory_space<vmem_shared>> -> memref<2000xf32, #tpu.memory_space<vmem_shared>>
      %dma_wait3A_436 = tpu.memref_slice %arg39[%dma_wait3A_433] : memref<5x!tpu.dma_semaphore, #tpu.memory_space<semaphore_mem>> -> memref<1x!tpu.dma_semaphore, #tpu.memory_space<semaphore_mem>>
      %dma_wait3A_437 = tpu.memref_squeeze %dma_wait3A_436 : memref<1x!tpu.dma_semaphore, #tpu.memory_space<semaphore_mem>> -> memref<!tpu.dma_semaphore, #tpu.memory_space<semaphore_mem>>
      %dma_wait3A_438 = arith.constant 0 : i32
      %dma_wait3A_439 = tpu.memref_slice %arg36[%dma_wait3A_438] : memref<10000xf32, #tpu.memory_space<vmem_shared>> -> memref<2000xf32, #tpu.memory_space<vmem_shared>>
      tpu.wait_dma2 semaphore(%dma_wait3A_437 : memref<!tpu.dma_semaphore, #tpu.memory_space<semaphore_mem>>) src(%arg34 : memref<2000xf32, #tpu.memory_space<vmem>>) dst(%dma_wait3A_439 : memref<2000xf32, #tpu.memory_space<vmem_shared>>)
      %dma_wait3A_440 = arith.constant 1 : i32
      %dma_wait3A_441 = arith.constant 0 : i32
      %dma_wait3A_442 = tpu.memref_slice %arg36[%dma_wait3A_441] : memref<10000xf32, #tpu.memory_space<vmem_shared>> -> memref<2000xf32, #tpu.memory_space<vmem_shared>>
      %dma_wait3A_443 = tpu.memref_slice %arg39[%dma_wait3A_440] : memref<5x!tpu.dma_semaphore, #tpu.memory_space<semaphore_mem>> -> memref<1x!tpu.dma_semaphore, #tpu.memory_space<semaphore_mem>>
      %dma_wait3A_444 = tpu.memref_squeeze %dma_wait3A_443 : memref<1x!tpu.dma_semaphore, #tpu.memory_space<semaphore_mem>> -> memref<!tpu.dma_semaphore, #tpu.memory_space<semaphore_mem>>
      %dma_wait3A_445 = arith.constant 0 : i32
      %dma_wait3A_446 = tpu.memref_slice %arg36[%dma_wait3A_445] : memref<10000xf32, #tpu.memory_space<vmem_shared>> -> memref<2000xf32, #tpu.memory_space<vmem_shared>>
      tpu.wait_dma2 semaphore(%dma_wait3A_444 : memref<!tpu.dma_semaphore, #tpu.memory_space<semaphore_mem>>) src(%arg34 : memref<2000xf32, #tpu.memory_space<vmem>>) dst(%dma_wait3A_446 : memref<2000xf32, #tpu.memory_space<vmem_shared>>)
    } else {
    }
    %dma_wait3A = arith.constant 1 : i32
    %dma_wait3A_164 = arith.constant 0 : i32
    %dma_wait3A_165 = tpu.memref_slice %arg3[%dma_wait3A_164] : memref<320000xi32, #tpu.memory_space<hbm>> -> memref<40xi32, #tpu.memory_space<hbm>>
    %dma_wait3A_166 = tpu.memref_slice %arg37[%dma_wait3A] : memref<10x!tpu.dma_semaphore, #tpu.memory_space<semaphore_mem>> -> memref<1x!tpu.dma_semaphore, #tpu.memory_space<semaphore_mem>>
    %dma_wait3A_167 = tpu.memref_squeeze %dma_wait3A_166 : memref<1x!tpu.dma_semaphore, #tpu.memory_space<semaphore_mem>> -> memref<!tpu.dma_semaphore, #tpu.memory_space<semaphore_mem>>
    %dma_wait3A_168 = arith.constant 0 : i32
    %dma_wait3A_169 = tpu.memref_slice %arg3[%dma_wait3A_168] : memref<320000xi32, #tpu.memory_space<hbm>> -> memref<40xi32, #tpu.memory_space<hbm>>
    tpu.wait_dma2 semaphore(%dma_wait3A_167 : memref<!tpu.dma_semaphore, #tpu.memory_space<semaphore_mem>>) src(%dma_wait3A_169 : memref<40xi32, #tpu.memory_space<hbm>>) dst(%arg9 : memref<40xi32, #tpu.memory_space<vmem>>)
    %dma_wait3A_170 = arith.constant 1 : i32
    %dma_wait3A_171 = arith.constant 0 : i32
    %dma_wait3A_172 = tpu.memref_slice %arg4[%dma_wait3A_171] : memref<320000xi32, #tpu.memory_space<hbm>> -> memref<40xi32, #tpu.memory_space<hbm>>
    %dma_wait3A_173 = tpu.memref_slice %arg37[%dma_wait3A_170] : memref<10x!tpu.dma_semaphore, #tpu.memory_space<semaphore_mem>> -> memref<1x!tpu.dma_semaphore, #tpu.memory_space<semaphore_mem>>
    %dma_wait3A_174 = tpu.memref_squeeze %dma_wait3A_173 : memref<1x!tpu.dma_semaphore, #tpu.memory_space<semaphore_mem>> -> memref<!tpu.dma_semaphore, #tpu.memory_space<semaphore_mem>>
    %dma_wait3A_175 = arith.constant 0 : i32
    %dma_wait3A_176 = tpu.memref_slice %arg4[%dma_wait3A_175] : memref<320000xi32, #tpu.memory_space<hbm>> -> memref<40xi32, #tpu.memory_space<hbm>>
    tpu.wait_dma2 semaphore(%dma_wait3A_174 : memref<!tpu.dma_semaphore, #tpu.memory_space<semaphore_mem>>) src(%dma_wait3A_176 : memref<40xi32, #tpu.memory_space<hbm>>) dst(%arg19 : memref<40xi32, #tpu.memory_space<vmem>>)
    %dma_start3A_177 = arith.constant 1 : i32
    %dma_start3A_178 = arith.constant 0 : i32
    %dma_start3A_179 = arith.constant 0 : i32
    %dma_start3A_180 = tpu.memref_slice %arg2[%dma_start3A_178, %dma_start3A_179] : memref<10000x128xf32, #tpu.memory_space<hbm>> -> memref<10000x128xf32, #tpu.memory_space<hbm>>
    %dma_start3A_181 = tpu.memref_slice %arg38[%dma_start3A_177] : memref<5x!tpu.dma_semaphore, #tpu.memory_space<semaphore_mem>> -> memref<1x!tpu.dma_semaphore, #tpu.memory_space<semaphore_mem>>
    %dma_start3A_182 = tpu.memref_squeeze %dma_start3A_181 : memref<1x!tpu.dma_semaphore, #tpu.memory_space<semaphore_mem>> -> memref<!tpu.dma_semaphore, #tpu.memory_space<semaphore_mem>>
    tpu.enqueue_indirect_dma source(%dma_start3A_180 : memref<10000x128xf32, #tpu.memory_space<hbm>>) target(%arg29 : memref<40x128xf32, #tpu.memory_space<vmem>>) offsets(%arg9 : memref<40xi32, #tpu.memory_space<vmem>>) semaphore(%dma_start3A_182 : memref<!tpu.dma_semaphore, #tpu.memory_space<semaphore_mem>>)
    %dma_wait3A_183 = arith.constant 2 : i32
    %dma_wait3A_184 = arith.constant 0 : i32
    %dma_wait3A_185 = tpu.memref_slice %arg3[%dma_wait3A_184] : memref<320000xi32, #tpu.memory_space<hbm>> -> memref<40xi32, #tpu.memory_space<hbm>>
    %dma_wait3A_186 = tpu.memref_slice %arg37[%dma_wait3A_183] : memref<10x!tpu.dma_semaphore, #tpu.memory_space<semaphore_mem>> -> memref<1x!tpu.dma_semaphore, #tpu.memory_space<semaphore_mem>>
    %dma_wait3A_187 = tpu.memref_squeeze %dma_wait3A_186 : memref<1x!tpu.dma_semaphore, #tpu.memory_space<semaphore_mem>> -> memref<!tpu.dma_semaphore, #tpu.memory_space<semaphore_mem>>
    %dma_wait3A_188 = arith.constant 0 : i32
    %dma_wait3A_189 = tpu.memref_slice %arg3[%dma_wait3A_188] : memref<320000xi32, #tpu.memory_space<hbm>> -> memref<40xi32, #tpu.memory_space<hbm>>
    tpu.wait_dma2 semaphore(%dma_wait3A_187 : memref<!tpu.dma_semaphore, #tpu.memory_space<semaphore_mem>>) src(%dma_wait3A_189 : memref<40xi32, #tpu.memory_space<hbm>>) dst(%arg10 : memref<40xi32, #tpu.memory_space<vmem>>)
    %dma_wait3A_190 = arith.constant 2 : i32
    %dma_wait3A_191 = arith.constant 0 : i32
    %dma_wait3A_192 = tpu.memref_slice %arg4[%dma_wait3A_191] : memref<320000xi32, #tpu.memory_space<hbm>> -> memref<40xi32, #tpu.memory_space<hbm>>
    %dma_wait3A_193 = tpu.memref_slice %arg37[%dma_wait3A_190] : memref<10x!tpu.dma_semaphore, #tpu.memory_space<semaphore_mem>> -> memref<1x!tpu.dma_semaphore, #tpu.memory_space<semaphore_mem>>
    %dma_wait3A_194 = tpu.memref_squeeze %dma_wait3A_193 : memref<1x!tpu.dma_semaphore, #tpu.memory_space<semaphore_mem>> -> memref<!tpu.dma_semaphore, #tpu.memory_space<semaphore_mem>>
    %dma_wait3A_195 = arith.constant 0 : i32
    %dma_wait3A_196 = tpu.memref_slice %arg4[%dma_wait3A_195] : memref<320000xi32, #tpu.memory_space<hbm>> -> memref<40xi32, #tpu.memory_space<hbm>>
    tpu.wait_dma2 semaphore(%dma_wait3A_194 : memref<!tpu.dma_semaphore, #tpu.memory_space<semaphore_mem>>) src(%dma_wait3A_196 : memref<40xi32, #tpu.memory_space<hbm>>) dst(%arg20 : memref<40xi32, #tpu.memory_space<vmem>>)
    %dma_start3A_197 = arith.constant 2 : i32
    %dma_start3A_198 = arith.constant 0 : i32
    %dma_start3A_199 = arith.constant 0 : i32
    %dma_start3A_200 = tpu.memref_slice %arg2[%dma_start3A_198, %dma_start3A_199] : memref<10000x128xf32, #tpu.memory_space<hbm>> -> memref<10000x128xf32, #tpu.memory_space<hbm>>
    %dma_start3A_201 = tpu.memref_slice %arg38[%dma_start3A_197] : memref<5x!tpu.dma_semaphore, #tpu.memory_space<semaphore_mem>> -> memref<1x!tpu.dma_semaphore, #tpu.memory_space<semaphore_mem>>
    %dma_start3A_202 = tpu.memref_squeeze %dma_start3A_201 : memref<1x!tpu.dma_semaphore, #tpu.memory_space<semaphore_mem>> -> memref<!tpu.dma_semaphore, #tpu.memory_space<semaphore_mem>>
    tpu.enqueue_indirect_dma source(%dma_start3A_200 : memref<10000x128xf32, #tpu.memory_space<hbm>>) target(%arg30 : memref<40x128xf32, #tpu.memory_space<vmem>>) offsets(%arg10 : memref<40xi32, #tpu.memory_space<vmem>>) semaphore(%dma_start3A_202 : memref<!tpu.dma_semaphore, #tpu.memory_space<semaphore_mem>>)
    %dma_wait3A_203 = arith.constant 3 : i32
    %dma_wait3A_204 = arith.constant 0 : i32
    %dma_wait3A_205 = tpu.memref_slice %arg3[%dma_wait3A_204] : memref<320000xi32, #tpu.memory_space<hbm>> -> memref<40xi32, #tpu.memory_space<hbm>>
    %dma_wait3A_206 = tpu.memref_slice %arg37[%dma_wait3A_203] : memref<10x!tpu.dma_semaphore, #tpu.memory_space<semaphore_mem>> -> memref<1x!tpu.dma_semaphore, #tpu.memory_space<semaphore_mem>>
    %dma_wait3A_207 = tpu.memref_squeeze %dma_wait3A_206 : memref<1x!tpu.dma_semaphore, #tpu.memory_space<semaphore_mem>> -> memref<!tpu.dma_semaphore, #tpu.memory_space<semaphore_mem>>
    %dma_wait3A_208 = arith.constant 0 : i32
    %dma_wait3A_209 = tpu.memref_slice %arg3[%dma_wait3A_208] : memref<320000xi32, #tpu.memory_space<hbm>> -> memref<40xi32, #tpu.memory_space<hbm>>
    tpu.wait_dma2 semaphore(%dma_wait3A_207 : memref<!tpu.dma_semaphore, #tpu.memory_space<semaphore_mem>>) src(%dma_wait3A_209 : memref<40xi32, #tpu.memory_space<hbm>>) dst(%arg11 : memref<40xi32, #tpu.memory_space<vmem>>)
    %dma_wait3A_210 = arith.constant 3 : i32
    %dma_wait3A_211 = arith.constant 0 : i32
    %dma_wait3A_212 = tpu.memref_slice %arg4[%dma_wait3A_211] : memref<320000xi32, #tpu.memory_space<hbm>> -> memref<40xi32, #tpu.memory_space<hbm>>
    %dma_wait3A_213 = tpu.memref_slice %arg37[%dma_wait3A_210] : memref<10x!tpu.dma_semaphore, #tpu.memory_space<semaphore_mem>> -> memref<1x!tpu.dma_semaphore, #tpu.memory_space<semaphore_mem>>
    %dma_wait3A_214 = tpu.memref_squeeze %dma_wait3A_213 : memref<1x!tpu.dma_semaphore, #tpu.memory_space<semaphore_mem>> -> memref<!tpu.dma_semaphore, #tpu.memory_space<semaphore_mem>>
    %dma_wait3A_215 = arith.constant 0 : i32
    %dma_wait3A_216 = tpu.memref_slice %arg4[%dma_wait3A_215] : memref<320000xi32, #tpu.memory_space<hbm>> -> memref<40xi32, #tpu.memory_space<hbm>>
    tpu.wait_dma2 semaphore(%dma_wait3A_214 : memref<!tpu.dma_semaphore, #tpu.memory_space<semaphore_mem>>) src(%dma_wait3A_216 : memref<40xi32, #tpu.memory_space<hbm>>) dst(%arg21 : memref<40xi32, #tpu.memory_space<vmem>>)
    %dma_start3A_217 = arith.constant 3 : i32
    %dma_start3A_218 = arith.constant 0 : i32
    %dma_start3A_219 = arith.constant 0 : i32
    %dma_start3A_220 = tpu.memref_slice %arg2[%dma_start3A_218, %dma_start3A_219] : memref<10000x128xf32, #tpu.memory_space<hbm>> -> memref<10000x128xf32, #tpu.memory_space<hbm>>
    %dma_start3A_221 = tpu.memref_slice %arg38[%dma_start3A_217] : memref<5x!tpu.dma_semaphore, #tpu.memory_space<semaphore_mem>> -> memref<1x!tpu.dma_semaphore, #tpu.memory_space<semaphore_mem>>
    %dma_start3A_222 = tpu.memref_squeeze %dma_start3A_221 : memref<1x!tpu.dma_semaphore, #tpu.memory_space<semaphore_mem>> -> memref<!tpu.dma_semaphore, #tpu.memory_space<semaphore_mem>>
    tpu.enqueue_indirect_dma source(%dma_start3A_220 : memref<10000x128xf32, #tpu.memory_space<hbm>>) target(%arg31 : memref<40x128xf32, #tpu.memory_space<vmem>>) offsets(%arg11 : memref<40xi32, #tpu.memory_space<vmem>>) semaphore(%dma_start3A_222 : memref<!tpu.dma_semaphore, #tpu.memory_space<semaphore_mem>>)
    %dma_wait3A_223 = arith.constant 4 : i32
    %dma_wait3A_224 = arith.constant 0 : i32
    %dma_wait3A_225 = tpu.memref_slice %arg3[%dma_wait3A_224] : memref<320000xi32, #tpu.memory_space<hbm>> -> memref<40xi32, #tpu.memory_space<hbm>>
    %dma_wait3A_226 = tpu.memref_slice %arg37[%dma_wait3A_223] : memref<10x!tpu.dma_semaphore, #tpu.memory_space<semaphore_mem>> -> memref<1x!tpu.dma_semaphore, #tpu.memory_space<semaphore_mem>>
    %dma_wait3A_227 = tpu.memref_squeeze %dma_wait3A_226 : memref<1x!tpu.dma_semaphore, #tpu.memory_space<semaphore_mem>> -> memref<!tpu.dma_semaphore, #tpu.memory_space<semaphore_mem>>
    %dma_wait3A_228 = arith.constant 0 : i32
    %dma_wait3A_229 = tpu.memref_slice %arg3[%dma_wait3A_228] : memref<320000xi32, #tpu.memory_space<hbm>> -> memref<40xi32, #tpu.memory_space<hbm>>
    tpu.wait_dma2 semaphore(%dma_wait3A_227 : memref<!tpu.dma_semaphore, #tpu.memory_space<semaphore_mem>>) src(%dma_wait3A_229 : memref<40xi32, #tpu.memory_space<hbm>>) dst(%arg12 : memref<40xi32, #tpu.memory_space<vmem>>)
    %dma_wait3A_230 = arith.constant 4 : i32
    %dma_wait3A_231 = arith.constant 0 : i32
    %dma_wait3A_232 = tpu.memref_slice %arg4[%dma_wait3A_231] : memref<320000xi32, #tpu.memory_space<hbm>> -> memref<40xi32, #tpu.memory_space<hbm>>
    %dma_wait3A_233 = tpu.memref_slice %arg37[%dma_wait3A_230] : memref<10x!tpu.dma_semaphore, #tpu.memory_space<semaphore_mem>> -> memref<1x!tpu.dma_semaphore, #tpu.memory_space<semaphore_mem>>
    %dma_wait3A_234 = tpu.memref_squeeze %dma_wait3A_233 : memref<1x!tpu.dma_semaphore, #tpu.memory_space<semaphore_mem>> -> memref<!tpu.dma_semaphore, #tpu.memory_space<semaphore_mem>>
    %dma_wait3A_235 = arith.constant 0 : i32
    %dma_wait3A_236 = tpu.memref_slice %arg4[%dma_wait3A_235] : memref<320000xi32, #tpu.memory_space<hbm>> -> memref<40xi32, #tpu.memory_space<hbm>>
    tpu.wait_dma2 semaphore(%dma_wait3A_234 : memref<!tpu.dma_semaphore, #tpu.memory_space<semaphore_mem>>) src(%dma_wait3A_236 : memref<40xi32, #tpu.memory_space<hbm>>) dst(%arg22 : memref<40xi32, #tpu.memory_space<vmem>>)
    %dma_start3A_237 = arith.constant 4 : i32
    %dma_start3A_238 = arith.constant 0 : i32
    %dma_start3A_239 = arith.constant 0 : i32
    %dma_start3A_240 = tpu.memref_slice %arg2[%dma_start3A_238, %dma_start3A_239] : memref<10000x128xf32, #tpu.memory_space<hbm>> -> memref<10000x128xf32, #tpu.memory_space<hbm>>
    %dma_start3A_241 = tpu.memref_slice %arg38[%dma_start3A_237] : memref<5x!tpu.dma_semaphore, #tpu.memory_space<semaphore_mem>> -> memref<1x!tpu.dma_semaphore, #tpu.memory_space<semaphore_mem>>
    %dma_start3A_242 = tpu.memref_squeeze %dma_start3A_241 : memref<1x!tpu.dma_semaphore, #tpu.memory_space<semaphore_mem>> -> memref<!tpu.dma_semaphore, #tpu.memory_space<semaphore_mem>>
    tpu.enqueue_indirect_dma source(%dma_start3A_240 : memref<10000x128xf32, #tpu.memory_space<hbm>>) target(%arg32 : memref<40x128xf32, #tpu.memory_space<vmem>>) offsets(%arg12 : memref<40xi32, #tpu.memory_space<vmem>>) semaphore(%dma_start3A_242 : memref<!tpu.dma_semaphore, #tpu.memory_space<semaphore_mem>>)
    %scan3A_243 = arith.constant 0 : i32
    %scan3A_244 = arith.constant 0 : i32
    %scan3A_245 = arith.constant 16 : i32
    %scan3A_246 = arith.addi %scan3A_244, %scan3A_245 : i32
    %scan3A_247 = arith.constant 1 : i32
    %scan3A_248 = scf.for %scan3A_377 = %scan3A_244 to %scan3A_246 step %scan3A_247 iter_args(%scan3A_378 = %scan3A_243) -> (i32)  : i32 {
      %mul3A_379 = arith.constant 16 : i32
      %mul3A_380 = arith.muli %scan3A_377, %mul3A_379 : i32
      %add3A_381 = arith.addi %arg1, %mul3A_380 : i32
      %lt3A = arith.constant 250 : i32
      %lt3A_382 = arith.cmpi slt, %add3A_381, %lt3A : i32
      %convert_element_type3A_383 = arith.extui %lt3A_382 : i1 to i32
      %cond3A_384 = arith.constant 0 : i32
      %cond3A_385 = arith.cmpi ne, %convert_element_type3A_383, %cond3A_384 : i32
      scf.if %cond3A_385 {
        %dma_wait3A_387 = arith.constant 0 : i32
        %dma_wait3A_388 = arith.constant 0 : i32
        %dma_wait3A_389 = arith.constant 0 : i32
        %dma_wait3A_390 = tpu.memref_slice %arg35[%dma_wait3A_388, %dma_wait3A_389] : memref<10000x128xf32, #tpu.memory_space<vmem_shared>> -> memref<40x128xf32, #tpu.memory_space<vmem_shared>>
        %dma_wait3A_391 = tpu.memref_slice %arg39[%dma_wait3A_387] : memref<5x!tpu.dma_semaphore, #tpu.memory_space<semaphore_mem>> -> memref<1x!tpu.dma_semaphore, #tpu.memory_space<semaphore_mem>>
        %dma_wait3A_392 = tpu.memref_squeeze %dma_wait3A_391 : memref<1x!tpu.dma_semaphore, #tpu.memory_space<semaphore_mem>> -> memref<!tpu.dma_semaphore, #tpu.memory_space<semaphore_mem>>
        %dma_wait3A_393 = arith.constant 0 : i32
        %dma_wait3A_394 = arith.constant 0 : i32
        %dma_wait3A_395 = tpu.memref_slice %arg35[%dma_wait3A_393, %dma_wait3A_394] : memref<10000x128xf32, #tpu.memory_space<vmem_shared>> -> memref<40x128xf32, #tpu.memory_space<vmem_shared>>
        tpu.wait_dma2 semaphore(%dma_wait3A_392 : memref<!tpu.dma_semaphore, #tpu.memory_space<semaphore_mem>>) src(%arg28 : memref<40x128xf32, #tpu.memory_space<vmem>>) dst(%dma_wait3A_395 : memref<40x128xf32, #tpu.memory_space<vmem_shared>>)
      } else {
      }
      %scan3A_386 = arith.constant 0 : i32
      scf.yield %scan3A_386 : i32
    }
    %scan3A_249 = arith.constant 16 : i32
    %dma_wait3A_250 = arith.constant 0 : i32
    %dma_wait3A_251 = arith.constant 0 : i32
    %dma_wait3A_252 = tpu.memref_slice %arg3[%dma_wait3A_251] : memref<320000xi32, #tpu.memory_space<hbm>> -> memref<40xi32, #tpu.memory_space<hbm>>
    %dma_wait3A_253 = tpu.memref_slice %arg37[%dma_wait3A_250] : memref<10x!tpu.dma_semaphore, #tpu.memory_space<semaphore_mem>> -> memref<1x!tpu.dma_semaphore, #tpu.memory_space<semaphore_mem>>
    %dma_wait3A_254 = tpu.memref_squeeze %dma_wait3A_253 : memref<1x!tpu.dma_semaphore, #tpu.memory_space<semaphore_mem>> -> memref<!tpu.dma_semaphore, #tpu.memory_space<semaphore_mem>>
    %dma_wait3A_255 = arith.constant 0 : i32
    %dma_wait3A_256 = tpu.memref_slice %arg3[%dma_wait3A_255] : memref<320000xi32, #tpu.memory_space<hbm>> -> memref<40xi32, #tpu.memory_space<hbm>>
    tpu.wait_dma2 semaphore(%dma_wait3A_254 : memref<!tpu.dma_semaphore, #tpu.memory_space<semaphore_mem>>) src(%dma_wait3A_256 : memref<40xi32, #tpu.memory_space<hbm>>) dst(%arg8 : memref<40xi32, #tpu.memory_space<vmem>>)
    %dma_wait3A_257 = arith.constant 0 : i32
    %dma_wait3A_258 = arith.constant 0 : i32
    %dma_wait3A_259 = tpu.memref_slice %arg4[%dma_wait3A_258] : memref<320000xi32, #tpu.memory_space<hbm>> -> memref<40xi32, #tpu.memory_space<hbm>>
    %dma_wait3A_260 = tpu.memref_slice %arg37[%dma_wait3A_257] : memref<10x!tpu.dma_semaphore, #tpu.memory_space<semaphore_mem>> -> memref<1x!tpu.dma_semaphore, #tpu.memory_space<semaphore_mem>>
    %dma_wait3A_261 = tpu.memref_squeeze %dma_wait3A_260 : memref<1x!tpu.dma_semaphore, #tpu.memory_space<semaphore_mem>> -> memref<!tpu.dma_semaphore, #tpu.memory_space<semaphore_mem>>
    %dma_wait3A_262 = arith.constant 0 : i32
    %dma_wait3A_263 = tpu.memref_slice %arg4[%dma_wait3A_262] : memref<320000xi32, #tpu.memory_space<hbm>> -> memref<40xi32, #tpu.memory_space<hbm>>
    tpu.wait_dma2 semaphore(%dma_wait3A_261 : memref<!tpu.dma_semaphore, #tpu.memory_space<semaphore_mem>>) src(%dma_wait3A_263 : memref<40xi32, #tpu.memory_space<hbm>>) dst(%arg18 : memref<40xi32, #tpu.memory_space<vmem>>)
    %dma_start3A_264 = arith.constant 0 : i32
    %dma_start3A_265 = arith.constant 0 : i32
    %dma_start3A_266 = arith.constant 0 : i32
    %dma_start3A_267 = tpu.memref_slice %arg2[%dma_start3A_265, %dma_start3A_266] : memref<10000x128xf32, #tpu.memory_space<hbm>> -> memref<10000x128xf32, #tpu.memory_space<hbm>>
    %dma_start3A_268 = tpu.memref_slice %arg38[%dma_start3A_264] : memref<5x!tpu.dma_semaphore, #tpu.memory_space<semaphore_mem>> -> memref<1x!tpu.dma_semaphore, #tpu.memory_space<semaphore_mem>>
    %dma_start3A_269 = tpu.memref_squeeze %dma_start3A_268 : memref<1x!tpu.dma_semaphore, #tpu.memory_space<semaphore_mem>> -> memref<!tpu.dma_semaphore, #tpu.memory_space<semaphore_mem>>
    tpu.enqueue_indirect_dma source(%dma_start3A_267 : memref<10000x128xf32, #tpu.memory_space<hbm>>) target(%arg28 : memref<40x128xf32, #tpu.memory_space<vmem>>) offsets(%arg8 : memref<40xi32, #tpu.memory_space<vmem>>) semaphore(%dma_start3A_269 : memref<!tpu.dma_semaphore, #tpu.memory_space<semaphore_mem>>)
    %barrier3A = arith.constant 0 : index
    tpu.barrier barrier_id(%barrier3A)
    %scan3A_270 = arith.constant 0 : i32
    %scan3A_271 = arith.constant 0 : i32
    %scan3A_272 = arith.constant 25 : i32
    %scan3A_273 = arith.addi %scan3A_271, %scan3A_272 : i32
    %scan3A_274 = arith.constant 1 : i32
    %scan3A_275 = scf.for %scan3A_377 = %scan3A_271 to %scan3A_273 step %scan3A_274 iter_args(%scan3A_378 = %scan3A_270) -> (i32)  : i32 {
      %mul3A_379 = arith.constant 10 : i32
      %mul3A_380 = arith.muli %scan3A_377, %mul3A_379 : i32
      %add3A_381 = arith.constant 0 : i32
      %add3A_382 = arith.addi %mul3A_380, %add3A_381 : i32
      %dma_wait3A_383 = arith.constant 0 : i32
      %dma_wait3A_384 = arith.constant 0 : i32
      %dma_wait3A_385 = arith.constant 0 : i32
      %dma_wait3A_386 = tpu.memref_slice %arg2[%dma_wait3A_384, %dma_wait3A_385] : memref<10000x128xf32, #tpu.memory_space<hbm>> -> memref<40x128xf32, #tpu.memory_space<hbm>>
      %dma_wait3A_387 = tpu.memref_slice %arg38[%dma_wait3A_383] : memref<5x!tpu.dma_semaphore, #tpu.memory_space<semaphore_mem>> -> memref<1x!tpu.dma_semaphore, #tpu.memory_space<semaphore_mem>>
      %dma_wait3A_388 = tpu.memref_squeeze %dma_wait3A_387 : memref<1x!tpu.dma_semaphore, #tpu.memory_space<semaphore_mem>> -> memref<!tpu.dma_semaphore, #tpu.memory_space<semaphore_mem>>
      %dma_wait3A_389 = arith.constant 0 : i32
      %dma_wait3A_390 = arith.constant 0 : i32
      %dma_wait3A_391 = tpu.memref_slice %arg2[%dma_wait3A_389, %dma_wait3A_390] : memref<10000x128xf32, #tpu.memory_space<hbm>> -> memref<40x128xf32, #tpu.memory_space<hbm>>
      tpu.wait_dma2 semaphore(%dma_wait3A_388 : memref<!tpu.dma_semaphore, #tpu.memory_space<semaphore_mem>>) src(%dma_wait3A_391 : memref<40x128xf32, #tpu.memory_space<hbm>>) dst(%arg28 : memref<40x128xf32, #tpu.memory_space<vmem>>)
      %dma_start3A_392 = arith.constant 0 : i32
      %dma_start3A_393 = arith.constant 0 : i32
      %dma_start3A_394 = arith.constant 0 : i32
      %dma_start3A_395 = tpu.memref_slice %arg35[%dma_start3A_393, %dma_start3A_394] : memref<10000x128xf32, #tpu.memory_space<vmem_shared>> -> memref<10000x128xf32, #tpu.memory_space<vmem_shared>>
      %dma_start3A_396 = tpu.memref_slice %arg39[%dma_start3A_392] : memref<5x!tpu.dma_semaphore, #tpu.memory_space<semaphore_mem>> -> memref<1x!tpu.dma_semaphore, #tpu.memory_space<semaphore_mem>>
      %dma_start3A_397 = tpu.memref_squeeze %dma_start3A_396 : memref<1x!tpu.dma_semaphore, #tpu.memory_space<semaphore_mem>> -> memref<!tpu.dma_semaphore, #tpu.memory_space<semaphore_mem>>
      tpu.enqueue_indirect_dma source(%arg28 : memref<40x128xf32, #tpu.memory_space<vmem>>) target(%dma_start3A_395 : memref<10000x128xf32, #tpu.memory_space<vmem_shared>>) offsets(%arg18 : memref<40xi32, #tpu.memory_space<vmem>>) semaphore(%dma_start3A_397 : memref<!tpu.dma_semaphore, #tpu.memory_space<semaphore_mem>>) {add = true}
      %dma_start3A_398 = arith.constant 0 : i32
      %dma_start3A_399 = arith.constant 0 : i32
      %dma_start3A_400 = tpu.memref_slice %arg36[%dma_start3A_399] : memref<10000xf32, #tpu.memory_space<vmem_shared>> -> memref<10000xf32, #tpu.memory_space<vmem_shared>>
      %dma_start3A_401 = tpu.memref_slice %arg39[%dma_start3A_398] : memref<5x!tpu.dma_semaphore, #tpu.memory_space<semaphore_mem>> -> memref<1x!tpu.dma_semaphore, #tpu.memory_space<semaphore_mem>>
      %dma_start3A_402 = tpu.memref_squeeze %dma_start3A_401 : memref<1x!tpu.dma_semaphore, #tpu.memory_space<semaphore_mem>> -> memref<!tpu.dma_semaphore, #tpu.memory_space<semaphore_mem>>
      tpu.enqueue_indirect_dma source(%arg33 : memref<40xf32, #tpu.memory_space<vmem>>) target(%dma_start3A_400 : memref<10000xf32, #tpu.memory_space<vmem_shared>>) offsets(%arg18 : memref<40xi32, #tpu.memory_space<vmem>>) semaphore(%dma_start3A_402 : memref<!tpu.dma_semaphore, #tpu.memory_space<semaphore_mem>>) {add = true}
      %sub3A = arith.constant 1 : i32
      %sub3A_403 = arith.subi %add3A_382, %sub3A : i32
      %add3A_404 = arith.constant 5 : i32
      %add3A_405 = arith.addi %add3A_382, %add3A_404 : i32
      %sub3A_406 = arith.constant 1 : i32
      %sub3A_407 = arith.subi %add3A_405, %sub3A_406 : i32
      %ge3A = arith.constant 0 : i32
      %ge3A_408 = arith.cmpi sge, %sub3A_403, %ge3A : i32
      %lt3A = arith.constant 250 : i32
      %lt3A_409 = arith.cmpi slt, %sub3A_407, %lt3A : i32
      %and3A = arith.andi %ge3A_408, %lt3A_409 : i1
      %convert_element_type3A_410 = arith.extui %and3A : i1 to i32
      %cond3A_411 = arith.constant 0 : i32
      %cond3A_412 = arith.cmpi ne, %convert_element_type3A_410, %cond3A_411 : i32
      scf.if %cond3A_412 {
        %dma_wait3A_826 = arith.constant 4 : i32
        %dma_wait3A_827 = arith.constant 0 : i32
        %dma_wait3A_828 = arith.constant 0 : i32
        %dma_wait3A_829 = tpu.memref_slice %arg2[%dma_wait3A_827, %dma_wait3A_828] : memref<10000x128xf32, #tpu.memory_space<hbm>> -> memref<40x128xf32, #tpu.memory_space<hbm>>
        %dma_wait3A_830 = tpu.memref_slice %arg39[%dma_wait3A_826] : memref<5x!tpu.dma_semaphore, #tpu.memory_space<semaphore_mem>> -> memref<1x!tpu.dma_semaphore, #tpu.memory_space<semaphore_mem>>
        %dma_wait3A_831 = tpu.memref_squeeze %dma_wait3A_830 : memref<1x!tpu.dma_semaphore, #tpu.memory_space<semaphore_mem>> -> memref<!tpu.dma_semaphore, #tpu.memory_space<semaphore_mem>>
        %dma_wait3A_832 = arith.constant 0 : i32
        %dma_wait3A_833 = arith.constant 0 : i32
        %dma_wait3A_834 = tpu.memref_slice %arg2[%dma_wait3A_832, %dma_wait3A_833] : memref<10000x128xf32, #tpu.memory_space<hbm>> -> memref<40x128xf32, #tpu.memory_space<hbm>>
        tpu.wait_dma2 semaphore(%dma_wait3A_831 : memref<!tpu.dma_semaphore, #tpu.memory_space<semaphore_mem>>) src(%dma_wait3A_834 : memref<40x128xf32, #tpu.memory_space<hbm>>) dst(%arg32 : memref<40x128xf32, #tpu.memory_space<vmem>>)
        %dma_wait3A_835 = arith.constant 4 : i32
        %dma_wait3A_836 = arith.constant 0 : i32
        %dma_wait3A_837 = tpu.memref_slice %arg6[%dma_wait3A_836] : memref<10000xf32, #tpu.memory_space<hbm>> -> memref<40xf32, #tpu.memory_space<hbm>>
        %dma_wait3A_838 = tpu.memref_slice %arg39[%dma_wait3A_835] : memref<5x!tpu.dma_semaphore, #tpu.memory_space<semaphore_mem>> -> memref<1x!tpu.dma_semaphore, #tpu.memory_space<semaphore_mem>>
        %dma_wait3A_839 = tpu.memref_squeeze %dma_wait3A_838 : memref<1x!tpu.dma_semaphore, #tpu.memory_space<semaphore_mem>> -> memref<!tpu.dma_semaphore, #tpu.memory_space<semaphore_mem>>
        %dma_wait3A_840 = arith.constant 0 : i32
        %dma_wait3A_841 = tpu.memref_slice %arg6[%dma_wait3A_840] : memref<10000xf32, #tpu.memory_space<hbm>> -> memref<40xf32, #tpu.memory_space<hbm>>
        tpu.wait_dma2 semaphore(%dma_wait3A_839 : memref<!tpu.dma_semaphore, #tpu.memory_space<semaphore_mem>>) src(%dma_wait3A_841 : memref<40xf32, #tpu.memory_space<hbm>>) dst(%arg33 : memref<40xf32, #tpu.memory_space<vmem>>)
        %dma_wait3A_842 = arith.constant 4 : i32
        %dma_wait3A_843 = arith.constant 0 : i32
        %dma_wait3A_844 = tpu.memref_slice %arg3[%dma_wait3A_843] : memref<320000xi32, #tpu.memory_space<hbm>> -> memref<40xi32, #tpu.memory_space<hbm>>
        %dma_wait3A_845 = tpu.memref_slice %arg37[%dma_wait3A_842] : memref<10x!tpu.dma_semaphore, #tpu.memory_space<semaphore_mem>> -> memref<1x!tpu.dma_semaphore, #tpu.memory_space<semaphore_mem>>
        %dma_wait3A_846 = tpu.memref_squeeze %dma_wait3A_845 : memref<1x!tpu.dma_semaphore, #tpu.memory_space<semaphore_mem>> -> memref<!tpu.dma_semaphore, #tpu.memory_space<semaphore_mem>>
        %dma_wait3A_847 = arith.constant 0 : i32
        %dma_wait3A_848 = tpu.memref_slice %arg3[%dma_wait3A_847] : memref<320000xi32, #tpu.memory_space<hbm>> -> memref<40xi32, #tpu.memory_space<hbm>>
        tpu.wait_dma2 semaphore(%dma_wait3A_846 : memref<!tpu.dma_semaphore, #tpu.memory_space<semaphore_mem>>) src(%dma_wait3A_848 : memref<40xi32, #tpu.memory_space<hbm>>) dst(%arg12 : memref<40xi32, #tpu.memory_space<vmem>>)
        %dma_wait3A_849 = arith.constant 4 : i32
        %dma_wait3A_850 = arith.constant 0 : i32
        %dma_wait3A_851 = tpu.memref_slice %arg4[%dma_wait3A_850] : memref<320000xi32, #tpu.memory_space<hbm>> -> memref<40xi32, #tpu.memory_space<hbm>>
        %dma_wait3A_852 = tpu.memref_slice %arg37[%dma_wait3A_849] : memref<10x!tpu.dma_semaphore, #tpu.memory_space<semaphore_mem>> -> memref<1x!tpu.dma_semaphore, #tpu.memory_space<semaphore_mem>>
        %dma_wait3A_853 = tpu.memref_squeeze %dma_wait3A_852 : memref<1x!tpu.dma_semaphore, #tpu.memory_space<semaphore_mem>> -> memref<!tpu.dma_semaphore, #tpu.memory_space<semaphore_mem>>
        %dma_wait3A_854 = arith.constant 0 : i32
        %dma_wait3A_855 = tpu.memref_slice %arg4[%dma_wait3A_854] : memref<320000xi32, #tpu.memory_space<hbm>> -> memref<40xi32, #tpu.memory_space<hbm>>
        tpu.wait_dma2 semaphore(%dma_wait3A_853 : memref<!tpu.dma_semaphore, #tpu.memory_space<semaphore_mem>>) src(%dma_wait3A_855 : memref<40xi32, #tpu.memory_space<hbm>>) dst(%arg22 : memref<40xi32, #tpu.memory_space<vmem>>)
        %dma_start3A_856 = arith.constant 4 : i32
        %dma_start3A_857 = arith.constant 0 : i32
        %dma_start3A_858 = arith.constant 0 : i32
        %dma_start3A_859 = tpu.memref_slice %arg2[%dma_start3A_857, %dma_start3A_858] : memref<10000x128xf32, #tpu.memory_space<hbm>> -> memref<10000x128xf32, #tpu.memory_space<hbm>>
        %dma_start3A_860 = tpu.memref_slice %arg38[%dma_start3A_856] : memref<5x!tpu.dma_semaphore, #tpu.memory_space<semaphore_mem>> -> memref<1x!tpu.dma_semaphore, #tpu.memory_space<semaphore_mem>>
        %dma_start3A_861 = tpu.memref_squeeze %dma_start3A_860 : memref<1x!tpu.dma_semaphore, #tpu.memory_space<semaphore_mem>> -> memref<!tpu.dma_semaphore, #tpu.memory_space<semaphore_mem>>
        tpu.enqueue_indirect_dma source(%dma_start3A_859 : memref<10000x128xf32, #tpu.memory_space<hbm>>) target(%arg32 : memref<40x128xf32, #tpu.memory_space<vmem>>) offsets(%arg12 : memref<40xi32, #tpu.memory_space<vmem>>) semaphore(%dma_start3A_861 : memref<!tpu.dma_semaphore, #tpu.memory_space<semaphore_mem>>)
      } else {
      }
      %add3A_413 = arith.constant 9 : i32
      %add3A_414 = arith.addi %add3A_382, %add3A_413 : i32
      %lt3A_415 = arith.constant 250 : i32
      %lt3A_416 = arith.cmpi slt, %add3A_414, %lt3A_415 : i32
      %convert_element_type3A_417 = arith.extui %lt3A_416 : i1 to i32
      %cond3A_418 = arith.constant 0 : i32
      %cond3A_419 = arith.cmpi ne, %convert_element_type3A_417, %cond3A_418 : i32
      scf.if %cond3A_419 {
        %mul3A_826 = arith.constant 40 : i32
        %mul3A_827 = arith.muli %add3A_414, %mul3A_826 : i32
        %add3A_828 = arith.addi %mul3A_2, %mul3A_827 : i32
        %dma_start3A_829 = arith.constant 9 : i32
        %dma_start3A_830 = tpu.memref_slice %arg3[%add3A_828] : memref<320000xi32, #tpu.memory_space<hbm>> -> memref<40xi32, #tpu.memory_space<hbm>>
        %dma_start3A_831 = tpu.memref_slice %arg37[%dma_start3A_829] : memref<10x!tpu.dma_semaphore, #tpu.memory_space<semaphore_mem>> -> memref<1x!tpu.dma_semaphore, #tpu.memory_space<semaphore_mem>>
        %dma_start3A_832 = tpu.memref_squeeze %dma_start3A_831 : memref<1x!tpu.dma_semaphore, #tpu.memory_space<semaphore_mem>> -> memref<!tpu.dma_semaphore, #tpu.memory_space<semaphore_mem>>
        %dma_start3A_833 = tpu.memref_slice %arg3[%add3A_828] : memref<320000xi32, #tpu.memory_space<hbm>> -> memref<40xi32, #tpu.memory_space<hbm>>
        tpu.enqueue_dma source(%dma_start3A_833 : memref<40xi32, #tpu.memory_space<hbm>>) target(%arg17 : memref<40xi32, #tpu.memory_space<vmem>>) target_semaphore(%dma_start3A_832 : memref<!tpu.dma_semaphore, #tpu.memory_space<semaphore_mem>>)
        %mul3A_834 = arith.constant 40 : i32
        %mul3A_835 = arith.muli %add3A_414, %mul3A_834 : i32
        %add3A_836 = arith.addi %mul3A_2, %mul3A_835 : i32
        %dma_start3A_837 = arith.constant 9 : i32
        %dma_start3A_838 = tpu.memref_slice %arg4[%add3A_836] : memref<320000xi32, #tpu.memory_space<hbm>> -> memref<40xi32, #tpu.memory_space<hbm>>
        %dma_start3A_839 = tpu.memref_slice %arg37[%dma_start3A_837] : memref<10x!tpu.dma_semaphore, #tpu.memory_space<semaphore_mem>> -> memref<1x!tpu.dma_semaphore, #tpu.memory_space<semaphore_mem>>
        %dma_start3A_840 = tpu.memref_squeeze %dma_start3A_839 : memref<1x!tpu.dma_semaphore, #tpu.memory_space<semaphore_mem>> -> memref<!tpu.dma_semaphore, #tpu.memory_space<semaphore_mem>>
        %dma_start3A_841 = tpu.memref_slice %arg4[%add3A_836] : memref<320000xi32, #tpu.memory_space<hbm>> -> memref<40xi32, #tpu.memory_space<hbm>>
        tpu.enqueue_dma source(%dma_start3A_841 : memref<40xi32, #tpu.memory_space<hbm>>) target(%arg27 : memref<40xi32, #tpu.memory_space<vmem>>) target_semaphore(%dma_start3A_840 : memref<!tpu.dma_semaphore, #tpu.memory_space<semaphore_mem>>)
      } else {
      }
      %mul3A_420 = arith.constant 10 : i32
      %mul3A_421 = arith.muli %scan3A_377, %mul3A_420 : i32
      %add3A_422 = arith.constant 1 : i32
      %add3A_423 = arith.addi %mul3A_421, %add3A_422 : i32
      %dma_wait3A_424 = arith.constant 1 : i32
      %dma_wait3A_425 = arith.constant 0 : i32
      %dma_wait3A_426 = arith.constant 0 : i32
      %dma_wait3A_427 = tpu.memref_slice %arg2[%dma_wait3A_425, %dma_wait3A_426] : memref<10000x128xf32, #tpu.memory_space<hbm>> -> memref<40x128xf32, #tpu.memory_space<hbm>>
      %dma_wait3A_428 = tpu.memref_slice %arg38[%dma_wait3A_424] : memref<5x!tpu.dma_semaphore, #tpu.memory_space<semaphore_mem>> -> memref<1x!tpu.dma_semaphore, #tpu.memory_space<semaphore_mem>>
      %dma_wait3A_429 = tpu.memref_squeeze %dma_wait3A_428 : memref<1x!tpu.dma_semaphore, #tpu.memory_space<semaphore_mem>> -> memref<!tpu.dma_semaphore, #tpu.memory_space<semaphore_mem>>
      %dma_wait3A_430 = arith.constant 0 : i32
      %dma_wait3A_431 = arith.constant 0 : i32
      %dma_wait3A_432 = tpu.memref_slice %arg2[%dma_wait3A_430, %dma_wait3A_431] : memref<10000x128xf32, #tpu.memory_space<hbm>> -> memref<40x128xf32, #tpu.memory_space<hbm>>
      tpu.wait_dma2 semaphore(%dma_wait3A_429 : memref<!tpu.dma_semaphore, #tpu.memory_space<semaphore_mem>>) src(%dma_wait3A_432 : memref<40x128xf32, #tpu.memory_space<hbm>>) dst(%arg29 : memref<40x128xf32, #tpu.memory_space<vmem>>)
      %dma_start3A_433 = arith.constant 1 : i32
      %dma_start3A_434 = arith.constant 0 : i32
      %dma_start3A_435 = arith.constant 0 : i32
      %dma_start3A_436 = tpu.memref_slice %arg35[%dma_start3A_434, %dma_start3A_435] : memref<10000x128xf32, #tpu.memory_space<vmem_shared>> -> memref<10000x128xf32, #tpu.memory_space<vmem_shared>>
      %dma_start3A_437 = tpu.memref_slice %arg39[%dma_start3A_433] : memref<5x!tpu.dma_semaphore, #tpu.memory_space<semaphore_mem>> -> memref<1x!tpu.dma_semaphore, #tpu.memory_space<semaphore_mem>>
      %dma_start3A_438 = tpu.memref_squeeze %dma_start3A_437 : memref<1x!tpu.dma_semaphore, #tpu.memory_space<semaphore_mem>> -> memref<!tpu.dma_semaphore, #tpu.memory_space<semaphore_mem>>
      tpu.enqueue_indirect_dma source(%arg29 : memref<40x128xf32, #tpu.memory_space<vmem>>) target(%dma_start3A_436 : memref<10000x128xf32, #tpu.memory_space<vmem_shared>>) offsets(%arg19 : memref<40xi32, #tpu.memory_space<vmem>>) semaphore(%dma_start3A_438 : memref<!tpu.dma_semaphore, #tpu.memory_space<semaphore_mem>>) {add = true}
      %dma_start3A_439 = arith.constant 1 : i32
      %dma_start3A_440 = arith.constant 0 : i32
      %dma_start3A_441 = tpu.memref_slice %arg36[%dma_start3A_440] : memref<10000xf32, #tpu.memory_space<vmem_shared>> -> memref<10000xf32, #tpu.memory_space<vmem_shared>>
      %dma_start3A_442 = tpu.memref_slice %arg39[%dma_start3A_439] : memref<5x!tpu.dma_semaphore, #tpu.memory_space<semaphore_mem>> -> memref<1x!tpu.dma_semaphore, #tpu.memory_space<semaphore_mem>>
      %dma_start3A_443 = tpu.memref_squeeze %dma_start3A_442 : memref<1x!tpu.dma_semaphore, #tpu.memory_space<semaphore_mem>> -> memref<!tpu.dma_semaphore, #tpu.memory_space<semaphore_mem>>
      tpu.enqueue_indirect_dma source(%arg33 : memref<40xf32, #tpu.memory_space<vmem>>) target(%dma_start3A_441 : memref<10000xf32, #tpu.memory_space<vmem_shared>>) offsets(%arg19 : memref<40xi32, #tpu.memory_space<vmem>>) semaphore(%dma_start3A_443 : memref<!tpu.dma_semaphore, #tpu.memory_space<semaphore_mem>>) {add = true}
      %sub3A_444 = arith.constant 1 : i32
      %sub3A_445 = arith.subi %add3A_423, %sub3A_444 : i32
      %add3A_446 = arith.constant 5 : i32
      %add3A_447 = arith.addi %add3A_423, %add3A_446 : i32
      %sub3A_448 = arith.constant 1 : i32
      %sub3A_449 = arith.subi %add3A_447, %sub3A_448 : i32
      %ge3A_450 = arith.constant 0 : i32
      %ge3A_451 = arith.cmpi sge, %sub3A_445, %ge3A_450 : i32
      %lt3A_452 = arith.constant 250 : i32
      %lt3A_453 = arith.cmpi slt, %sub3A_449, %lt3A_452 : i32
      %and3A_454 = arith.andi %ge3A_451, %lt3A_453 : i1
      %convert_element_type3A_455 = arith.extui %and3A_454 : i1 to i32
      %cond3A_456 = arith.constant 0 : i32
      %cond3A_457 = arith.cmpi ne, %convert_element_type3A_455, %cond3A_456 : i32
      scf.if %cond3A_457 {
        %dma_wait3A_826 = arith.constant 0 : i32
        %dma_wait3A_827 = arith.constant 0 : i32
        %dma_wait3A_828 = arith.constant 0 : i32
        %dma_wait3A_829 = tpu.memref_slice %arg2[%dma_wait3A_827, %dma_wait3A_828] : memref<10000x128xf32, #tpu.memory_space<hbm>> -> memref<40x128xf32, #tpu.memory_space<hbm>>
        %dma_wait3A_830 = tpu.memref_slice %arg39[%dma_wait3A_826] : memref<5x!tpu.dma_semaphore, #tpu.memory_space<semaphore_mem>> -> memref<1x!tpu.dma_semaphore, #tpu.memory_space<semaphore_mem>>
        %dma_wait3A_831 = tpu.memref_squeeze %dma_wait3A_830 : memref<1x!tpu.dma_semaphore, #tpu.memory_space<semaphore_mem>> -> memref<!tpu.dma_semaphore, #tpu.memory_space<semaphore_mem>>
        %dma_wait3A_832 = arith.constant 0 : i32
        %dma_wait3A_833 = arith.constant 0 : i32
        %dma_wait3A_834 = tpu.memref_slice %arg2[%dma_wait3A_832, %dma_wait3A_833] : memref<10000x128xf32, #tpu.memory_space<hbm>> -> memref<40x128xf32, #tpu.memory_space<hbm>>
        tpu.wait_dma2 semaphore(%dma_wait3A_831 : memref<!tpu.dma_semaphore, #tpu.memory_space<semaphore_mem>>) src(%dma_wait3A_834 : memref<40x128xf32, #tpu.memory_space<hbm>>) dst(%arg28 : memref<40x128xf32, #tpu.memory_space<vmem>>)
        %dma_wait3A_835 = arith.constant 0 : i32
        %dma_wait3A_836 = arith.constant 0 : i32
        %dma_wait3A_837 = tpu.memref_slice %arg6[%dma_wait3A_836] : memref<10000xf32, #tpu.memory_space<hbm>> -> memref<40xf32, #tpu.memory_space<hbm>>
        %dma_wait3A_838 = tpu.memref_slice %arg39[%dma_wait3A_835] : memref<5x!tpu.dma_semaphore, #tpu.memory_space<semaphore_mem>> -> memref<1x!tpu.dma_semaphore, #tpu.memory_space<semaphore_mem>>
        %dma_wait3A_839 = tpu.memref_squeeze %dma_wait3A_838 : memref<1x!tpu.dma_semaphore, #tpu.memory_space<semaphore_mem>> -> memref<!tpu.dma_semaphore, #tpu.memory_space<semaphore_mem>>
        %dma_wait3A_840 = arith.constant 0 : i32
        %dma_wait3A_841 = tpu.memref_slice %arg6[%dma_wait3A_840] : memref<10000xf32, #tpu.memory_space<hbm>> -> memref<40xf32, #tpu.memory_space<hbm>>
        tpu.wait_dma2 semaphore(%dma_wait3A_839 : memref<!tpu.dma_semaphore, #tpu.memory_space<semaphore_mem>>) src(%dma_wait3A_841 : memref<40xf32, #tpu.memory_space<hbm>>) dst(%arg33 : memref<40xf32, #tpu.memory_space<vmem>>)
        %dma_wait3A_842 = arith.constant 5 : i32
        %dma_wait3A_843 = arith.constant 0 : i32
        %dma_wait3A_844 = tpu.memref_slice %arg3[%dma_wait3A_843] : memref<320000xi32, #tpu.memory_space<hbm>> -> memref<40xi32, #tpu.memory_space<hbm>>
        %dma_wait3A_845 = tpu.memref_slice %arg37[%dma_wait3A_842] : memref<10x!tpu.dma_semaphore, #tpu.memory_space<semaphore_mem>> -> memref<1x!tpu.dma_semaphore, #tpu.memory_space<semaphore_mem>>
        %dma_wait3A_846 = tpu.memref_squeeze %dma_wait3A_845 : memref<1x!tpu.dma_semaphore, #tpu.memory_space<semaphore_mem>> -> memref<!tpu.dma_semaphore, #tpu.memory_space<semaphore_mem>>
        %dma_wait3A_847 = arith.constant 0 : i32
        %dma_wait3A_848 = tpu.memref_slice %arg3[%dma_wait3A_847] : memref<320000xi32, #tpu.memory_space<hbm>> -> memref<40xi32, #tpu.memory_space<hbm>>
        tpu.wait_dma2 semaphore(%dma_wait3A_846 : memref<!tpu.dma_semaphore, #tpu.memory_space<semaphore_mem>>) src(%dma_wait3A_848 : memref<40xi32, #tpu.memory_space<hbm>>) dst(%arg13 : memref<40xi32, #tpu.memory_space<vmem>>)
        %dma_wait3A_849 = arith.constant 5 : i32
        %dma_wait3A_850 = arith.constant 0 : i32
        %dma_wait3A_851 = tpu.memref_slice %arg4[%dma_wait3A_850] : memref<320000xi32, #tpu.memory_space<hbm>> -> memref<40xi32, #tpu.memory_space<hbm>>
        %dma_wait3A_852 = tpu.memref_slice %arg37[%dma_wait3A_849] : memref<10x!tpu.dma_semaphore, #tpu.memory_space<semaphore_mem>> -> memref<1x!tpu.dma_semaphore, #tpu.memory_space<semaphore_mem>>
        %dma_wait3A_853 = tpu.memref_squeeze %dma_wait3A_852 : memref<1x!tpu.dma_semaphore, #tpu.memory_space<semaphore_mem>> -> memref<!tpu.dma_semaphore, #tpu.memory_space<semaphore_mem>>
        %dma_wait3A_854 = arith.constant 0 : i32
        %dma_wait3A_855 = tpu.memref_slice %arg4[%dma_wait3A_854] : memref<320000xi32, #tpu.memory_space<hbm>> -> memref<40xi32, #tpu.memory_space<hbm>>
        tpu.wait_dma2 semaphore(%dma_wait3A_853 : memref<!tpu.dma_semaphore, #tpu.memory_space<semaphore_mem>>) src(%dma_wait3A_855 : memref<40xi32, #tpu.memory_space<hbm>>) dst(%arg23 : memref<40xi32, #tpu.memory_space<vmem>>)
        %dma_start3A_856 = arith.constant 0 : i32
        %dma_start3A_857 = arith.constant 0 : i32
        %dma_start3A_858 = arith.constant 0 : i32
        %dma_start3A_859 = tpu.memref_slice %arg2[%dma_start3A_857, %dma_start3A_858] : memref<10000x128xf32, #tpu.memory_space<hbm>> -> memref<10000x128xf32, #tpu.memory_space<hbm>>
        %dma_start3A_860 = tpu.memref_slice %arg38[%dma_start3A_856] : memref<5x!tpu.dma_semaphore, #tpu.memory_space<semaphore_mem>> -> memref<1x!tpu.dma_semaphore, #tpu.memory_space<semaphore_mem>>
        %dma_start3A_861 = tpu.memref_squeeze %dma_start3A_860 : memref<1x!tpu.dma_semaphore, #tpu.memory_space<semaphore_mem>> -> memref<!tpu.dma_semaphore, #tpu.memory_space<semaphore_mem>>
        tpu.enqueue_indirect_dma source(%dma_start3A_859 : memref<10000x128xf32, #tpu.memory_space<hbm>>) target(%arg28 : memref<40x128xf32, #tpu.memory_space<vmem>>) offsets(%arg13 : memref<40xi32, #tpu.memory_space<vmem>>) semaphore(%dma_start3A_861 : memref<!tpu.dma_semaphore, #tpu.memory_space<semaphore_mem>>)
      } else {
      }
      %add3A_458 = arith.constant 9 : i32
      %add3A_459 = arith.addi %add3A_423, %add3A_458 : i32
      %lt3A_460 = arith.constant 250 : i32
      %lt3A_461 = arith.cmpi slt, %add3A_459, %lt3A_460 : i32
      %convert_element_type3A_462 = arith.extui %lt3A_461 : i1 to i32
      %cond3A_463 = arith.constant 0 : i32
      %cond3A_464 = arith.cmpi ne, %convert_element_type3A_462, %cond3A_463 : i32
      scf.if %cond3A_464 {
        %mul3A_826 = arith.constant 40 : i32
        %mul3A_827 = arith.muli %add3A_459, %mul3A_826 : i32
        %add3A_828 = arith.addi %mul3A_2, %mul3A_827 : i32
        %dma_start3A_829 = arith.constant 0 : i32
        %dma_start3A_830 = tpu.memref_slice %arg3[%add3A_828] : memref<320000xi32, #tpu.memory_space<hbm>> -> memref<40xi32, #tpu.memory_space<hbm>>
        %dma_start3A_831 = tpu.memref_slice %arg37[%dma_start3A_829] : memref<10x!tpu.dma_semaphore, #tpu.memory_space<semaphore_mem>> -> memref<1x!tpu.dma_semaphore, #tpu.memory_space<semaphore_mem>>
        %dma_start3A_832 = tpu.memref_squeeze %dma_start3A_831 : memref<1x!tpu.dma_semaphore, #tpu.memory_space<semaphore_mem>> -> memref<!tpu.dma_semaphore, #tpu.memory_space<semaphore_mem>>
        %dma_start3A_833 = tpu.memref_slice %arg3[%add3A_828] : memref<320000xi32, #tpu.memory_space<hbm>> -> memref<40xi32, #tpu.memory_space<hbm>>
        tpu.enqueue_dma source(%dma_start3A_833 : memref<40xi32, #tpu.memory_space<hbm>>) target(%arg8 : memref<40xi32, #tpu.memory_space<vmem>>) target_semaphore(%dma_start3A_832 : memref<!tpu.dma_semaphore, #tpu.memory_space<semaphore_mem>>)
        %mul3A_834 = arith.constant 40 : i32
        %mul3A_835 = arith.muli %add3A_459, %mul3A_834 : i32
        %add3A_836 = arith.addi %mul3A_2, %mul3A_835 : i32
        %dma_start3A_837 = arith.constant 0 : i32
        %dma_start3A_838 = tpu.memref_slice %arg4[%add3A_836] : memref<320000xi32, #tpu.memory_space<hbm>> -> memref<40xi32, #tpu.memory_space<hbm>>
        %dma_start3A_839 = tpu.memref_slice %arg37[%dma_start3A_837] : memref<10x!tpu.dma_semaphore, #tpu.memory_space<semaphore_mem>> -> memref<1x!tpu.dma_semaphore, #tpu.memory_space<semaphore_mem>>
        %dma_start3A_840 = tpu.memref_squeeze %dma_start3A_839 : memref<1x!tpu.dma_semaphore, #tpu.memory_space<semaphore_mem>> -> memref<!tpu.dma_semaphore, #tpu.memory_space<semaphore_mem>>
        %dma_start3A_841 = tpu.memref_slice %arg4[%add3A_836] : memref<320000xi32, #tpu.memory_space<hbm>> -> memref<40xi32, #tpu.memory_space<hbm>>
        tpu.enqueue_dma source(%dma_start3A_841 : memref<40xi32, #tpu.memory_space<hbm>>) target(%arg18 : memref<40xi32, #tpu.memory_space<vmem>>) target_semaphore(%dma_start3A_840 : memref<!tpu.dma_semaphore, #tpu.memory_space<semaphore_mem>>)
      } else {
      }
      %mul3A_465 = arith.constant 10 : i32
      %mul3A_466 = arith.muli %scan3A_377, %mul3A_465 : i32
      %add3A_467 = arith.constant 2 : i32
      %add3A_468 = arith.addi %mul3A_466, %add3A_467 : i32
      %dma_wait3A_469 = arith.constant 2 : i32
      %dma_wait3A_470 = arith.constant 0 : i32
      %dma_wait3A_471 = arith.constant 0 : i32
      %dma_wait3A_472 = tpu.memref_slice %arg2[%dma_wait3A_470, %dma_wait3A_471] : memref<10000x128xf32, #tpu.memory_space<hbm>> -> memref<40x128xf32, #tpu.memory_space<hbm>>
      %dma_wait3A_473 = tpu.memref_slice %arg38[%dma_wait3A_469] : memref<5x!tpu.dma_semaphore, #tpu.memory_space<semaphore_mem>> -> memref<1x!tpu.dma_semaphore, #tpu.memory_space<semaphore_mem>>
      %dma_wait3A_474 = tpu.memref_squeeze %dma_wait3A_473 : memref<1x!tpu.dma_semaphore, #tpu.memory_space<semaphore_mem>> -> memref<!tpu.dma_semaphore, #tpu.memory_space<semaphore_mem>>
      %dma_wait3A_475 = arith.constant 0 : i32
      %dma_wait3A_476 = arith.constant 0 : i32
      %dma_wait3A_477 = tpu.memref_slice %arg2[%dma_wait3A_475, %dma_wait3A_476] : memref<10000x128xf32, #tpu.memory_space<hbm>> -> memref<40x128xf32, #tpu.memory_space<hbm>>
      tpu.wait_dma2 semaphore(%dma_wait3A_474 : memref<!tpu.dma_semaphore, #tpu.memory_space<semaphore_mem>>) src(%dma_wait3A_477 : memref<40x128xf32, #tpu.memory_space<hbm>>) dst(%arg30 : memref<40x128xf32, #tpu.memory_space<vmem>>)
      %dma_start3A_478 = arith.constant 2 : i32
      %dma_start3A_479 = arith.constant 0 : i32
      %dma_start3A_480 = arith.constant 0 : i32
      %dma_start3A_481 = tpu.memref_slice %arg35[%dma_start3A_479, %dma_start3A_480] : memref<10000x128xf32, #tpu.memory_space<vmem_shared>> -> memref<10000x128xf32, #tpu.memory_space<vmem_shared>>
      %dma_start3A_482 = tpu.memref_slice %arg39[%dma_start3A_478] : memref<5x!tpu.dma_semaphore, #tpu.memory_space<semaphore_mem>> -> memref<1x!tpu.dma_semaphore, #tpu.memory_space<semaphore_mem>>
      %dma_start3A_483 = tpu.memref_squeeze %dma_start3A_482 : memref<1x!tpu.dma_semaphore, #tpu.memory_space<semaphore_mem>> -> memref<!tpu.dma_semaphore, #tpu.memory_space<semaphore_mem>>
      tpu.enqueue_indirect_dma source(%arg30 : memref<40x128xf32, #tpu.memory_space<vmem>>) target(%dma_start3A_481 : memref<10000x128xf32, #tpu.memory_space<vmem_shared>>) offsets(%arg20 : memref<40xi32, #tpu.memory_space<vmem>>) semaphore(%dma_start3A_483 : memref<!tpu.dma_semaphore, #tpu.memory_space<semaphore_mem>>) {add = true}
      %dma_start3A_484 = arith.constant 2 : i32
      %dma_start3A_485 = arith.constant 0 : i32
      %dma_start3A_486 = tpu.memref_slice %arg36[%dma_start3A_485] : memref<10000xf32, #tpu.memory_space<vmem_shared>> -> memref<10000xf32, #tpu.memory_space<vmem_shared>>
      %dma_start3A_487 = tpu.memref_slice %arg39[%dma_start3A_484] : memref<5x!tpu.dma_semaphore, #tpu.memory_space<semaphore_mem>> -> memref<1x!tpu.dma_semaphore, #tpu.memory_space<semaphore_mem>>
      %dma_start3A_488 = tpu.memref_squeeze %dma_start3A_487 : memref<1x!tpu.dma_semaphore, #tpu.memory_space<semaphore_mem>> -> memref<!tpu.dma_semaphore, #tpu.memory_space<semaphore_mem>>
      tpu.enqueue_indirect_dma source(%arg33 : memref<40xf32, #tpu.memory_space<vmem>>) target(%dma_start3A_486 : memref<10000xf32, #tpu.memory_space<vmem_shared>>) offsets(%arg20 : memref<40xi32, #tpu.memory_space<vmem>>) semaphore(%dma_start3A_488 : memref<!tpu.dma_semaphore, #tpu.memory_space<semaphore_mem>>) {add = true}
      %sub3A_489 = arith.constant 1 : i32
      %sub3A_490 = arith.subi %add3A_468, %sub3A_489 : i32
      %add3A_491 = arith.constant 5 : i32
      %add3A_492 = arith.addi %add3A_468, %add3A_491 : i32
      %sub3A_493 = arith.constant 1 : i32
      %sub3A_494 = arith.subi %add3A_492, %sub3A_493 : i32
      %ge3A_495 = arith.constant 0 : i32
      %ge3A_496 = arith.cmpi sge, %sub3A_490, %ge3A_495 : i32
      %lt3A_497 = arith.constant 250 : i32
      %lt3A_498 = arith.cmpi slt, %sub3A_494, %lt3A_497 : i32
      %and3A_499 = arith.andi %ge3A_496, %lt3A_498 : i1
      %convert_element_type3A_500 = arith.extui %and3A_499 : i1 to i32
      %cond3A_501 = arith.constant 0 : i32
      %cond3A_502 = arith.cmpi ne, %convert_element_type3A_500, %cond3A_501 : i32
      scf.if %cond3A_502 {
        %dma_wait3A_826 = arith.constant 1 : i32
        %dma_wait3A_827 = arith.constant 0 : i32
        %dma_wait3A_828 = arith.constant 0 : i32
        %dma_wait3A_829 = tpu.memref_slice %arg2[%dma_wait3A_827, %dma_wait3A_828] : memref<10000x128xf32, #tpu.memory_space<hbm>> -> memref<40x128xf32, #tpu.memory_space<hbm>>
        %dma_wait3A_830 = tpu.memref_slice %arg39[%dma_wait3A_826] : memref<5x!tpu.dma_semaphore, #tpu.memory_space<semaphore_mem>> -> memref<1x!tpu.dma_semaphore, #tpu.memory_space<semaphore_mem>>
        %dma_wait3A_831 = tpu.memref_squeeze %dma_wait3A_830 : memref<1x!tpu.dma_semaphore, #tpu.memory_space<semaphore_mem>> -> memref<!tpu.dma_semaphore, #tpu.memory_space<semaphore_mem>>
        %dma_wait3A_832 = arith.constant 0 : i32
        %dma_wait3A_833 = arith.constant 0 : i32
        %dma_wait3A_834 = tpu.memref_slice %arg2[%dma_wait3A_832, %dma_wait3A_833] : memref<10000x128xf32, #tpu.memory_space<hbm>> -> memref<40x128xf32, #tpu.memory_space<hbm>>
        tpu.wait_dma2 semaphore(%dma_wait3A_831 : memref<!tpu.dma_semaphore, #tpu.memory_space<semaphore_mem>>) src(%dma_wait3A_834 : memref<40x128xf32, #tpu.memory_space<hbm>>) dst(%arg29 : memref<40x128xf32, #tpu.memory_space<vmem>>)
        %dma_wait3A_835 = arith.constant 1 : i32
        %dma_wait3A_836 = arith.constant 0 : i32
        %dma_wait3A_837 = tpu.memref_slice %arg6[%dma_wait3A_836] : memref<10000xf32, #tpu.memory_space<hbm>> -> memref<40xf32, #tpu.memory_space<hbm>>
        %dma_wait3A_838 = tpu.memref_slice %arg39[%dma_wait3A_835] : memref<5x!tpu.dma_semaphore, #tpu.memory_space<semaphore_mem>> -> memref<1x!tpu.dma_semaphore, #tpu.memory_space<semaphore_mem>>
        %dma_wait3A_839 = tpu.memref_squeeze %dma_wait3A_838 : memref<1x!tpu.dma_semaphore, #tpu.memory_space<semaphore_mem>> -> memref<!tpu.dma_semaphore, #tpu.memory_space<semaphore_mem>>
        %dma_wait3A_840 = arith.constant 0 : i32
        %dma_wait3A_841 = tpu.memref_slice %arg6[%dma_wait3A_840] : memref<10000xf32, #tpu.memory_space<hbm>> -> memref<40xf32, #tpu.memory_space<hbm>>
        tpu.wait_dma2 semaphore(%dma_wait3A_839 : memref<!tpu.dma_semaphore, #tpu.memory_space<semaphore_mem>>) src(%dma_wait3A_841 : memref<40xf32, #tpu.memory_space<hbm>>) dst(%arg33 : memref<40xf32, #tpu.memory_space<vmem>>)
        %dma_wait3A_842 = arith.constant 6 : i32
        %dma_wait3A_843 = arith.constant 0 : i32
        %dma_wait3A_844 = tpu.memref_slice %arg3[%dma_wait3A_843] : memref<320000xi32, #tpu.memory_space<hbm>> -> memref<40xi32, #tpu.memory_space<hbm>>
        %dma_wait3A_845 = tpu.memref_slice %arg37[%dma_wait3A_842] : memref<10x!tpu.dma_semaphore, #tpu.memory_space<semaphore_mem>> -> memref<1x!tpu.dma_semaphore, #tpu.memory_space<semaphore_mem>>
        %dma_wait3A_846 = tpu.memref_squeeze %dma_wait3A_845 : memref<1x!tpu.dma_semaphore, #tpu.memory_space<semaphore_mem>> -> memref<!tpu.dma_semaphore, #tpu.memory_space<semaphore_mem>>
        %dma_wait3A_847 = arith.constant 0 : i32
        %dma_wait3A_848 = tpu.memref_slice %arg3[%dma_wait3A_847] : memref<320000xi32, #tpu.memory_space<hbm>> -> memref<40xi32, #tpu.memory_space<hbm>>
        tpu.wait_dma2 semaphore(%dma_wait3A_846 : memref<!tpu.dma_semaphore, #tpu.memory_space<semaphore_mem>>) src(%dma_wait3A_848 : memref<40xi32, #tpu.memory_space<hbm>>) dst(%arg14 : memref<40xi32, #tpu.memory_space<vmem>>)
        %dma_wait3A_849 = arith.constant 6 : i32
        %dma_wait3A_850 = arith.constant 0 : i32
        %dma_wait3A_851 = tpu.memref_slice %arg4[%dma_wait3A_850] : memref<320000xi32, #tpu.memory_space<hbm>> -> memref<40xi32, #tpu.memory_space<hbm>>
        %dma_wait3A_852 = tpu.memref_slice %arg37[%dma_wait3A_849] : memref<10x!tpu.dma_semaphore, #tpu.memory_space<semaphore_mem>> -> memref<1x!tpu.dma_semaphore, #tpu.memory_space<semaphore_mem>>
        %dma_wait3A_853 = tpu.memref_squeeze %dma_wait3A_852 : memref<1x!tpu.dma_semaphore, #tpu.memory_space<semaphore_mem>> -> memref<!tpu.dma_semaphore, #tpu.memory_space<semaphore_mem>>
        %dma_wait3A_854 = arith.constant 0 : i32
        %dma_wait3A_855 = tpu.memref_slice %arg4[%dma_wait3A_854] : memref<320000xi32, #tpu.memory_space<hbm>> -> memref<40xi32, #tpu.memory_space<hbm>>
        tpu.wait_dma2 semaphore(%dma_wait3A_853 : memref<!tpu.dma_semaphore, #tpu.memory_space<semaphore_mem>>) src(%dma_wait3A_855 : memref<40xi32, #tpu.memory_space<hbm>>) dst(%arg24 : memref<40xi32, #tpu.memory_space<vmem>>)
        %dma_start3A_856 = arith.constant 1 : i32
        %dma_start3A_857 = arith.constant 0 : i32
        %dma_start3A_858 = arith.constant 0 : i32
        %dma_start3A_859 = tpu.memref_slice %arg2[%dma_start3A_857, %dma_start3A_858] : memref<10000x128xf32, #tpu.memory_space<hbm>> -> memref<10000x128xf32, #tpu.memory_space<hbm>>
        %dma_start3A_860 = tpu.memref_slice %arg38[%dma_start3A_856] : memref<5x!tpu.dma_semaphore, #tpu.memory_space<semaphore_mem>> -> memref<1x!tpu.dma_semaphore, #tpu.memory_space<semaphore_mem>>
        %dma_start3A_861 = tpu.memref_squeeze %dma_start3A_860 : memref<1x!tpu.dma_semaphore, #tpu.memory_space<semaphore_mem>> -> memref<!tpu.dma_semaphore, #tpu.memory_space<semaphore_mem>>
        tpu.enqueue_indirect_dma source(%dma_start3A_859 : memref<10000x128xf32, #tpu.memory_space<hbm>>) target(%arg29 : memref<40x128xf32, #tpu.memory_space<vmem>>) offsets(%arg14 : memref<40xi32, #tpu.memory_space<vmem>>) semaphore(%dma_start3A_861 : memref<!tpu.dma_semaphore, #tpu.memory_space<semaphore_mem>>)
      } else {
      }
      %add3A_503 = arith.constant 9 : i32
      %add3A_504 = arith.addi %add3A_468, %add3A_503 : i32
      %lt3A_505 = arith.constant 250 : i32
      %lt3A_506 = arith.cmpi slt, %add3A_504, %lt3A_505 : i32
      %convert_element_type3A_507 = arith.extui %lt3A_506 : i1 to i32
      %cond3A_508 = arith.constant 0 : i32
      %cond3A_509 = arith.cmpi ne, %convert_element_type3A_507, %cond3A_508 : i32
      scf.if %cond3A_509 {
        %mul3A_826 = arith.constant 40 : i32
        %mul3A_827 = arith.muli %add3A_504, %mul3A_826 : i32
        %add3A_828 = arith.addi %mul3A_2, %mul3A_827 : i32
        %dma_start3A_829 = arith.constant 1 : i32
        %dma_start3A_830 = tpu.memref_slice %arg3[%add3A_828] : memref<320000xi32, #tpu.memory_space<hbm>> -> memref<40xi32, #tpu.memory_space<hbm>>
        %dma_start3A_831 = tpu.memref_slice %arg37[%dma_start3A_829] : memref<10x!tpu.dma_semaphore, #tpu.memory_space<semaphore_mem>> -> memref<1x!tpu.dma_semaphore, #tpu.memory_space<semaphore_mem>>
        %dma_start3A_832 = tpu.memref_squeeze %dma_start3A_831 : memref<1x!tpu.dma_semaphore, #tpu.memory_space<semaphore_mem>> -> memref<!tpu.dma_semaphore, #tpu.memory_space<semaphore_mem>>
        %dma_start3A_833 = tpu.memref_slice %arg3[%add3A_828] : memref<320000xi32, #tpu.memory_space<hbm>> -> memref<40xi32, #tpu.memory_space<hbm>>
        tpu.enqueue_dma source(%dma_start3A_833 : memref<40xi32, #tpu.memory_space<hbm>>) target(%arg9 : memref<40xi32, #tpu.memory_space<vmem>>) target_semaphore(%dma_start3A_832 : memref<!tpu.dma_semaphore, #tpu.memory_space<semaphore_mem>>)
        %mul3A_834 = arith.constant 40 : i32
        %mul3A_835 = arith.muli %add3A_504, %mul3A_834 : i32
        %add3A_836 = arith.addi %mul3A_2, %mul3A_835 : i32
        %dma_start3A_837 = arith.constant 1 : i32
        %dma_start3A_838 = tpu.memref_slice %arg4[%add3A_836] : memref<320000xi32, #tpu.memory_space<hbm>> -> memref<40xi32, #tpu.memory_space<hbm>>
        %dma_start3A_839 = tpu.memref_slice %arg37[%dma_start3A_837] : memref<10x!tpu.dma_semaphore, #tpu.memory_space<semaphore_mem>> -> memref<1x!tpu.dma_semaphore, #tpu.memory_space<semaphore_mem>>
        %dma_start3A_840 = tpu.memref_squeeze %dma_start3A_839 : memref<1x!tpu.dma_semaphore, #tpu.memory_space<semaphore_mem>> -> memref<!tpu.dma_semaphore, #tpu.memory_space<semaphore_mem>>
        %dma_start3A_841 = tpu.memref_slice %arg4[%add3A_836] : memref<320000xi32, #tpu.memory_space<hbm>> -> memref<40xi32, #tpu.memory_space<hbm>>
        tpu.enqueue_dma source(%dma_start3A_841 : memref<40xi32, #tpu.memory_space<hbm>>) target(%arg19 : memref<40xi32, #tpu.memory_space<vmem>>) target_semaphore(%dma_start3A_840 : memref<!tpu.dma_semaphore, #tpu.memory_space<semaphore_mem>>)
      } else {
      }
      %mul3A_510 = arith.constant 10 : i32
      %mul3A_511 = arith.muli %scan3A_377, %mul3A_510 : i32
      %add3A_512 = arith.constant 3 : i32
      %add3A_513 = arith.addi %mul3A_511, %add3A_512 : i32
      %dma_wait3A_514 = arith.constant 3 : i32
      %dma_wait3A_515 = arith.constant 0 : i32
      %dma_wait3A_516 = arith.constant 0 : i32
      %dma_wait3A_517 = tpu.memref_slice %arg2[%dma_wait3A_515, %dma_wait3A_516] : memref<10000x128xf32, #tpu.memory_space<hbm>> -> memref<40x128xf32, #tpu.memory_space<hbm>>
      %dma_wait3A_518 = tpu.memref_slice %arg38[%dma_wait3A_514] : memref<5x!tpu.dma_semaphore, #tpu.memory_space<semaphore_mem>> -> memref<1x!tpu.dma_semaphore, #tpu.memory_space<semaphore_mem>>
      %dma_wait3A_519 = tpu.memref_squeeze %dma_wait3A_518 : memref<1x!tpu.dma_semaphore, #tpu.memory_space<semaphore_mem>> -> memref<!tpu.dma_semaphore, #tpu.memory_space<semaphore_mem>>
      %dma_wait3A_520 = arith.constant 0 : i32
      %dma_wait3A_521 = arith.constant 0 : i32
      %dma_wait3A_522 = tpu.memref_slice %arg2[%dma_wait3A_520, %dma_wait3A_521] : memref<10000x128xf32, #tpu.memory_space<hbm>> -> memref<40x128xf32, #tpu.memory_space<hbm>>
      tpu.wait_dma2 semaphore(%dma_wait3A_519 : memref<!tpu.dma_semaphore, #tpu.memory_space<semaphore_mem>>) src(%dma_wait3A_522 : memref<40x128xf32, #tpu.memory_space<hbm>>) dst(%arg31 : memref<40x128xf32, #tpu.memory_space<vmem>>)
      %dma_start3A_523 = arith.constant 3 : i32
      %dma_start3A_524 = arith.constant 0 : i32
      %dma_start3A_525 = arith.constant 0 : i32
      %dma_start3A_526 = tpu.memref_slice %arg35[%dma_start3A_524, %dma_start3A_525] : memref<10000x128xf32, #tpu.memory_space<vmem_shared>> -> memref<10000x128xf32, #tpu.memory_space<vmem_shared>>
      %dma_start3A_527 = tpu.memref_slice %arg39[%dma_start3A_523] : memref<5x!tpu.dma_semaphore, #tpu.memory_space<semaphore_mem>> -> memref<1x!tpu.dma_semaphore, #tpu.memory_space<semaphore_mem>>
      %dma_start3A_528 = tpu.memref_squeeze %dma_start3A_527 : memref<1x!tpu.dma_semaphore, #tpu.memory_space<semaphore_mem>> -> memref<!tpu.dma_semaphore, #tpu.memory_space<semaphore_mem>>
      tpu.enqueue_indirect_dma source(%arg31 : memref<40x128xf32, #tpu.memory_space<vmem>>) target(%dma_start3A_526 : memref<10000x128xf32, #tpu.memory_space<vmem_shared>>) offsets(%arg21 : memref<40xi32, #tpu.memory_space<vmem>>) semaphore(%dma_start3A_528 : memref<!tpu.dma_semaphore, #tpu.memory_space<semaphore_mem>>) {add = true}
      %dma_start3A_529 = arith.constant 3 : i32
      %dma_start3A_530 = arith.constant 0 : i32
      %dma_start3A_531 = tpu.memref_slice %arg36[%dma_start3A_530] : memref<10000xf32, #tpu.memory_space<vmem_shared>> -> memref<10000xf32, #tpu.memory_space<vmem_shared>>
      %dma_start3A_532 = tpu.memref_slice %arg39[%dma_start3A_529] : memref<5x!tpu.dma_semaphore, #tpu.memory_space<semaphore_mem>> -> memref<1x!tpu.dma_semaphore, #tpu.memory_space<semaphore_mem>>
      %dma_start3A_533 = tpu.memref_squeeze %dma_start3A_532 : memref<1x!tpu.dma_semaphore, #tpu.memory_space<semaphore_mem>> -> memref<!tpu.dma_semaphore, #tpu.memory_space<semaphore_mem>>
      tpu.enqueue_indirect_dma source(%arg33 : memref<40xf32, #tpu.memory_space<vmem>>) target(%dma_start3A_531 : memref<10000xf32, #tpu.memory_space<vmem_shared>>) offsets(%arg21 : memref<40xi32, #tpu.memory_space<vmem>>) semaphore(%dma_start3A_533 : memref<!tpu.dma_semaphore, #tpu.memory_space<semaphore_mem>>) {add = true}
      %sub3A_534 = arith.constant 1 : i32
      %sub3A_535 = arith.subi %add3A_513, %sub3A_534 : i32
      %add3A_536 = arith.constant 5 : i32
      %add3A_537 = arith.addi %add3A_513, %add3A_536 : i32
      %sub3A_538 = arith.constant 1 : i32
      %sub3A_539 = arith.subi %add3A_537, %sub3A_538 : i32
      %ge3A_540 = arith.constant 0 : i32
      %ge3A_541 = arith.cmpi sge, %sub3A_535, %ge3A_540 : i32
      %lt3A_542 = arith.constant 250 : i32
      %lt3A_543 = arith.cmpi slt, %sub3A_539, %lt3A_542 : i32
      %and3A_544 = arith.andi %ge3A_541, %lt3A_543 : i1
      %convert_element_type3A_545 = arith.extui %and3A_544 : i1 to i32
      %cond3A_546 = arith.constant 0 : i32
      %cond3A_547 = arith.cmpi ne, %convert_element_type3A_545, %cond3A_546 : i32
      scf.if %cond3A_547 {
        %dma_wait3A_826 = arith.constant 2 : i32
        %dma_wait3A_827 = arith.constant 0 : i32
        %dma_wait3A_828 = arith.constant 0 : i32
        %dma_wait3A_829 = tpu.memref_slice %arg2[%dma_wait3A_827, %dma_wait3A_828] : memref<10000x128xf32, #tpu.memory_space<hbm>> -> memref<40x128xf32, #tpu.memory_space<hbm>>
        %dma_wait3A_830 = tpu.memref_slice %arg39[%dma_wait3A_826] : memref<5x!tpu.dma_semaphore, #tpu.memory_space<semaphore_mem>> -> memref<1x!tpu.dma_semaphore, #tpu.memory_space<semaphore_mem>>
        %dma_wait3A_831 = tpu.memref_squeeze %dma_wait3A_830 : memref<1x!tpu.dma_semaphore, #tpu.memory_space<semaphore_mem>> -> memref<!tpu.dma_semaphore, #tpu.memory_space<semaphore_mem>>
        %dma_wait3A_832 = arith.constant 0 : i32
        %dma_wait3A_833 = arith.constant 0 : i32
        %dma_wait3A_834 = tpu.memref_slice %arg2[%dma_wait3A_832, %dma_wait3A_833] : memref<10000x128xf32, #tpu.memory_space<hbm>> -> memref<40x128xf32, #tpu.memory_space<hbm>>
        tpu.wait_dma2 semaphore(%dma_wait3A_831 : memref<!tpu.dma_semaphore, #tpu.memory_space<semaphore_mem>>) src(%dma_wait3A_834 : memref<40x128xf32, #tpu.memory_space<hbm>>) dst(%arg30 : memref<40x128xf32, #tpu.memory_space<vmem>>)
        %dma_wait3A_835 = arith.constant 2 : i32
        %dma_wait3A_836 = arith.constant 0 : i32
        %dma_wait3A_837 = tpu.memref_slice %arg6[%dma_wait3A_836] : memref<10000xf32, #tpu.memory_space<hbm>> -> memref<40xf32, #tpu.memory_space<hbm>>
        %dma_wait3A_838 = tpu.memref_slice %arg39[%dma_wait3A_835] : memref<5x!tpu.dma_semaphore, #tpu.memory_space<semaphore_mem>> -> memref<1x!tpu.dma_semaphore, #tpu.memory_space<semaphore_mem>>
        %dma_wait3A_839 = tpu.memref_squeeze %dma_wait3A_838 : memref<1x!tpu.dma_semaphore, #tpu.memory_space<semaphore_mem>> -> memref<!tpu.dma_semaphore, #tpu.memory_space<semaphore_mem>>
        %dma_wait3A_840 = arith.constant 0 : i32
        %dma_wait3A_841 = tpu.memref_slice %arg6[%dma_wait3A_840] : memref<10000xf32, #tpu.memory_space<hbm>> -> memref<40xf32, #tpu.memory_space<hbm>>
        tpu.wait_dma2 semaphore(%dma_wait3A_839 : memref<!tpu.dma_semaphore, #tpu.memory_space<semaphore_mem>>) src(%dma_wait3A_841 : memref<40xf32, #tpu.memory_space<hbm>>) dst(%arg33 : memref<40xf32, #tpu.memory_space<vmem>>)
        %dma_wait3A_842 = arith.constant 7 : i32
        %dma_wait3A_843 = arith.constant 0 : i32
        %dma_wait3A_844 = tpu.memref_slice %arg3[%dma_wait3A_843] : memref<320000xi32, #tpu.memory_space<hbm>> -> memref<40xi32, #tpu.memory_space<hbm>>
        %dma_wait3A_845 = tpu.memref_slice %arg37[%dma_wait3A_842] : memref<10x!tpu.dma_semaphore, #tpu.memory_space<semaphore_mem>> -> memref<1x!tpu.dma_semaphore, #tpu.memory_space<semaphore_mem>>
        %dma_wait3A_846 = tpu.memref_squeeze %dma_wait3A_845 : memref<1x!tpu.dma_semaphore, #tpu.memory_space<semaphore_mem>> -> memref<!tpu.dma_semaphore, #tpu.memory_space<semaphore_mem>>
        %dma_wait3A_847 = arith.constant 0 : i32
        %dma_wait3A_848 = tpu.memref_slice %arg3[%dma_wait3A_847] : memref<320000xi32, #tpu.memory_space<hbm>> -> memref<40xi32, #tpu.memory_space<hbm>>
        tpu.wait_dma2 semaphore(%dma_wait3A_846 : memref<!tpu.dma_semaphore, #tpu.memory_space<semaphore_mem>>) src(%dma_wait3A_848 : memref<40xi32, #tpu.memory_space<hbm>>) dst(%arg15 : memref<40xi32, #tpu.memory_space<vmem>>)
        %dma_wait3A_849 = arith.constant 7 : i32
        %dma_wait3A_850 = arith.constant 0 : i32
        %dma_wait3A_851 = tpu.memref_slice %arg4[%dma_wait3A_850] : memref<320000xi32, #tpu.memory_space<hbm>> -> memref<40xi32, #tpu.memory_space<hbm>>
        %dma_wait3A_852 = tpu.memref_slice %arg37[%dma_wait3A_849] : memref<10x!tpu.dma_semaphore, #tpu.memory_space<semaphore_mem>> -> memref<1x!tpu.dma_semaphore, #tpu.memory_space<semaphore_mem>>
        %dma_wait3A_853 = tpu.memref_squeeze %dma_wait3A_852 : memref<1x!tpu.dma_semaphore, #tpu.memory_space<semaphore_mem>> -> memref<!tpu.dma_semaphore, #tpu.memory_space<semaphore_mem>>
        %dma_wait3A_854 = arith.constant 0 : i32
        %dma_wait3A_855 = tpu.memref_slice %arg4[%dma_wait3A_854] : memref<320000xi32, #tpu.memory_space<hbm>> -> memref<40xi32, #tpu.memory_space<hbm>>
        tpu.wait_dma2 semaphore(%dma_wait3A_853 : memref<!tpu.dma_semaphore, #tpu.memory_space<semaphore_mem>>) src(%dma_wait3A_855 : memref<40xi32, #tpu.memory_space<hbm>>) dst(%arg25 : memref<40xi32, #tpu.memory_space<vmem>>)
        %dma_start3A_856 = arith.constant 2 : i32
        %dma_start3A_857 = arith.constant 0 : i32
        %dma_start3A_858 = arith.constant 0 : i32
        %dma_start3A_859 = tpu.memref_slice %arg2[%dma_start3A_857, %dma_start3A_858] : memref<10000x128xf32, #tpu.memory_space<hbm>> -> memref<10000x128xf32, #tpu.memory_space<hbm>>
        %dma_start3A_860 = tpu.memref_slice %arg38[%dma_start3A_856] : memref<5x!tpu.dma_semaphore, #tpu.memory_space<semaphore_mem>> -> memref<1x!tpu.dma_semaphore, #tpu.memory_space<semaphore_mem>>
        %dma_start3A_861 = tpu.memref_squeeze %dma_start3A_860 : memref<1x!tpu.dma_semaphore, #tpu.memory_space<semaphore_mem>> -> memref<!tpu.dma_semaphore, #tpu.memory_space<semaphore_mem>>
        tpu.enqueue_indirect_dma source(%dma_start3A_859 : memref<10000x128xf32, #tpu.memory_space<hbm>>) target(%arg30 : memref<40x128xf32, #tpu.memory_space<vmem>>) offsets(%arg15 : memref<40xi32, #tpu.memory_space<vmem>>) semaphore(%dma_start3A_861 : memref<!tpu.dma_semaphore, #tpu.memory_space<semaphore_mem>>)
      } else {
      }
      %add3A_548 = arith.constant 9 : i32
      %add3A_549 = arith.addi %add3A_513, %add3A_548 : i32
      %lt3A_550 = arith.constant 250 : i32
      %lt3A_551 = arith.cmpi slt, %add3A_549, %lt3A_550 : i32
      %convert_element_type3A_552 = arith.extui %lt3A_551 : i1 to i32
      %cond3A_553 = arith.constant 0 : i32
      %cond3A_554 = arith.cmpi ne, %convert_element_type3A_552, %cond3A_553 : i32
      scf.if %cond3A_554 {
        %mul3A_826 = arith.constant 40 : i32
        %mul3A_827 = arith.muli %add3A_549, %mul3A_826 : i32
        %add3A_828 = arith.addi %mul3A_2, %mul3A_827 : i32
        %dma_start3A_829 = arith.constant 2 : i32
        %dma_start3A_830 = tpu.memref_slice %arg3[%add3A_828] : memref<320000xi32, #tpu.memory_space<hbm>> -> memref<40xi32, #tpu.memory_space<hbm>>
        %dma_start3A_831 = tpu.memref_slice %arg37[%dma_start3A_829] : memref<10x!tpu.dma_semaphore, #tpu.memory_space<semaphore_mem>> -> memref<1x!tpu.dma_semaphore, #tpu.memory_space<semaphore_mem>>
        %dma_start3A_832 = tpu.memref_squeeze %dma_start3A_831 : memref<1x!tpu.dma_semaphore, #tpu.memory_space<semaphore_mem>> -> memref<!tpu.dma_semaphore, #tpu.memory_space<semaphore_mem>>
        %dma_start3A_833 = tpu.memref_slice %arg3[%add3A_828] : memref<320000xi32, #tpu.memory_space<hbm>> -> memref<40xi32, #tpu.memory_space<hbm>>
        tpu.enqueue_dma source(%dma_start3A_833 : memref<40xi32, #tpu.memory_space<hbm>>) target(%arg10 : memref<40xi32, #tpu.memory_space<vmem>>) target_semaphore(%dma_start3A_832 : memref<!tpu.dma_semaphore, #tpu.memory_space<semaphore_mem>>)
        %mul3A_834 = arith.constant 40 : i32
        %mul3A_835 = arith.muli %add3A_549, %mul3A_834 : i32
        %add3A_836 = arith.addi %mul3A_2, %mul3A_835 : i32
        %dma_start3A_837 = arith.constant 2 : i32
        %dma_start3A_838 = tpu.memref_slice %arg4[%add3A_836] : memref<320000xi32, #tpu.memory_space<hbm>> -> memref<40xi32, #tpu.memory_space<hbm>>
        %dma_start3A_839 = tpu.memref_slice %arg37[%dma_start3A_837] : memref<10x!tpu.dma_semaphore, #tpu.memory_space<semaphore_mem>> -> memref<1x!tpu.dma_semaphore, #tpu.memory_space<semaphore_mem>>
        %dma_start3A_840 = tpu.memref_squeeze %dma_start3A_839 : memref<1x!tpu.dma_semaphore, #tpu.memory_space<semaphore_mem>> -> memref<!tpu.dma_semaphore, #tpu.memory_space<semaphore_mem>>
        %dma_start3A_841 = tpu.memref_slice %arg4[%add3A_836] : memref<320000xi32, #tpu.memory_space<hbm>> -> memref<40xi32, #tpu.memory_space<hbm>>
        tpu.enqueue_dma source(%dma_start3A_841 : memref<40xi32, #tpu.memory_space<hbm>>) target(%arg20 : memref<40xi32, #tpu.memory_space<vmem>>) target_semaphore(%dma_start3A_840 : memref<!tpu.dma_semaphore, #tpu.memory_space<semaphore_mem>>)
      } else {
      }
      %mul3A_555 = arith.constant 10 : i32
      %mul3A_556 = arith.muli %scan3A_377, %mul3A_555 : i32
      %add3A_557 = arith.constant 4 : i32
      %add3A_558 = arith.addi %mul3A_556, %add3A_557 : i32
      %dma_wait3A_559 = arith.constant 4 : i32
      %dma_wait3A_560 = arith.constant 0 : i32
      %dma_wait3A_561 = arith.constant 0 : i32
      %dma_wait3A_562 = tpu.memref_slice %arg2[%dma_wait3A_560, %dma_wait3A_561] : memref<10000x128xf32, #tpu.memory_space<hbm>> -> memref<40x128xf32, #tpu.memory_space<hbm>>
      %dma_wait3A_563 = tpu.memref_slice %arg38[%dma_wait3A_559] : memref<5x!tpu.dma_semaphore, #tpu.memory_space<semaphore_mem>> -> memref<1x!tpu.dma_semaphore, #tpu.memory_space<semaphore_mem>>
      %dma_wait3A_564 = tpu.memref_squeeze %dma_wait3A_563 : memref<1x!tpu.dma_semaphore, #tpu.memory_space<semaphore_mem>> -> memref<!tpu.dma_semaphore, #tpu.memory_space<semaphore_mem>>
      %dma_wait3A_565 = arith.constant 0 : i32
      %dma_wait3A_566 = arith.constant 0 : i32
      %dma_wait3A_567 = tpu.memref_slice %arg2[%dma_wait3A_565, %dma_wait3A_566] : memref<10000x128xf32, #tpu.memory_space<hbm>> -> memref<40x128xf32, #tpu.memory_space<hbm>>
      tpu.wait_dma2 semaphore(%dma_wait3A_564 : memref<!tpu.dma_semaphore, #tpu.memory_space<semaphore_mem>>) src(%dma_wait3A_567 : memref<40x128xf32, #tpu.memory_space<hbm>>) dst(%arg32 : memref<40x128xf32, #tpu.memory_space<vmem>>)
      %dma_start3A_568 = arith.constant 4 : i32
      %dma_start3A_569 = arith.constant 0 : i32
      %dma_start3A_570 = arith.constant 0 : i32
      %dma_start3A_571 = tpu.memref_slice %arg35[%dma_start3A_569, %dma_start3A_570] : memref<10000x128xf32, #tpu.memory_space<vmem_shared>> -> memref<10000x128xf32, #tpu.memory_space<vmem_shared>>
      %dma_start3A_572 = tpu.memref_slice %arg39[%dma_start3A_568] : memref<5x!tpu.dma_semaphore, #tpu.memory_space<semaphore_mem>> -> memref<1x!tpu.dma_semaphore, #tpu.memory_space<semaphore_mem>>
      %dma_start3A_573 = tpu.memref_squeeze %dma_start3A_572 : memref<1x!tpu.dma_semaphore, #tpu.memory_space<semaphore_mem>> -> memref<!tpu.dma_semaphore, #tpu.memory_space<semaphore_mem>>
      tpu.enqueue_indirect_dma source(%arg32 : memref<40x128xf32, #tpu.memory_space<vmem>>) target(%dma_start3A_571 : memref<10000x128xf32, #tpu.memory_space<vmem_shared>>) offsets(%arg22 : memref<40xi32, #tpu.memory_space<vmem>>) semaphore(%dma_start3A_573 : memref<!tpu.dma_semaphore, #tpu.memory_space<semaphore_mem>>) {add = true}
      %dma_start3A_574 = arith.constant 4 : i32
      %dma_start3A_575 = arith.constant 0 : i32
      %dma_start3A_576 = tpu.memref_slice %arg36[%dma_start3A_575] : memref<10000xf32, #tpu.memory_space<vmem_shared>> -> memref<10000xf32, #tpu.memory_space<vmem_shared>>
      %dma_start3A_577 = tpu.memref_slice %arg39[%dma_start3A_574] : memref<5x!tpu.dma_semaphore, #tpu.memory_space<semaphore_mem>> -> memref<1x!tpu.dma_semaphore, #tpu.memory_space<semaphore_mem>>
      %dma_start3A_578 = tpu.memref_squeeze %dma_start3A_577 : memref<1x!tpu.dma_semaphore, #tpu.memory_space<semaphore_mem>> -> memref<!tpu.dma_semaphore, #tpu.memory_space<semaphore_mem>>
      tpu.enqueue_indirect_dma source(%arg33 : memref<40xf32, #tpu.memory_space<vmem>>) target(%dma_start3A_576 : memref<10000xf32, #tpu.memory_space<vmem_shared>>) offsets(%arg22 : memref<40xi32, #tpu.memory_space<vmem>>) semaphore(%dma_start3A_578 : memref<!tpu.dma_semaphore, #tpu.memory_space<semaphore_mem>>) {add = true}
      %sub3A_579 = arith.constant 1 : i32
      %sub3A_580 = arith.subi %add3A_558, %sub3A_579 : i32
      %add3A_581 = arith.constant 5 : i32
      %add3A_582 = arith.addi %add3A_558, %add3A_581 : i32
      %sub3A_583 = arith.constant 1 : i32
      %sub3A_584 = arith.subi %add3A_582, %sub3A_583 : i32
      %ge3A_585 = arith.constant 0 : i32
      %ge3A_586 = arith.cmpi sge, %sub3A_580, %ge3A_585 : i32
      %lt3A_587 = arith.constant 250 : i32
      %lt3A_588 = arith.cmpi slt, %sub3A_584, %lt3A_587 : i32
      %and3A_589 = arith.andi %ge3A_586, %lt3A_588 : i1
      %convert_element_type3A_590 = arith.extui %and3A_589 : i1 to i32
      %cond3A_591 = arith.constant 0 : i32
      %cond3A_592 = arith.cmpi ne, %convert_element_type3A_590, %cond3A_591 : i32
      scf.if %cond3A_592 {
        %dma_wait3A_826 = arith.constant 3 : i32
        %dma_wait3A_827 = arith.constant 0 : i32
        %dma_wait3A_828 = arith.constant 0 : i32
        %dma_wait3A_829 = tpu.memref_slice %arg2[%dma_wait3A_827, %dma_wait3A_828] : memref<10000x128xf32, #tpu.memory_space<hbm>> -> memref<40x128xf32, #tpu.memory_space<hbm>>
        %dma_wait3A_830 = tpu.memref_slice %arg39[%dma_wait3A_826] : memref<5x!tpu.dma_semaphore, #tpu.memory_space<semaphore_mem>> -> memref<1x!tpu.dma_semaphore, #tpu.memory_space<semaphore_mem>>
        %dma_wait3A_831 = tpu.memref_squeeze %dma_wait3A_830 : memref<1x!tpu.dma_semaphore, #tpu.memory_space<semaphore_mem>> -> memref<!tpu.dma_semaphore, #tpu.memory_space<semaphore_mem>>
        %dma_wait3A_832 = arith.constant 0 : i32
        %dma_wait3A_833 = arith.constant 0 : i32
        %dma_wait3A_834 = tpu.memref_slice %arg2[%dma_wait3A_832, %dma_wait3A_833] : memref<10000x128xf32, #tpu.memory_space<hbm>> -> memref<40x128xf32, #tpu.memory_space<hbm>>
        tpu.wait_dma2 semaphore(%dma_wait3A_831 : memref<!tpu.dma_semaphore, #tpu.memory_space<semaphore_mem>>) src(%dma_wait3A_834 : memref<40x128xf32, #tpu.memory_space<hbm>>) dst(%arg31 : memref<40x128xf32, #tpu.memory_space<vmem>>)
        %dma_wait3A_835 = arith.constant 3 : i32
        %dma_wait3A_836 = arith.constant 0 : i32
        %dma_wait3A_837 = tpu.memref_slice %arg6[%dma_wait3A_836] : memref<10000xf32, #tpu.memory_space<hbm>> -> memref<40xf32, #tpu.memory_space<hbm>>
        %dma_wait3A_838 = tpu.memref_slice %arg39[%dma_wait3A_835] : memref<5x!tpu.dma_semaphore, #tpu.memory_space<semaphore_mem>> -> memref<1x!tpu.dma_semaphore, #tpu.memory_space<semaphore_mem>>
        %dma_wait3A_839 = tpu.memref_squeeze %dma_wait3A_838 : memref<1x!tpu.dma_semaphore, #tpu.memory_space<semaphore_mem>> -> memref<!tpu.dma_semaphore, #tpu.memory_space<semaphore_mem>>
        %dma_wait3A_840 = arith.constant 0 : i32
        %dma_wait3A_841 = tpu.memref_slice %arg6[%dma_wait3A_840] : memref<10000xf32, #tpu.memory_space<hbm>> -> memref<40xf32, #tpu.memory_space<hbm>>
        tpu.wait_dma2 semaphore(%dma_wait3A_839 : memref<!tpu.dma_semaphore, #tpu.memory_space<semaphore_mem>>) src(%dma_wait3A_841 : memref<40xf32, #tpu.memory_space<hbm>>) dst(%arg33 : memref<40xf32, #tpu.memory_space<vmem>>)
        %dma_wait3A_842 = arith.constant 8 : i32
        %dma_wait3A_843 = arith.constant 0 : i32
        %dma_wait3A_844 = tpu.memref_slice %arg3[%dma_wait3A_843] : memref<320000xi32, #tpu.memory_space<hbm>> -> memref<40xi32, #tpu.memory_space<hbm>>
        %dma_wait3A_845 = tpu.memref_slice %arg37[%dma_wait3A_842] : memref<10x!tpu.dma_semaphore, #tpu.memory_space<semaphore_mem>> -> memref<1x!tpu.dma_semaphore, #tpu.memory_space<semaphore_mem>>
        %dma_wait3A_846 = tpu.memref_squeeze %dma_wait3A_845 : memref<1x!tpu.dma_semaphore, #tpu.memory_space<semaphore_mem>> -> memref<!tpu.dma_semaphore, #tpu.memory_space<semaphore_mem>>
        %dma_wait3A_847 = arith.constant 0 : i32
        %dma_wait3A_848 = tpu.memref_slice %arg3[%dma_wait3A_847] : memref<320000xi32, #tpu.memory_space<hbm>> -> memref<40xi32, #tpu.memory_space<hbm>>
        tpu.wait_dma2 semaphore(%dma_wait3A_846 : memref<!tpu.dma_semaphore, #tpu.memory_space<semaphore_mem>>) src(%dma_wait3A_848 : memref<40xi32, #tpu.memory_space<hbm>>) dst(%arg16 : memref<40xi32, #tpu.memory_space<vmem>>)
        %dma_wait3A_849 = arith.constant 8 : i32
        %dma_wait3A_850 = arith.constant 0 : i32
        %dma_wait3A_851 = tpu.memref_slice %arg4[%dma_wait3A_850] : memref<320000xi32, #tpu.memory_space<hbm>> -> memref<40xi32, #tpu.memory_space<hbm>>
        %dma_wait3A_852 = tpu.memref_slice %arg37[%dma_wait3A_849] : memref<10x!tpu.dma_semaphore, #tpu.memory_space<semaphore_mem>> -> memref<1x!tpu.dma_semaphore, #tpu.memory_space<semaphore_mem>>
        %dma_wait3A_853 = tpu.memref_squeeze %dma_wait3A_852 : memref<1x!tpu.dma_semaphore, #tpu.memory_space<semaphore_mem>> -> memref<!tpu.dma_semaphore, #tpu.memory_space<semaphore_mem>>
        %dma_wait3A_854 = arith.constant 0 : i32
        %dma_wait3A_855 = tpu.memref_slice %arg4[%dma_wait3A_854] : memref<320000xi32, #tpu.memory_space<hbm>> -> memref<40xi32, #tpu.memory_space<hbm>>
        tpu.wait_dma2 semaphore(%dma_wait3A_853 : memref<!tpu.dma_semaphore, #tpu.memory_space<semaphore_mem>>) src(%dma_wait3A_855 : memref<40xi32, #tpu.memory_space<hbm>>) dst(%arg26 : memref<40xi32, #tpu.memory_space<vmem>>)
        %dma_start3A_856 = arith.constant 3 : i32
        %dma_start3A_857 = arith.constant 0 : i32
        %dma_start3A_858 = arith.constant 0 : i32
        %dma_start3A_859 = tpu.memref_slice %arg2[%dma_start3A_857, %dma_start3A_858] : memref<10000x128xf32, #tpu.memory_space<hbm>> -> memref<10000x128xf32, #tpu.memory_space<hbm>>
        %dma_start3A_860 = tpu.memref_slice %arg38[%dma_start3A_856] : memref<5x!tpu.dma_semaphore, #tpu.memory_space<semaphore_mem>> -> memref<1x!tpu.dma_semaphore, #tpu.memory_space<semaphore_mem>>
        %dma_start3A_861 = tpu.memref_squeeze %dma_start3A_860 : memref<1x!tpu.dma_semaphore, #tpu.memory_space<semaphore_mem>> -> memref<!tpu.dma_semaphore, #tpu.memory_space<semaphore_mem>>
        tpu.enqueue_indirect_dma source(%dma_start3A_859 : memref<10000x128xf32, #tpu.memory_space<hbm>>) target(%arg31 : memref<40x128xf32, #tpu.memory_space<vmem>>) offsets(%arg16 : memref<40xi32, #tpu.memory_space<vmem>>) semaphore(%dma_start3A_861 : memref<!tpu.dma_semaphore, #tpu.memory_space<semaphore_mem>>)
      } else {
      }
      %add3A_593 = arith.constant 9 : i32
      %add3A_594 = arith.addi %add3A_558, %add3A_593 : i32
      %lt3A_595 = arith.constant 250 : i32
      %lt3A_596 = arith.cmpi slt, %add3A_594, %lt3A_595 : i32
      %convert_element_type3A_597 = arith.extui %lt3A_596 : i1 to i32
      %cond3A_598 = arith.constant 0 : i32
      %cond3A_599 = arith.cmpi ne, %convert_element_type3A_597, %cond3A_598 : i32
      scf.if %cond3A_599 {
        %mul3A_826 = arith.constant 40 : i32
        %mul3A_827 = arith.muli %add3A_594, %mul3A_826 : i32
        %add3A_828 = arith.addi %mul3A_2, %mul3A_827 : i32
        %dma_start3A_829 = arith.constant 3 : i32
        %dma_start3A_830 = tpu.memref_slice %arg3[%add3A_828] : memref<320000xi32, #tpu.memory_space<hbm>> -> memref<40xi32, #tpu.memory_space<hbm>>
        %dma_start3A_831 = tpu.memref_slice %arg37[%dma_start3A_829] : memref<10x!tpu.dma_semaphore, #tpu.memory_space<semaphore_mem>> -> memref<1x!tpu.dma_semaphore, #tpu.memory_space<semaphore_mem>>
        %dma_start3A_832 = tpu.memref_squeeze %dma_start3A_831 : memref<1x!tpu.dma_semaphore, #tpu.memory_space<semaphore_mem>> -> memref<!tpu.dma_semaphore, #tpu.memory_space<semaphore_mem>>
        %dma_start3A_833 = tpu.memref_slice %arg3[%add3A_828] : memref<320000xi32, #tpu.memory_space<hbm>> -> memref<40xi32, #tpu.memory_space<hbm>>
        tpu.enqueue_dma source(%dma_start3A_833 : memref<40xi32, #tpu.memory_space<hbm>>) target(%arg11 : memref<40xi32, #tpu.memory_space<vmem>>) target_semaphore(%dma_start3A_832 : memref<!tpu.dma_semaphore, #tpu.memory_space<semaphore_mem>>)
        %mul3A_834 = arith.constant 40 : i32
        %mul3A_835 = arith.muli %add3A_594, %mul3A_834 : i32
        %add3A_836 = arith.addi %mul3A_2, %mul3A_835 : i32
        %dma_start3A_837 = arith.constant 3 : i32
        %dma_start3A_838 = tpu.memref_slice %arg4[%add3A_836] : memref<320000xi32, #tpu.memory_space<hbm>> -> memref<40xi32, #tpu.memory_space<hbm>>
        %dma_start3A_839 = tpu.memref_slice %arg37[%dma_start3A_837] : memref<10x!tpu.dma_semaphore, #tpu.memory_space<semaphore_mem>> -> memref<1x!tpu.dma_semaphore, #tpu.memory_space<semaphore_mem>>
        %dma_start3A_840 = tpu.memref_squeeze %dma_start3A_839 : memref<1x!tpu.dma_semaphore, #tpu.memory_space<semaphore_mem>> -> memref<!tpu.dma_semaphore, #tpu.memory_space<semaphore_mem>>
        %dma_start3A_841 = tpu.memref_slice %arg4[%add3A_836] : memref<320000xi32, #tpu.memory_space<hbm>> -> memref<40xi32, #tpu.memory_space<hbm>>
        tpu.enqueue_dma source(%dma_start3A_841 : memref<40xi32, #tpu.memory_space<hbm>>) target(%arg21 : memref<40xi32, #tpu.memory_space<vmem>>) target_semaphore(%dma_start3A_840 : memref<!tpu.dma_semaphore, #tpu.memory_space<semaphore_mem>>)
      } else {
      }
      %mul3A_600 = arith.constant 10 : i32
      %mul3A_601 = arith.muli %scan3A_377, %mul3A_600 : i32
      %add3A_602 = arith.constant 5 : i32
      %add3A_603 = arith.addi %mul3A_601, %add3A_602 : i32
      %dma_wait3A_604 = arith.constant 0 : i32
      %dma_wait3A_605 = arith.constant 0 : i32
      %dma_wait3A_606 = arith.constant 0 : i32
      %dma_wait3A_607 = tpu.memref_slice %arg2[%dma_wait3A_605, %dma_wait3A_606] : memref<10000x128xf32, #tpu.memory_space<hbm>> -> memref<40x128xf32, #tpu.memory_space<hbm>>
      %dma_wait3A_608 = tpu.memref_slice %arg38[%dma_wait3A_604] : memref<5x!tpu.dma_semaphore, #tpu.memory_space<semaphore_mem>> -> memref<1x!tpu.dma_semaphore, #tpu.memory_space<semaphore_mem>>
      %dma_wait3A_609 = tpu.memref_squeeze %dma_wait3A_608 : memref<1x!tpu.dma_semaphore, #tpu.memory_space<semaphore_mem>> -> memref<!tpu.dma_semaphore, #tpu.memory_space<semaphore_mem>>
      %dma_wait3A_610 = arith.constant 0 : i32
      %dma_wait3A_611 = arith.constant 0 : i32
      %dma_wait3A_612 = tpu.memref_slice %arg2[%dma_wait3A_610, %dma_wait3A_611] : memref<10000x128xf32, #tpu.memory_space<hbm>> -> memref<40x128xf32, #tpu.memory_space<hbm>>
      tpu.wait_dma2 semaphore(%dma_wait3A_609 : memref<!tpu.dma_semaphore, #tpu.memory_space<semaphore_mem>>) src(%dma_wait3A_612 : memref<40x128xf32, #tpu.memory_space<hbm>>) dst(%arg28 : memref<40x128xf32, #tpu.memory_space<vmem>>)
      %dma_start3A_613 = arith.constant 0 : i32
      %dma_start3A_614 = arith.constant 0 : i32
      %dma_start3A_615 = arith.constant 0 : i32
      %dma_start3A_616 = tpu.memref_slice %arg35[%dma_start3A_614, %dma_start3A_615] : memref<10000x128xf32, #tpu.memory_space<vmem_shared>> -> memref<10000x128xf32, #tpu.memory_space<vmem_shared>>
      %dma_start3A_617 = tpu.memref_slice %arg39[%dma_start3A_613] : memref<5x!tpu.dma_semaphore, #tpu.memory_space<semaphore_mem>> -> memref<1x!tpu.dma_semaphore, #tpu.memory_space<semaphore_mem>>
      %dma_start3A_618 = tpu.memref_squeeze %dma_start3A_617 : memref<1x!tpu.dma_semaphore, #tpu.memory_space<semaphore_mem>> -> memref<!tpu.dma_semaphore, #tpu.memory_space<semaphore_mem>>
      tpu.enqueue_indirect_dma source(%arg28 : memref<40x128xf32, #tpu.memory_space<vmem>>) target(%dma_start3A_616 : memref<10000x128xf32, #tpu.memory_space<vmem_shared>>) offsets(%arg23 : memref<40xi32, #tpu.memory_space<vmem>>) semaphore(%dma_start3A_618 : memref<!tpu.dma_semaphore, #tpu.memory_space<semaphore_mem>>) {add = true}
      %dma_start3A_619 = arith.constant 0 : i32
      %dma_start3A_620 = arith.constant 0 : i32
      %dma_start3A_621 = tpu.memref_slice %arg36[%dma_start3A_620] : memref<10000xf32, #tpu.memory_space<vmem_shared>> -> memref<10000xf32, #tpu.memory_space<vmem_shared>>
      %dma_start3A_622 = tpu.memref_slice %arg39[%dma_start3A_619] : memref<5x!tpu.dma_semaphore, #tpu.memory_space<semaphore_mem>> -> memref<1x!tpu.dma_semaphore, #tpu.memory_space<semaphore_mem>>
      %dma_start3A_623 = tpu.memref_squeeze %dma_start3A_622 : memref<1x!tpu.dma_semaphore, #tpu.memory_space<semaphore_mem>> -> memref<!tpu.dma_semaphore, #tpu.memory_space<semaphore_mem>>
      tpu.enqueue_indirect_dma source(%arg33 : memref<40xf32, #tpu.memory_space<vmem>>) target(%dma_start3A_621 : memref<10000xf32, #tpu.memory_space<vmem_shared>>) offsets(%arg23 : memref<40xi32, #tpu.memory_space<vmem>>) semaphore(%dma_start3A_623 : memref<!tpu.dma_semaphore, #tpu.memory_space<semaphore_mem>>) {add = true}
      %sub3A_624 = arith.constant 1 : i32
      %sub3A_625 = arith.subi %add3A_603, %sub3A_624 : i32
      %add3A_626 = arith.constant 5 : i32
      %add3A_627 = arith.addi %add3A_603, %add3A_626 : i32
      %sub3A_628 = arith.constant 1 : i32
      %sub3A_629 = arith.subi %add3A_627, %sub3A_628 : i32
      %ge3A_630 = arith.constant 0 : i32
      %ge3A_631 = arith.cmpi sge, %sub3A_625, %ge3A_630 : i32
      %lt3A_632 = arith.constant 250 : i32
      %lt3A_633 = arith.cmpi slt, %sub3A_629, %lt3A_632 : i32
      %and3A_634 = arith.andi %ge3A_631, %lt3A_633 : i1
      %convert_element_type3A_635 = arith.extui %and3A_634 : i1 to i32
      %cond3A_636 = arith.constant 0 : i32
      %cond3A_637 = arith.cmpi ne, %convert_element_type3A_635, %cond3A_636 : i32
      scf.if %cond3A_637 {
        %dma_wait3A_826 = arith.constant 4 : i32
        %dma_wait3A_827 = arith.constant 0 : i32
        %dma_wait3A_828 = arith.constant 0 : i32
        %dma_wait3A_829 = tpu.memref_slice %arg2[%dma_wait3A_827, %dma_wait3A_828] : memref<10000x128xf32, #tpu.memory_space<hbm>> -> memref<40x128xf32, #tpu.memory_space<hbm>>
        %dma_wait3A_830 = tpu.memref_slice %arg39[%dma_wait3A_826] : memref<5x!tpu.dma_semaphore, #tpu.memory_space<semaphore_mem>> -> memref<1x!tpu.dma_semaphore, #tpu.memory_space<semaphore_mem>>
        %dma_wait3A_831 = tpu.memref_squeeze %dma_wait3A_830 : memref<1x!tpu.dma_semaphore, #tpu.memory_space<semaphore_mem>> -> memref<!tpu.dma_semaphore, #tpu.memory_space<semaphore_mem>>
        %dma_wait3A_832 = arith.constant 0 : i32
        %dma_wait3A_833 = arith.constant 0 : i32
        %dma_wait3A_834 = tpu.memref_slice %arg2[%dma_wait3A_832, %dma_wait3A_833] : memref<10000x128xf32, #tpu.memory_space<hbm>> -> memref<40x128xf32, #tpu.memory_space<hbm>>
        tpu.wait_dma2 semaphore(%dma_wait3A_831 : memref<!tpu.dma_semaphore, #tpu.memory_space<semaphore_mem>>) src(%dma_wait3A_834 : memref<40x128xf32, #tpu.memory_space<hbm>>) dst(%arg32 : memref<40x128xf32, #tpu.memory_space<vmem>>)
        %dma_wait3A_835 = arith.constant 4 : i32
        %dma_wait3A_836 = arith.constant 0 : i32
        %dma_wait3A_837 = tpu.memref_slice %arg6[%dma_wait3A_836] : memref<10000xf32, #tpu.memory_space<hbm>> -> memref<40xf32, #tpu.memory_space<hbm>>
        %dma_wait3A_838 = tpu.memref_slice %arg39[%dma_wait3A_835] : memref<5x!tpu.dma_semaphore, #tpu.memory_space<semaphore_mem>> -> memref<1x!tpu.dma_semaphore, #tpu.memory_space<semaphore_mem>>
        %dma_wait3A_839 = tpu.memref_squeeze %dma_wait3A_838 : memref<1x!tpu.dma_semaphore, #tpu.memory_space<semaphore_mem>> -> memref<!tpu.dma_semaphore, #tpu.memory_space<semaphore_mem>>
        %dma_wait3A_840 = arith.constant 0 : i32
        %dma_wait3A_841 = tpu.memref_slice %arg6[%dma_wait3A_840] : memref<10000xf32, #tpu.memory_space<hbm>> -> memref<40xf32, #tpu.memory_space<hbm>>
        tpu.wait_dma2 semaphore(%dma_wait3A_839 : memref<!tpu.dma_semaphore, #tpu.memory_space<semaphore_mem>>) src(%dma_wait3A_841 : memref<40xf32, #tpu.memory_space<hbm>>) dst(%arg33 : memref<40xf32, #tpu.memory_space<vmem>>)
        %dma_wait3A_842 = arith.constant 9 : i32
        %dma_wait3A_843 = arith.constant 0 : i32
        %dma_wait3A_844 = tpu.memref_slice %arg3[%dma_wait3A_843] : memref<320000xi32, #tpu.memory_space<hbm>> -> memref<40xi32, #tpu.memory_space<hbm>>
        %dma_wait3A_845 = tpu.memref_slice %arg37[%dma_wait3A_842] : memref<10x!tpu.dma_semaphore, #tpu.memory_space<semaphore_mem>> -> memref<1x!tpu.dma_semaphore, #tpu.memory_space<semaphore_mem>>
        %dma_wait3A_846 = tpu.memref_squeeze %dma_wait3A_845 : memref<1x!tpu.dma_semaphore, #tpu.memory_space<semaphore_mem>> -> memref<!tpu.dma_semaphore, #tpu.memory_space<semaphore_mem>>
        %dma_wait3A_847 = arith.constant 0 : i32
        %dma_wait3A_848 = tpu.memref_slice %arg3[%dma_wait3A_847] : memref<320000xi32, #tpu.memory_space<hbm>> -> memref<40xi32, #tpu.memory_space<hbm>>
        tpu.wait_dma2 semaphore(%dma_wait3A_846 : memref<!tpu.dma_semaphore, #tpu.memory_space<semaphore_mem>>) src(%dma_wait3A_848 : memref<40xi32, #tpu.memory_space<hbm>>) dst(%arg17 : memref<40xi32, #tpu.memory_space<vmem>>)
        %dma_wait3A_849 = arith.constant 9 : i32
        %dma_wait3A_850 = arith.constant 0 : i32
        %dma_wait3A_851 = tpu.memref_slice %arg4[%dma_wait3A_850] : memref<320000xi32, #tpu.memory_space<hbm>> -> memref<40xi32, #tpu.memory_space<hbm>>
        %dma_wait3A_852 = tpu.memref_slice %arg37[%dma_wait3A_849] : memref<10x!tpu.dma_semaphore, #tpu.memory_space<semaphore_mem>> -> memref<1x!tpu.dma_semaphore, #tpu.memory_space<semaphore_mem>>
        %dma_wait3A_853 = tpu.memref_squeeze %dma_wait3A_852 : memref<1x!tpu.dma_semaphore, #tpu.memory_space<semaphore_mem>> -> memref<!tpu.dma_semaphore, #tpu.memory_space<semaphore_mem>>
        %dma_wait3A_854 = arith.constant 0 : i32
        %dma_wait3A_855 = tpu.memref_slice %arg4[%dma_wait3A_854] : memref<320000xi32, #tpu.memory_space<hbm>> -> memref<40xi32, #tpu.memory_space<hbm>>
        tpu.wait_dma2 semaphore(%dma_wait3A_853 : memref<!tpu.dma_semaphore, #tpu.memory_space<semaphore_mem>>) src(%dma_wait3A_855 : memref<40xi32, #tpu.memory_space<hbm>>) dst(%arg27 : memref<40xi32, #tpu.memory_space<vmem>>)
        %dma_start3A_856 = arith.constant 4 : i32
        %dma_start3A_857 = arith.constant 0 : i32
        %dma_start3A_858 = arith.constant 0 : i32
        %dma_start3A_859 = tpu.memref_slice %arg2[%dma_start3A_857, %dma_start3A_858] : memref<10000x128xf32, #tpu.memory_space<hbm>> -> memref<10000x128xf32, #tpu.memory_space<hbm>>
        %dma_start3A_860 = tpu.memref_slice %arg38[%dma_start3A_856] : memref<5x!tpu.dma_semaphore, #tpu.memory_space<semaphore_mem>> -> memref<1x!tpu.dma_semaphore, #tpu.memory_space<semaphore_mem>>
        %dma_start3A_861 = tpu.memref_squeeze %dma_start3A_860 : memref<1x!tpu.dma_semaphore, #tpu.memory_space<semaphore_mem>> -> memref<!tpu.dma_semaphore, #tpu.memory_space<semaphore_mem>>
        tpu.enqueue_indirect_dma source(%dma_start3A_859 : memref<10000x128xf32, #tpu.memory_space<hbm>>) target(%arg32 : memref<40x128xf32, #tpu.memory_space<vmem>>) offsets(%arg17 : memref<40xi32, #tpu.memory_space<vmem>>) semaphore(%dma_start3A_861 : memref<!tpu.dma_semaphore, #tpu.memory_space<semaphore_mem>>)
      } else {
      }
      %add3A_638 = arith.constant 9 : i32
      %add3A_639 = arith.addi %add3A_603, %add3A_638 : i32
      %lt3A_640 = arith.constant 250 : i32
      %lt3A_641 = arith.cmpi slt, %add3A_639, %lt3A_640 : i32
      %convert_element_type3A_642 = arith.extui %lt3A_641 : i1 to i32
      %cond3A_643 = arith.constant 0 : i32
      %cond3A_644 = arith.cmpi ne, %convert_element_type3A_642, %cond3A_643 : i32
      scf.if %cond3A_644 {
        %mul3A_826 = arith.constant 40 : i32
        %mul3A_827 = arith.muli %add3A_639, %mul3A_826 : i32
        %add3A_828 = arith.addi %mul3A_2, %mul3A_827 : i32
        %dma_start3A_829 = arith.constant 4 : i32
        %dma_start3A_830 = tpu.memref_slice %arg3[%add3A_828] : memref<320000xi32, #tpu.memory_space<hbm>> -> memref<40xi32, #tpu.memory_space<hbm>>
        %dma_start3A_831 = tpu.memref_slice %arg37[%dma_start3A_829] : memref<10x!tpu.dma_semaphore, #tpu.memory_space<semaphore_mem>> -> memref<1x!tpu.dma_semaphore, #tpu.memory_space<semaphore_mem>>
        %dma_start3A_832 = tpu.memref_squeeze %dma_start3A_831 : memref<1x!tpu.dma_semaphore, #tpu.memory_space<semaphore_mem>> -> memref<!tpu.dma_semaphore, #tpu.memory_space<semaphore_mem>>
        %dma_start3A_833 = tpu.memref_slice %arg3[%add3A_828] : memref<320000xi32, #tpu.memory_space<hbm>> -> memref<40xi32, #tpu.memory_space<hbm>>
        tpu.enqueue_dma source(%dma_start3A_833 : memref<40xi32, #tpu.memory_space<hbm>>) target(%arg12 : memref<40xi32, #tpu.memory_space<vmem>>) target_semaphore(%dma_start3A_832 : memref<!tpu.dma_semaphore, #tpu.memory_space<semaphore_mem>>)
        %mul3A_834 = arith.constant 40 : i32
        %mul3A_835 = arith.muli %add3A_639, %mul3A_834 : i32
        %add3A_836 = arith.addi %mul3A_2, %mul3A_835 : i32
        %dma_start3A_837 = arith.constant 4 : i32
        %dma_start3A_838 = tpu.memref_slice %arg4[%add3A_836] : memref<320000xi32, #tpu.memory_space<hbm>> -> memref<40xi32, #tpu.memory_space<hbm>>
        %dma_start3A_839 = tpu.memref_slice %arg37[%dma_start3A_837] : memref<10x!tpu.dma_semaphore, #tpu.memory_space<semaphore_mem>> -> memref<1x!tpu.dma_semaphore, #tpu.memory_space<semaphore_mem>>
        %dma_start3A_840 = tpu.memref_squeeze %dma_start3A_839 : memref<1x!tpu.dma_semaphore, #tpu.memory_space<semaphore_mem>> -> memref<!tpu.dma_semaphore, #tpu.memory_space<semaphore_mem>>
        %dma_start3A_841 = tpu.memref_slice %arg4[%add3A_836] : memref<320000xi32, #tpu.memory_space<hbm>> -> memref<40xi32, #tpu.memory_space<hbm>>
        tpu.enqueue_dma source(%dma_start3A_841 : memref<40xi32, #tpu.memory_space<hbm>>) target(%arg22 : memref<40xi32, #tpu.memory_space<vmem>>) target_semaphore(%dma_start3A_840 : memref<!tpu.dma_semaphore, #tpu.memory_space<semaphore_mem>>)
      } else {
      }
      %mul3A_645 = arith.constant 10 : i32
      %mul3A_646 = arith.muli %scan3A_377, %mul3A_645 : i32
      %add3A_647 = arith.constant 6 : i32
      %add3A_648 = arith.addi %mul3A_646, %add3A_647 : i32
      %dma_wait3A_649 = arith.constant 1 : i32
      %dma_wait3A_650 = arith.constant 0 : i32
      %dma_wait3A_651 = arith.constant 0 : i32
      %dma_wait3A_652 = tpu.memref_slice %arg2[%dma_wait3A_650, %dma_wait3A_651] : memref<10000x128xf32, #tpu.memory_space<hbm>> -> memref<40x128xf32, #tpu.memory_space<hbm>>
      %dma_wait3A_653 = tpu.memref_slice %arg38[%dma_wait3A_649] : memref<5x!tpu.dma_semaphore, #tpu.memory_space<semaphore_mem>> -> memref<1x!tpu.dma_semaphore, #tpu.memory_space<semaphore_mem>>
      %dma_wait3A_654 = tpu.memref_squeeze %dma_wait3A_653 : memref<1x!tpu.dma_semaphore, #tpu.memory_space<semaphore_mem>> -> memref<!tpu.dma_semaphore, #tpu.memory_space<semaphore_mem>>
      %dma_wait3A_655 = arith.constant 0 : i32
      %dma_wait3A_656 = arith.constant 0 : i32
      %dma_wait3A_657 = tpu.memref_slice %arg2[%dma_wait3A_655, %dma_wait3A_656] : memref<10000x128xf32, #tpu.memory_space<hbm>> -> memref<40x128xf32, #tpu.memory_space<hbm>>
      tpu.wait_dma2 semaphore(%dma_wait3A_654 : memref<!tpu.dma_semaphore, #tpu.memory_space<semaphore_mem>>) src(%dma_wait3A_657 : memref<40x128xf32, #tpu.memory_space<hbm>>) dst(%arg29 : memref<40x128xf32, #tpu.memory_space<vmem>>)
      %dma_start3A_658 = arith.constant 1 : i32
      %dma_start3A_659 = arith.constant 0 : i32
      %dma_start3A_660 = arith.constant 0 : i32
      %dma_start3A_661 = tpu.memref_slice %arg35[%dma_start3A_659, %dma_start3A_660] : memref<10000x128xf32, #tpu.memory_space<vmem_shared>> -> memref<10000x128xf32, #tpu.memory_space<vmem_shared>>
      %dma_start3A_662 = tpu.memref_slice %arg39[%dma_start3A_658] : memref<5x!tpu.dma_semaphore, #tpu.memory_space<semaphore_mem>> -> memref<1x!tpu.dma_semaphore, #tpu.memory_space<semaphore_mem>>
      %dma_start3A_663 = tpu.memref_squeeze %dma_start3A_662 : memref<1x!tpu.dma_semaphore, #tpu.memory_space<semaphore_mem>> -> memref<!tpu.dma_semaphore, #tpu.memory_space<semaphore_mem>>
      tpu.enqueue_indirect_dma source(%arg29 : memref<40x128xf32, #tpu.memory_space<vmem>>) target(%dma_start3A_661 : memref<10000x128xf32, #tpu.memory_space<vmem_shared>>) offsets(%arg24 : memref<40xi32, #tpu.memory_space<vmem>>) semaphore(%dma_start3A_663 : memref<!tpu.dma_semaphore, #tpu.memory_space<semaphore_mem>>) {add = true}
      %dma_start3A_664 = arith.constant 1 : i32
      %dma_start3A_665 = arith.constant 0 : i32
      %dma_start3A_666 = tpu.memref_slice %arg36[%dma_start3A_665] : memref<10000xf32, #tpu.memory_space<vmem_shared>> -> memref<10000xf32, #tpu.memory_space<vmem_shared>>
      %dma_start3A_667 = tpu.memref_slice %arg39[%dma_start3A_664] : memref<5x!tpu.dma_semaphore, #tpu.memory_space<semaphore_mem>> -> memref<1x!tpu.dma_semaphore, #tpu.memory_space<semaphore_mem>>
      %dma_start3A_668 = tpu.memref_squeeze %dma_start3A_667 : memref<1x!tpu.dma_semaphore, #tpu.memory_space<semaphore_mem>> -> memref<!tpu.dma_semaphore, #tpu.memory_space<semaphore_mem>>
      tpu.enqueue_indirect_dma source(%arg33 : memref<40xf32, #tpu.memory_space<vmem>>) target(%dma_start3A_666 : memref<10000xf32, #tpu.memory_space<vmem_shared>>) offsets(%arg24 : memref<40xi32, #tpu.memory_space<vmem>>) semaphore(%dma_start3A_668 : memref<!tpu.dma_semaphore, #tpu.memory_space<semaphore_mem>>) {add = true}
      %sub3A_669 = arith.constant 1 : i32
      %sub3A_670 = arith.subi %add3A_648, %sub3A_669 : i32
      %add3A_671 = arith.constant 5 : i32
      %add3A_672 = arith.addi %add3A_648, %add3A_671 : i32
      %sub3A_673 = arith.constant 1 : i32
      %sub3A_674 = arith.subi %add3A_672, %sub3A_673 : i32
      %ge3A_675 = arith.constant 0 : i32
      %ge3A_676 = arith.cmpi sge, %sub3A_670, %ge3A_675 : i32
      %lt3A_677 = arith.constant 250 : i32
      %lt3A_678 = arith.cmpi slt, %sub3A_674, %lt3A_677 : i32
      %and3A_679 = arith.andi %ge3A_676, %lt3A_678 : i1
      %convert_element_type3A_680 = arith.extui %and3A_679 : i1 to i32
      %cond3A_681 = arith.constant 0 : i32
      %cond3A_682 = arith.cmpi ne, %convert_element_type3A_680, %cond3A_681 : i32
      scf.if %cond3A_682 {
        %dma_wait3A_826 = arith.constant 0 : i32
        %dma_wait3A_827 = arith.constant 0 : i32
        %dma_wait3A_828 = arith.constant 0 : i32
        %dma_wait3A_829 = tpu.memref_slice %arg2[%dma_wait3A_827, %dma_wait3A_828] : memref<10000x128xf32, #tpu.memory_space<hbm>> -> memref<40x128xf32, #tpu.memory_space<hbm>>
        %dma_wait3A_830 = tpu.memref_slice %arg39[%dma_wait3A_826] : memref<5x!tpu.dma_semaphore, #tpu.memory_space<semaphore_mem>> -> memref<1x!tpu.dma_semaphore, #tpu.memory_space<semaphore_mem>>
        %dma_wait3A_831 = tpu.memref_squeeze %dma_wait3A_830 : memref<1x!tpu.dma_semaphore, #tpu.memory_space<semaphore_mem>> -> memref<!tpu.dma_semaphore, #tpu.memory_space<semaphore_mem>>
        %dma_wait3A_832 = arith.constant 0 : i32
        %dma_wait3A_833 = arith.constant 0 : i32
        %dma_wait3A_834 = tpu.memref_slice %arg2[%dma_wait3A_832, %dma_wait3A_833] : memref<10000x128xf32, #tpu.memory_space<hbm>> -> memref<40x128xf32, #tpu.memory_space<hbm>>
        tpu.wait_dma2 semaphore(%dma_wait3A_831 : memref<!tpu.dma_semaphore, #tpu.memory_space<semaphore_mem>>) src(%dma_wait3A_834 : memref<40x128xf32, #tpu.memory_space<hbm>>) dst(%arg28 : memref<40x128xf32, #tpu.memory_space<vmem>>)
        %dma_wait3A_835 = arith.constant 0 : i32
        %dma_wait3A_836 = arith.constant 0 : i32
        %dma_wait3A_837 = tpu.memref_slice %arg6[%dma_wait3A_836] : memref<10000xf32, #tpu.memory_space<hbm>> -> memref<40xf32, #tpu.memory_space<hbm>>
        %dma_wait3A_838 = tpu.memref_slice %arg39[%dma_wait3A_835] : memref<5x!tpu.dma_semaphore, #tpu.memory_space<semaphore_mem>> -> memref<1x!tpu.dma_semaphore, #tpu.memory_space<semaphore_mem>>
        %dma_wait3A_839 = tpu.memref_squeeze %dma_wait3A_838 : memref<1x!tpu.dma_semaphore, #tpu.memory_space<semaphore_mem>> -> memref<!tpu.dma_semaphore, #tpu.memory_space<semaphore_mem>>
        %dma_wait3A_840 = arith.constant 0 : i32
        %dma_wait3A_841 = tpu.memref_slice %arg6[%dma_wait3A_840] : memref<10000xf32, #tpu.memory_space<hbm>> -> memref<40xf32, #tpu.memory_space<hbm>>
        tpu.wait_dma2 semaphore(%dma_wait3A_839 : memref<!tpu.dma_semaphore, #tpu.memory_space<semaphore_mem>>) src(%dma_wait3A_841 : memref<40xf32, #tpu.memory_space<hbm>>) dst(%arg33 : memref<40xf32, #tpu.memory_space<vmem>>)
        %dma_wait3A_842 = arith.constant 0 : i32
        %dma_wait3A_843 = arith.constant 0 : i32
        %dma_wait3A_844 = tpu.memref_slice %arg3[%dma_wait3A_843] : memref<320000xi32, #tpu.memory_space<hbm>> -> memref<40xi32, #tpu.memory_space<hbm>>
        %dma_wait3A_845 = tpu.memref_slice %arg37[%dma_wait3A_842] : memref<10x!tpu.dma_semaphore, #tpu.memory_space<semaphore_mem>> -> memref<1x!tpu.dma_semaphore, #tpu.memory_space<semaphore_mem>>
        %dma_wait3A_846 = tpu.memref_squeeze %dma_wait3A_845 : memref<1x!tpu.dma_semaphore, #tpu.memory_space<semaphore_mem>> -> memref<!tpu.dma_semaphore, #tpu.memory_space<semaphore_mem>>
        %dma_wait3A_847 = arith.constant 0 : i32
        %dma_wait3A_848 = tpu.memref_slice %arg3[%dma_wait3A_847] : memref<320000xi32, #tpu.memory_space<hbm>> -> memref<40xi32, #tpu.memory_space<hbm>>
        tpu.wait_dma2 semaphore(%dma_wait3A_846 : memref<!tpu.dma_semaphore, #tpu.memory_space<semaphore_mem>>) src(%dma_wait3A_848 : memref<40xi32, #tpu.memory_space<hbm>>) dst(%arg8 : memref<40xi32, #tpu.memory_space<vmem>>)
        %dma_wait3A_849 = arith.constant 0 : i32
        %dma_wait3A_850 = arith.constant 0 : i32
        %dma_wait3A_851 = tpu.memref_slice %arg4[%dma_wait3A_850] : memref<320000xi32, #tpu.memory_space<hbm>> -> memref<40xi32, #tpu.memory_space<hbm>>
        %dma_wait3A_852 = tpu.memref_slice %arg37[%dma_wait3A_849] : memref<10x!tpu.dma_semaphore, #tpu.memory_space<semaphore_mem>> -> memref<1x!tpu.dma_semaphore, #tpu.memory_space<semaphore_mem>>
        %dma_wait3A_853 = tpu.memref_squeeze %dma_wait3A_852 : memref<1x!tpu.dma_semaphore, #tpu.memory_space<semaphore_mem>> -> memref<!tpu.dma_semaphore, #tpu.memory_space<semaphore_mem>>
        %dma_wait3A_854 = arith.constant 0 : i32
        %dma_wait3A_855 = tpu.memref_slice %arg4[%dma_wait3A_854] : memref<320000xi32, #tpu.memory_space<hbm>> -> memref<40xi32, #tpu.memory_space<hbm>>
        tpu.wait_dma2 semaphore(%dma_wait3A_853 : memref<!tpu.dma_semaphore, #tpu.memory_space<semaphore_mem>>) src(%dma_wait3A_855 : memref<40xi32, #tpu.memory_space<hbm>>) dst(%arg18 : memref<40xi32, #tpu.memory_space<vmem>>)
        %dma_start3A_856 = arith.constant 0 : i32
        %dma_start3A_857 = arith.constant 0 : i32
        %dma_start3A_858 = arith.constant 0 : i32
        %dma_start3A_859 = tpu.memref_slice %arg2[%dma_start3A_857, %dma_start3A_858] : memref<10000x128xf32, #tpu.memory_space<hbm>> -> memref<10000x128xf32, #tpu.memory_space<hbm>>
        %dma_start3A_860 = tpu.memref_slice %arg38[%dma_start3A_856] : memref<5x!tpu.dma_semaphore, #tpu.memory_space<semaphore_mem>> -> memref<1x!tpu.dma_semaphore, #tpu.memory_space<semaphore_mem>>
        %dma_start3A_861 = tpu.memref_squeeze %dma_start3A_860 : memref<1x!tpu.dma_semaphore, #tpu.memory_space<semaphore_mem>> -> memref<!tpu.dma_semaphore, #tpu.memory_space<semaphore_mem>>
        tpu.enqueue_indirect_dma source(%dma_start3A_859 : memref<10000x128xf32, #tpu.memory_space<hbm>>) target(%arg28 : memref<40x128xf32, #tpu.memory_space<vmem>>) offsets(%arg8 : memref<40xi32, #tpu.memory_space<vmem>>) semaphore(%dma_start3A_861 : memref<!tpu.dma_semaphore, #tpu.memory_space<semaphore_mem>>)
      } else {
      }
      %add3A_683 = arith.constant 9 : i32
      %add3A_684 = arith.addi %add3A_648, %add3A_683 : i32
      %lt3A_685 = arith.constant 250 : i32
      %lt3A_686 = arith.cmpi slt, %add3A_684, %lt3A_685 : i32
      %convert_element_type3A_687 = arith.extui %lt3A_686 : i1 to i32
      %cond3A_688 = arith.constant 0 : i32
      %cond3A_689 = arith.cmpi ne, %convert_element_type3A_687, %cond3A_688 : i32
      scf.if %cond3A_689 {
        %mul3A_826 = arith.constant 40 : i32
        %mul3A_827 = arith.muli %add3A_684, %mul3A_826 : i32
        %add3A_828 = arith.addi %mul3A_2, %mul3A_827 : i32
        %dma_start3A_829 = arith.constant 5 : i32
        %dma_start3A_830 = tpu.memref_slice %arg3[%add3A_828] : memref<320000xi32, #tpu.memory_space<hbm>> -> memref<40xi32, #tpu.memory_space<hbm>>
        %dma_start3A_831 = tpu.memref_slice %arg37[%dma_start3A_829] : memref<10x!tpu.dma_semaphore, #tpu.memory_space<semaphore_mem>> -> memref<1x!tpu.dma_semaphore, #tpu.memory_space<semaphore_mem>>
        %dma_start3A_832 = tpu.memref_squeeze %dma_start3A_831 : memref<1x!tpu.dma_semaphore, #tpu.memory_space<semaphore_mem>> -> memref<!tpu.dma_semaphore, #tpu.memory_space<semaphore_mem>>
        %dma_start3A_833 = tpu.memref_slice %arg3[%add3A_828] : memref<320000xi32, #tpu.memory_space<hbm>> -> memref<40xi32, #tpu.memory_space<hbm>>
        tpu.enqueue_dma source(%dma_start3A_833 : memref<40xi32, #tpu.memory_space<hbm>>) target(%arg13 : memref<40xi32, #tpu.memory_space<vmem>>) target_semaphore(%dma_start3A_832 : memref<!tpu.dma_semaphore, #tpu.memory_space<semaphore_mem>>)
        %mul3A_834 = arith.constant 40 : i32
        %mul3A_835 = arith.muli %add3A_684, %mul3A_834 : i32
        %add3A_836 = arith.addi %mul3A_2, %mul3A_835 : i32
        %dma_start3A_837 = arith.constant 5 : i32
        %dma_start3A_838 = tpu.memref_slice %arg4[%add3A_836] : memref<320000xi32, #tpu.memory_space<hbm>> -> memref<40xi32, #tpu.memory_space<hbm>>
        %dma_start3A_839 = tpu.memref_slice %arg37[%dma_start3A_837] : memref<10x!tpu.dma_semaphore, #tpu.memory_space<semaphore_mem>> -> memref<1x!tpu.dma_semaphore, #tpu.memory_space<semaphore_mem>>
        %dma_start3A_840 = tpu.memref_squeeze %dma_start3A_839 : memref<1x!tpu.dma_semaphore, #tpu.memory_space<semaphore_mem>> -> memref<!tpu.dma_semaphore, #tpu.memory_space<semaphore_mem>>
        %dma_start3A_841 = tpu.memref_slice %arg4[%add3A_836] : memref<320000xi32, #tpu.memory_space<hbm>> -> memref<40xi32, #tpu.memory_space<hbm>>
        tpu.enqueue_dma source(%dma_start3A_841 : memref<40xi32, #tpu.memory_space<hbm>>) target(%arg23 : memref<40xi32, #tpu.memory_space<vmem>>) target_semaphore(%dma_start3A_840 : memref<!tpu.dma_semaphore, #tpu.memory_space<semaphore_mem>>)
      } else {
      }
      %mul3A_690 = arith.constant 10 : i32
      %mul3A_691 = arith.muli %scan3A_377, %mul3A_690 : i32
      %add3A_692 = arith.constant 7 : i32
      %add3A_693 = arith.addi %mul3A_691, %add3A_692 : i32
      %dma_wait3A_694 = arith.constant 2 : i32
      %dma_wait3A_695 = arith.constant 0 : i32
      %dma_wait3A_696 = arith.constant 0 : i32
      %dma_wait3A_697 = tpu.memref_slice %arg2[%dma_wait3A_695, %dma_wait3A_696] : memref<10000x128xf32, #tpu.memory_space<hbm>> -> memref<40x128xf32, #tpu.memory_space<hbm>>
      %dma_wait3A_698 = tpu.memref_slice %arg38[%dma_wait3A_694] : memref<5x!tpu.dma_semaphore, #tpu.memory_space<semaphore_mem>> -> memref<1x!tpu.dma_semaphore, #tpu.memory_space<semaphore_mem>>
      %dma_wait3A_699 = tpu.memref_squeeze %dma_wait3A_698 : memref<1x!tpu.dma_semaphore, #tpu.memory_space<semaphore_mem>> -> memref<!tpu.dma_semaphore, #tpu.memory_space<semaphore_mem>>
      %dma_wait3A_700 = arith.constant 0 : i32
      %dma_wait3A_701 = arith.constant 0 : i32
      %dma_wait3A_702 = tpu.memref_slice %arg2[%dma_wait3A_700, %dma_wait3A_701] : memref<10000x128xf32, #tpu.memory_space<hbm>> -> memref<40x128xf32, #tpu.memory_space<hbm>>
      tpu.wait_dma2 semaphore(%dma_wait3A_699 : memref<!tpu.dma_semaphore, #tpu.memory_space<semaphore_mem>>) src(%dma_wait3A_702 : memref<40x128xf32, #tpu.memory_space<hbm>>) dst(%arg30 : memref<40x128xf32, #tpu.memory_space<vmem>>)
      %dma_start3A_703 = arith.constant 2 : i32
      %dma_start3A_704 = arith.constant 0 : i32
      %dma_start3A_705 = arith.constant 0 : i32
      %dma_start3A_706 = tpu.memref_slice %arg35[%dma_start3A_704, %dma_start3A_705] : memref<10000x128xf32, #tpu.memory_space<vmem_shared>> -> memref<10000x128xf32, #tpu.memory_space<vmem_shared>>
      %dma_start3A_707 = tpu.memref_slice %arg39[%dma_start3A_703] : memref<5x!tpu.dma_semaphore, #tpu.memory_space<semaphore_mem>> -> memref<1x!tpu.dma_semaphore, #tpu.memory_space<semaphore_mem>>
      %dma_start3A_708 = tpu.memref_squeeze %dma_start3A_707 : memref<1x!tpu.dma_semaphore, #tpu.memory_space<semaphore_mem>> -> memref<!tpu.dma_semaphore, #tpu.memory_space<semaphore_mem>>
      tpu.enqueue_indirect_dma source(%arg30 : memref<40x128xf32, #tpu.memory_space<vmem>>) target(%dma_start3A_706 : memref<10000x128xf32, #tpu.memory_space<vmem_shared>>) offsets(%arg25 : memref<40xi32, #tpu.memory_space<vmem>>) semaphore(%dma_start3A_708 : memref<!tpu.dma_semaphore, #tpu.memory_space<semaphore_mem>>) {add = true}
      %dma_start3A_709 = arith.constant 2 : i32
      %dma_start3A_710 = arith.constant 0 : i32
      %dma_start3A_711 = tpu.memref_slice %arg36[%dma_start3A_710] : memref<10000xf32, #tpu.memory_space<vmem_shared>> -> memref<10000xf32, #tpu.memory_space<vmem_shared>>
      %dma_start3A_712 = tpu.memref_slice %arg39[%dma_start3A_709] : memref<5x!tpu.dma_semaphore, #tpu.memory_space<semaphore_mem>> -> memref<1x!tpu.dma_semaphore, #tpu.memory_space<semaphore_mem>>
      %dma_start3A_713 = tpu.memref_squeeze %dma_start3A_712 : memref<1x!tpu.dma_semaphore, #tpu.memory_space<semaphore_mem>> -> memref<!tpu.dma_semaphore, #tpu.memory_space<semaphore_mem>>
      tpu.enqueue_indirect_dma source(%arg33 : memref<40xf32, #tpu.memory_space<vmem>>) target(%dma_start3A_711 : memref<10000xf32, #tpu.memory_space<vmem_shared>>) offsets(%arg25 : memref<40xi32, #tpu.memory_space<vmem>>) semaphore(%dma_start3A_713 : memref<!tpu.dma_semaphore, #tpu.memory_space<semaphore_mem>>) {add = true}
      %sub3A_714 = arith.constant 1 : i32
      %sub3A_715 = arith.subi %add3A_693, %sub3A_714 : i32
      %add3A_716 = arith.constant 5 : i32
      %add3A_717 = arith.addi %add3A_693, %add3A_716 : i32
      %sub3A_718 = arith.constant 1 : i32
      %sub3A_719 = arith.subi %add3A_717, %sub3A_718 : i32
      %ge3A_720 = arith.constant 0 : i32
      %ge3A_721 = arith.cmpi sge, %sub3A_715, %ge3A_720 : i32
      %lt3A_722 = arith.constant 250 : i32
      %lt3A_723 = arith.cmpi slt, %sub3A_719, %lt3A_722 : i32
      %and3A_724 = arith.andi %ge3A_721, %lt3A_723 : i1
      %convert_element_type3A_725 = arith.extui %and3A_724 : i1 to i32
      %cond3A_726 = arith.constant 0 : i32
      %cond3A_727 = arith.cmpi ne, %convert_element_type3A_725, %cond3A_726 : i32
      scf.if %cond3A_727 {
        %dma_wait3A_826 = arith.constant 1 : i32
        %dma_wait3A_827 = arith.constant 0 : i32
        %dma_wait3A_828 = arith.constant 0 : i32
        %dma_wait3A_829 = tpu.memref_slice %arg2[%dma_wait3A_827, %dma_wait3A_828] : memref<10000x128xf32, #tpu.memory_space<hbm>> -> memref<40x128xf32, #tpu.memory_space<hbm>>
        %dma_wait3A_830 = tpu.memref_slice %arg39[%dma_wait3A_826] : memref<5x!tpu.dma_semaphore, #tpu.memory_space<semaphore_mem>> -> memref<1x!tpu.dma_semaphore, #tpu.memory_space<semaphore_mem>>
        %dma_wait3A_831 = tpu.memref_squeeze %dma_wait3A_830 : memref<1x!tpu.dma_semaphore, #tpu.memory_space<semaphore_mem>> -> memref<!tpu.dma_semaphore, #tpu.memory_space<semaphore_mem>>
        %dma_wait3A_832 = arith.constant 0 : i32
        %dma_wait3A_833 = arith.constant 0 : i32
        %dma_wait3A_834 = tpu.memref_slice %arg2[%dma_wait3A_832, %dma_wait3A_833] : memref<10000x128xf32, #tpu.memory_space<hbm>> -> memref<40x128xf32, #tpu.memory_space<hbm>>
        tpu.wait_dma2 semaphore(%dma_wait3A_831 : memref<!tpu.dma_semaphore, #tpu.memory_space<semaphore_mem>>) src(%dma_wait3A_834 : memref<40x128xf32, #tpu.memory_space<hbm>>) dst(%arg29 : memref<40x128xf32, #tpu.memory_space<vmem>>)
        %dma_wait3A_835 = arith.constant 1 : i32
        %dma_wait3A_836 = arith.constant 0 : i32
        %dma_wait3A_837 = tpu.memref_slice %arg6[%dma_wait3A_836] : memref<10000xf32, #tpu.memory_space<hbm>> -> memref<40xf32, #tpu.memory_space<hbm>>
        %dma_wait3A_838 = tpu.memref_slice %arg39[%dma_wait3A_835] : memref<5x!tpu.dma_semaphore, #tpu.memory_space<semaphore_mem>> -> memref<1x!tpu.dma_semaphore, #tpu.memory_space<semaphore_mem>>
        %dma_wait3A_839 = tpu.memref_squeeze %dma_wait3A_838 : memref<1x!tpu.dma_semaphore, #tpu.memory_space<semaphore_mem>> -> memref<!tpu.dma_semaphore, #tpu.memory_space<semaphore_mem>>
        %dma_wait3A_840 = arith.constant 0 : i32
        %dma_wait3A_841 = tpu.memref_slice %arg6[%dma_wait3A_840] : memref<10000xf32, #tpu.memory_space<hbm>> -> memref<40xf32, #tpu.memory_space<hbm>>
        tpu.wait_dma2 semaphore(%dma_wait3A_839 : memref<!tpu.dma_semaphore, #tpu.memory_space<semaphore_mem>>) src(%dma_wait3A_841 : memref<40xf32, #tpu.memory_space<hbm>>) dst(%arg33 : memref<40xf32, #tpu.memory_space<vmem>>)
        %dma_wait3A_842 = arith.constant 1 : i32
        %dma_wait3A_843 = arith.constant 0 : i32
        %dma_wait3A_844 = tpu.memref_slice %arg3[%dma_wait3A_843] : memref<320000xi32, #tpu.memory_space<hbm>> -> memref<40xi32, #tpu.memory_space<hbm>>
        %dma_wait3A_845 = tpu.memref_slice %arg37[%dma_wait3A_842] : memref<10x!tpu.dma_semaphore, #tpu.memory_space<semaphore_mem>> -> memref<1x!tpu.dma_semaphore, #tpu.memory_space<semaphore_mem>>
        %dma_wait3A_846 = tpu.memref_squeeze %dma_wait3A_845 : memref<1x!tpu.dma_semaphore, #tpu.memory_space<semaphore_mem>> -> memref<!tpu.dma_semaphore, #tpu.memory_space<semaphore_mem>>
        %dma_wait3A_847 = arith.constant 0 : i32
        %dma_wait3A_848 = tpu.memref_slice %arg3[%dma_wait3A_847] : memref<320000xi32, #tpu.memory_space<hbm>> -> memref<40xi32, #tpu.memory_space<hbm>>
        tpu.wait_dma2 semaphore(%dma_wait3A_846 : memref<!tpu.dma_semaphore, #tpu.memory_space<semaphore_mem>>) src(%dma_wait3A_848 : memref<40xi32, #tpu.memory_space<hbm>>) dst(%arg9 : memref<40xi32, #tpu.memory_space<vmem>>)
        %dma_wait3A_849 = arith.constant 1 : i32
        %dma_wait3A_850 = arith.constant 0 : i32
        %dma_wait3A_851 = tpu.memref_slice %arg4[%dma_wait3A_850] : memref<320000xi32, #tpu.memory_space<hbm>> -> memref<40xi32, #tpu.memory_space<hbm>>
        %dma_wait3A_852 = tpu.memref_slice %arg37[%dma_wait3A_849] : memref<10x!tpu.dma_semaphore, #tpu.memory_space<semaphore_mem>> -> memref<1x!tpu.dma_semaphore, #tpu.memory_space<semaphore_mem>>
        %dma_wait3A_853 = tpu.memref_squeeze %dma_wait3A_852 : memref<1x!tpu.dma_semaphore, #tpu.memory_space<semaphore_mem>> -> memref<!tpu.dma_semaphore, #tpu.memory_space<semaphore_mem>>
        %dma_wait3A_854 = arith.constant 0 : i32
        %dma_wait3A_855 = tpu.memref_slice %arg4[%dma_wait3A_854] : memref<320000xi32, #tpu.memory_space<hbm>> -> memref<40xi32, #tpu.memory_space<hbm>>
        tpu.wait_dma2 semaphore(%dma_wait3A_853 : memref<!tpu.dma_semaphore, #tpu.memory_space<semaphore_mem>>) src(%dma_wait3A_855 : memref<40xi32, #tpu.memory_space<hbm>>) dst(%arg19 : memref<40xi32, #tpu.memory_space<vmem>>)
        %dma_start3A_856 = arith.constant 1 : i32
        %dma_start3A_857 = arith.constant 0 : i32
        %dma_start3A_858 = arith.constant 0 : i32
        %dma_start3A_859 = tpu.memref_slice %arg2[%dma_start3A_857, %dma_start3A_858] : memref<10000x128xf32, #tpu.memory_space<hbm>> -> memref<10000x128xf32, #tpu.memory_space<hbm>>
        %dma_start3A_860 = tpu.memref_slice %arg38[%dma_start3A_856] : memref<5x!tpu.dma_semaphore, #tpu.memory_space<semaphore_mem>> -> memref<1x!tpu.dma_semaphore, #tpu.memory_space<semaphore_mem>>
        %dma_start3A_861 = tpu.memref_squeeze %dma_start3A_860 : memref<1x!tpu.dma_semaphore, #tpu.memory_space<semaphore_mem>> -> memref<!tpu.dma_semaphore, #tpu.memory_space<semaphore_mem>>
        tpu.enqueue_indirect_dma source(%dma_start3A_859 : memref<10000x128xf32, #tpu.memory_space<hbm>>) target(%arg29 : memref<40x128xf32, #tpu.memory_space<vmem>>) offsets(%arg9 : memref<40xi32, #tpu.memory_space<vmem>>) semaphore(%dma_start3A_861 : memref<!tpu.dma_semaphore, #tpu.memory_space<semaphore_mem>>)
      } else {
      }
      %add3A_728 = arith.constant 9 : i32
      %add3A_729 = arith.addi %add3A_693, %add3A_728 : i32
      %lt3A_730 = arith.constant 250 : i32
      %lt3A_731 = arith.cmpi slt, %add3A_729, %lt3A_730 : i32
      %convert_element_type3A_732 = arith.extui %lt3A_731 : i1 to i32
      %cond3A_733 = arith.constant 0 : i32
      %cond3A_734 = arith.cmpi ne, %convert_element_type3A_732, %cond3A_733 : i32
      scf.if %cond3A_734 {
        %mul3A_826 = arith.constant 40 : i32
        %mul3A_827 = arith.muli %add3A_729, %mul3A_826 : i32
        %add3A_828 = arith.addi %mul3A_2, %mul3A_827 : i32
        %dma_start3A_829 = arith.constant 6 : i32
        %dma_start3A_830 = tpu.memref_slice %arg3[%add3A_828] : memref<320000xi32, #tpu.memory_space<hbm>> -> memref<40xi32, #tpu.memory_space<hbm>>
        %dma_start3A_831 = tpu.memref_slice %arg37[%dma_start3A_829] : memref<10x!tpu.dma_semaphore, #tpu.memory_space<semaphore_mem>> -> memref<1x!tpu.dma_semaphore, #tpu.memory_space<semaphore_mem>>
        %dma_start3A_832 = tpu.memref_squeeze %dma_start3A_831 : memref<1x!tpu.dma_semaphore, #tpu.memory_space<semaphore_mem>> -> memref<!tpu.dma_semaphore, #tpu.memory_space<semaphore_mem>>
        %dma_start3A_833 = tpu.memref_slice %arg3[%add3A_828] : memref<320000xi32, #tpu.memory_space<hbm>> -> memref<40xi32, #tpu.memory_space<hbm>>
        tpu.enqueue_dma source(%dma_start3A_833 : memref<40xi32, #tpu.memory_space<hbm>>) target(%arg14 : memref<40xi32, #tpu.memory_space<vmem>>) target_semaphore(%dma_start3A_832 : memref<!tpu.dma_semaphore, #tpu.memory_space<semaphore_mem>>)
        %mul3A_834 = arith.constant 40 : i32
        %mul3A_835 = arith.muli %add3A_729, %mul3A_834 : i32
        %add3A_836 = arith.addi %mul3A_2, %mul3A_835 : i32
        %dma_start3A_837 = arith.constant 6 : i32
        %dma_start3A_838 = tpu.memref_slice %arg4[%add3A_836] : memref<320000xi32, #tpu.memory_space<hbm>> -> memref<40xi32, #tpu.memory_space<hbm>>
        %dma_start3A_839 = tpu.memref_slice %arg37[%dma_start3A_837] : memref<10x!tpu.dma_semaphore, #tpu.memory_space<semaphore_mem>> -> memref<1x!tpu.dma_semaphore, #tpu.memory_space<semaphore_mem>>
        %dma_start3A_840 = tpu.memref_squeeze %dma_start3A_839 : memref<1x!tpu.dma_semaphore, #tpu.memory_space<semaphore_mem>> -> memref<!tpu.dma_semaphore, #tpu.memory_space<semaphore_mem>>
        %dma_start3A_841 = tpu.memref_slice %arg4[%add3A_836] : memref<320000xi32, #tpu.memory_space<hbm>> -> memref<40xi32, #tpu.memory_space<hbm>>
        tpu.enqueue_dma source(%dma_start3A_841 : memref<40xi32, #tpu.memory_space<hbm>>) target(%arg24 : memref<40xi32, #tpu.memory_space<vmem>>) target_semaphore(%dma_start3A_840 : memref<!tpu.dma_semaphore, #tpu.memory_space<semaphore_mem>>)
      } else {
      }
      %mul3A_735 = arith.constant 10 : i32
      %mul3A_736 = arith.muli %scan3A_377, %mul3A_735 : i32
      %add3A_737 = arith.constant 8 : i32
      %add3A_738 = arith.addi %mul3A_736, %add3A_737 : i32
      %dma_wait3A_739 = arith.constant 3 : i32
      %dma_wait3A_740 = arith.constant 0 : i32
      %dma_wait3A_741 = arith.constant 0 : i32
      %dma_wait3A_742 = tpu.memref_slice %arg2[%dma_wait3A_740, %dma_wait3A_741] : memref<10000x128xf32, #tpu.memory_space<hbm>> -> memref<40x128xf32, #tpu.memory_space<hbm>>
      %dma_wait3A_743 = tpu.memref_slice %arg38[%dma_wait3A_739] : memref<5x!tpu.dma_semaphore, #tpu.memory_space<semaphore_mem>> -> memref<1x!tpu.dma_semaphore, #tpu.memory_space<semaphore_mem>>
      %dma_wait3A_744 = tpu.memref_squeeze %dma_wait3A_743 : memref<1x!tpu.dma_semaphore, #tpu.memory_space<semaphore_mem>> -> memref<!tpu.dma_semaphore, #tpu.memory_space<semaphore_mem>>
      %dma_wait3A_745 = arith.constant 0 : i32
      %dma_wait3A_746 = arith.constant 0 : i32
      %dma_wait3A_747 = tpu.memref_slice %arg2[%dma_wait3A_745, %dma_wait3A_746] : memref<10000x128xf32, #tpu.memory_space<hbm>> -> memref<40x128xf32, #tpu.memory_space<hbm>>
      tpu.wait_dma2 semaphore(%dma_wait3A_744 : memref<!tpu.dma_semaphore, #tpu.memory_space<semaphore_mem>>) src(%dma_wait3A_747 : memref<40x128xf32, #tpu.memory_space<hbm>>) dst(%arg31 : memref<40x128xf32, #tpu.memory_space<vmem>>)
      %dma_start3A_748 = arith.constant 3 : i32
      %dma_start3A_749 = arith.constant 0 : i32
      %dma_start3A_750 = arith.constant 0 : i32
      %dma_start3A_751 = tpu.memref_slice %arg35[%dma_start3A_749, %dma_start3A_750] : memref<10000x128xf32, #tpu.memory_space<vmem_shared>> -> memref<10000x128xf32, #tpu.memory_space<vmem_shared>>
      %dma_start3A_752 = tpu.memref_slice %arg39[%dma_start3A_748] : memref<5x!tpu.dma_semaphore, #tpu.memory_space<semaphore_mem>> -> memref<1x!tpu.dma_semaphore, #tpu.memory_space<semaphore_mem>>
      %dma_start3A_753 = tpu.memref_squeeze %dma_start3A_752 : memref<1x!tpu.dma_semaphore, #tpu.memory_space<semaphore_mem>> -> memref<!tpu.dma_semaphore, #tpu.memory_space<semaphore_mem>>
      tpu.enqueue_indirect_dma source(%arg31 : memref<40x128xf32, #tpu.memory_space<vmem>>) target(%dma_start3A_751 : memref<10000x128xf32, #tpu.memory_space<vmem_shared>>) offsets(%arg26 : memref<40xi32, #tpu.memory_space<vmem>>) semaphore(%dma_start3A_753 : memref<!tpu.dma_semaphore, #tpu.memory_space<semaphore_mem>>) {add = true}
      %dma_start3A_754 = arith.constant 3 : i32
      %dma_start3A_755 = arith.constant 0 : i32
      %dma_start3A_756 = tpu.memref_slice %arg36[%dma_start3A_755] : memref<10000xf32, #tpu.memory_space<vmem_shared>> -> memref<10000xf32, #tpu.memory_space<vmem_shared>>
      %dma_start3A_757 = tpu.memref_slice %arg39[%dma_start3A_754] : memref<5x!tpu.dma_semaphore, #tpu.memory_space<semaphore_mem>> -> memref<1x!tpu.dma_semaphore, #tpu.memory_space<semaphore_mem>>
      %dma_start3A_758 = tpu.memref_squeeze %dma_start3A_757 : memref<1x!tpu.dma_semaphore, #tpu.memory_space<semaphore_mem>> -> memref<!tpu.dma_semaphore, #tpu.memory_space<semaphore_mem>>
      tpu.enqueue_indirect_dma source(%arg33 : memref<40xf32, #tpu.memory_space<vmem>>) target(%dma_start3A_756 : memref<10000xf32, #tpu.memory_space<vmem_shared>>) offsets(%arg26 : memref<40xi32, #tpu.memory_space<vmem>>) semaphore(%dma_start3A_758 : memref<!tpu.dma_semaphore, #tpu.memory_space<semaphore_mem>>) {add = true}
      %sub3A_759 = arith.constant 1 : i32
      %sub3A_760 = arith.subi %add3A_738, %sub3A_759 : i32
      %add3A_761 = arith.constant 5 : i32
      %add3A_762 = arith.addi %add3A_738, %add3A_761 : i32
      %sub3A_763 = arith.constant 1 : i32
      %sub3A_764 = arith.subi %add3A_762, %sub3A_763 : i32
      %ge3A_765 = arith.constant 0 : i32
      %ge3A_766 = arith.cmpi sge, %sub3A_760, %ge3A_765 : i32
      %lt3A_767 = arith.constant 250 : i32
      %lt3A_768 = arith.cmpi slt, %sub3A_764, %lt3A_767 : i32
      %and3A_769 = arith.andi %ge3A_766, %lt3A_768 : i1
      %convert_element_type3A_770 = arith.extui %and3A_769 : i1 to i32
      %cond3A_771 = arith.constant 0 : i32
      %cond3A_772 = arith.cmpi ne, %convert_element_type3A_770, %cond3A_771 : i32
      scf.if %cond3A_772 {
        %dma_wait3A_826 = arith.constant 2 : i32
        %dma_wait3A_827 = arith.constant 0 : i32
        %dma_wait3A_828 = arith.constant 0 : i32
        %dma_wait3A_829 = tpu.memref_slice %arg2[%dma_wait3A_827, %dma_wait3A_828] : memref<10000x128xf32, #tpu.memory_space<hbm>> -> memref<40x128xf32, #tpu.memory_space<hbm>>
        %dma_wait3A_830 = tpu.memref_slice %arg39[%dma_wait3A_826] : memref<5x!tpu.dma_semaphore, #tpu.memory_space<semaphore_mem>> -> memref<1x!tpu.dma_semaphore, #tpu.memory_space<semaphore_mem>>
        %dma_wait3A_831 = tpu.memref_squeeze %dma_wait3A_830 : memref<1x!tpu.dma_semaphore, #tpu.memory_space<semaphore_mem>> -> memref<!tpu.dma_semaphore, #tpu.memory_space<semaphore_mem>>
        %dma_wait3A_832 = arith.constant 0 : i32
        %dma_wait3A_833 = arith.constant 0 : i32
        %dma_wait3A_834 = tpu.memref_slice %arg2[%dma_wait3A_832, %dma_wait3A_833] : memref<10000x128xf32, #tpu.memory_space<hbm>> -> memref<40x128xf32, #tpu.memory_space<hbm>>
        tpu.wait_dma2 semaphore(%dma_wait3A_831 : memref<!tpu.dma_semaphore, #tpu.memory_space<semaphore_mem>>) src(%dma_wait3A_834 : memref<40x128xf32, #tpu.memory_space<hbm>>) dst(%arg30 : memref<40x128xf32, #tpu.memory_space<vmem>>)
        %dma_wait3A_835 = arith.constant 2 : i32
        %dma_wait3A_836 = arith.constant 0 : i32
        %dma_wait3A_837 = tpu.memref_slice %arg6[%dma_wait3A_836] : memref<10000xf32, #tpu.memory_space<hbm>> -> memref<40xf32, #tpu.memory_space<hbm>>
        %dma_wait3A_838 = tpu.memref_slice %arg39[%dma_wait3A_835] : memref<5x!tpu.dma_semaphore, #tpu.memory_space<semaphore_mem>> -> memref<1x!tpu.dma_semaphore, #tpu.memory_space<semaphore_mem>>
        %dma_wait3A_839 = tpu.memref_squeeze %dma_wait3A_838 : memref<1x!tpu.dma_semaphore, #tpu.memory_space<semaphore_mem>> -> memref<!tpu.dma_semaphore, #tpu.memory_space<semaphore_mem>>
        %dma_wait3A_840 = arith.constant 0 : i32
        %dma_wait3A_841 = tpu.memref_slice %arg6[%dma_wait3A_840] : memref<10000xf32, #tpu.memory_space<hbm>> -> memref<40xf32, #tpu.memory_space<hbm>>
        tpu.wait_dma2 semaphore(%dma_wait3A_839 : memref<!tpu.dma_semaphore, #tpu.memory_space<semaphore_mem>>) src(%dma_wait3A_841 : memref<40xf32, #tpu.memory_space<hbm>>) dst(%arg33 : memref<40xf32, #tpu.memory_space<vmem>>)
        %dma_wait3A_842 = arith.constant 2 : i32
        %dma_wait3A_843 = arith.constant 0 : i32
        %dma_wait3A_844 = tpu.memref_slice %arg3[%dma_wait3A_843] : memref<320000xi32, #tpu.memory_space<hbm>> -> memref<40xi32, #tpu.memory_space<hbm>>
        %dma_wait3A_845 = tpu.memref_slice %arg37[%dma_wait3A_842] : memref<10x!tpu.dma_semaphore, #tpu.memory_space<semaphore_mem>> -> memref<1x!tpu.dma_semaphore, #tpu.memory_space<semaphore_mem>>
        %dma_wait3A_846 = tpu.memref_squeeze %dma_wait3A_845 : memref<1x!tpu.dma_semaphore, #tpu.memory_space<semaphore_mem>> -> memref<!tpu.dma_semaphore, #tpu.memory_space<semaphore_mem>>
        %dma_wait3A_847 = arith.constant 0 : i32
        %dma_wait3A_848 = tpu.memref_slice %arg3[%dma_wait3A_847] : memref<320000xi32, #tpu.memory_space<hbm>> -> memref<40xi32, #tpu.memory_space<hbm>>
        tpu.wait_dma2 semaphore(%dma_wait3A_846 : memref<!tpu.dma_semaphore, #tpu.memory_space<semaphore_mem>>) src(%dma_wait3A_848 : memref<40xi32, #tpu.memory_space<hbm>>) dst(%arg10 : memref<40xi32, #tpu.memory_space<vmem>>)
        %dma_wait3A_849 = arith.constant 2 : i32
        %dma_wait3A_850 = arith.constant 0 : i32
        %dma_wait3A_851 = tpu.memref_slice %arg4[%dma_wait3A_850] : memref<320000xi32, #tpu.memory_space<hbm>> -> memref<40xi32, #tpu.memory_space<hbm>>
        %dma_wait3A_852 = tpu.memref_slice %arg37[%dma_wait3A_849] : memref<10x!tpu.dma_semaphore, #tpu.memory_space<semaphore_mem>> -> memref<1x!tpu.dma_semaphore, #tpu.memory_space<semaphore_mem>>
        %dma_wait3A_853 = tpu.memref_squeeze %dma_wait3A_852 : memref<1x!tpu.dma_semaphore, #tpu.memory_space<semaphore_mem>> -> memref<!tpu.dma_semaphore, #tpu.memory_space<semaphore_mem>>
        %dma_wait3A_854 = arith.constant 0 : i32
        %dma_wait3A_855 = tpu.memref_slice %arg4[%dma_wait3A_854] : memref<320000xi32, #tpu.memory_space<hbm>> -> memref<40xi32, #tpu.memory_space<hbm>>
        tpu.wait_dma2 semaphore(%dma_wait3A_853 : memref<!tpu.dma_semaphore, #tpu.memory_space<semaphore_mem>>) src(%dma_wait3A_855 : memref<40xi32, #tpu.memory_space<hbm>>) dst(%arg20 : memref<40xi32, #tpu.memory_space<vmem>>)
        %dma_start3A_856 = arith.constant 2 : i32
        %dma_start3A_857 = arith.constant 0 : i32
        %dma_start3A_858 = arith.constant 0 : i32
        %dma_start3A_859 = tpu.memref_slice %arg2[%dma_start3A_857, %dma_start3A_858] : memref<10000x128xf32, #tpu.memory_space<hbm>> -> memref<10000x128xf32, #tpu.memory_space<hbm>>
        %dma_start3A_860 = tpu.memref_slice %arg38[%dma_start3A_856] : memref<5x!tpu.dma_semaphore, #tpu.memory_space<semaphore_mem>> -> memref<1x!tpu.dma_semaphore, #tpu.memory_space<semaphore_mem>>
        %dma_start3A_861 = tpu.memref_squeeze %dma_start3A_860 : memref<1x!tpu.dma_semaphore, #tpu.memory_space<semaphore_mem>> -> memref<!tpu.dma_semaphore, #tpu.memory_space<semaphore_mem>>
        tpu.enqueue_indirect_dma source(%dma_start3A_859 : memref<10000x128xf32, #tpu.memory_space<hbm>>) target(%arg30 : memref<40x128xf32, #tpu.memory_space<vmem>>) offsets(%arg10 : memref<40xi32, #tpu.memory_space<vmem>>) semaphore(%dma_start3A_861 : memref<!tpu.dma_semaphore, #tpu.memory_space<semaphore_mem>>)
      } else {
      }
      %add3A_773 = arith.constant 9 : i32
      %add3A_774 = arith.addi %add3A_738, %add3A_773 : i32
      %lt3A_775 = arith.constant 250 : i32
      %lt3A_776 = arith.cmpi slt, %add3A_774, %lt3A_775 : i32
      %convert_element_type3A_777 = arith.extui %lt3A_776 : i1 to i32
      %cond3A_778 = arith.constant 0 : i32
      %cond3A_779 = arith.cmpi ne, %convert_element_type3A_777, %cond3A_778 : i32
      scf.if %cond3A_779 {
        %mul3A_826 = arith.constant 40 : i32
        %mul3A_827 = arith.muli %add3A_774, %mul3A_826 : i32
        %add3A_828 = arith.addi %mul3A_2, %mul3A_827 : i32
        %dma_start3A_829 = arith.constant 7 : i32
        %dma_start3A_830 = tpu.memref_slice %arg3[%add3A_828] : memref<320000xi32, #tpu.memory_space<hbm>> -> memref<40xi32, #tpu.memory_space<hbm>>
        %dma_start3A_831 = tpu.memref_slice %arg37[%dma_start3A_829] : memref<10x!tpu.dma_semaphore, #tpu.memory_space<semaphore_mem>> -> memref<1x!tpu.dma_semaphore, #tpu.memory_space<semaphore_mem>>
        %dma_start3A_832 = tpu.memref_squeeze %dma_start3A_831 : memref<1x!tpu.dma_semaphore, #tpu.memory_space<semaphore_mem>> -> memref<!tpu.dma_semaphore, #tpu.memory_space<semaphore_mem>>
        %dma_start3A_833 = tpu.memref_slice %arg3[%add3A_828] : memref<320000xi32, #tpu.memory_space<hbm>> -> memref<40xi32, #tpu.memory_space<hbm>>
        tpu.enqueue_dma source(%dma_start3A_833 : memref<40xi32, #tpu.memory_space<hbm>>) target(%arg15 : memref<40xi32, #tpu.memory_space<vmem>>) target_semaphore(%dma_start3A_832 : memref<!tpu.dma_semaphore, #tpu.memory_space<semaphore_mem>>)
        %mul3A_834 = arith.constant 40 : i32
        %mul3A_835 = arith.muli %add3A_774, %mul3A_834 : i32
        %add3A_836 = arith.addi %mul3A_2, %mul3A_835 : i32
        %dma_start3A_837 = arith.constant 7 : i32
        %dma_start3A_838 = tpu.memref_slice %arg4[%add3A_836] : memref<320000xi32, #tpu.memory_space<hbm>> -> memref<40xi32, #tpu.memory_space<hbm>>
        %dma_start3A_839 = tpu.memref_slice %arg37[%dma_start3A_837] : memref<10x!tpu.dma_semaphore, #tpu.memory_space<semaphore_mem>> -> memref<1x!tpu.dma_semaphore, #tpu.memory_space<semaphore_mem>>
        %dma_start3A_840 = tpu.memref_squeeze %dma_start3A_839 : memref<1x!tpu.dma_semaphore, #tpu.memory_space<semaphore_mem>> -> memref<!tpu.dma_semaphore, #tpu.memory_space<semaphore_mem>>
        %dma_start3A_841 = tpu.memref_slice %arg4[%add3A_836] : memref<320000xi32, #tpu.memory_space<hbm>> -> memref<40xi32, #tpu.memory_space<hbm>>
        tpu.enqueue_dma source(%dma_start3A_841 : memref<40xi32, #tpu.memory_space<hbm>>) target(%arg25 : memref<40xi32, #tpu.memory_space<vmem>>) target_semaphore(%dma_start3A_840 : memref<!tpu.dma_semaphore, #tpu.memory_space<semaphore_mem>>)
      } else {
      }
      %mul3A_780 = arith.constant 10 : i32
      %mul3A_781 = arith.muli %scan3A_377, %mul3A_780 : i32
      %add3A_782 = arith.constant 9 : i32
      %add3A_783 = arith.addi %mul3A_781, %add3A_782 : i32
      %dma_wait3A_784 = arith.constant 4 : i32
      %dma_wait3A_785 = arith.constant 0 : i32
      %dma_wait3A_786 = arith.constant 0 : i32
      %dma_wait3A_787 = tpu.memref_slice %arg2[%dma_wait3A_785, %dma_wait3A_786] : memref<10000x128xf32, #tpu.memory_space<hbm>> -> memref<40x128xf32, #tpu.memory_space<hbm>>
      %dma_wait3A_788 = tpu.memref_slice %arg38[%dma_wait3A_784] : memref<5x!tpu.dma_semaphore, #tpu.memory_space<semaphore_mem>> -> memref<1x!tpu.dma_semaphore, #tpu.memory_space<semaphore_mem>>
      %dma_wait3A_789 = tpu.memref_squeeze %dma_wait3A_788 : memref<1x!tpu.dma_semaphore, #tpu.memory_space<semaphore_mem>> -> memref<!tpu.dma_semaphore, #tpu.memory_space<semaphore_mem>>
      %dma_wait3A_790 = arith.constant 0 : i32
      %dma_wait3A_791 = arith.constant 0 : i32
      %dma_wait3A_792 = tpu.memref_slice %arg2[%dma_wait3A_790, %dma_wait3A_791] : memref<10000x128xf32, #tpu.memory_space<hbm>> -> memref<40x128xf32, #tpu.memory_space<hbm>>
      tpu.wait_dma2 semaphore(%dma_wait3A_789 : memref<!tpu.dma_semaphore, #tpu.memory_space<semaphore_mem>>) src(%dma_wait3A_792 : memref<40x128xf32, #tpu.memory_space<hbm>>) dst(%arg32 : memref<40x128xf32, #tpu.memory_space<vmem>>)
      %dma_start3A_793 = arith.constant 4 : i32
      %dma_start3A_794 = arith.constant 0 : i32
      %dma_start3A_795 = arith.constant 0 : i32
      %dma_start3A_796 = tpu.memref_slice %arg35[%dma_start3A_794, %dma_start3A_795] : memref<10000x128xf32, #tpu.memory_space<vmem_shared>> -> memref<10000x128xf32, #tpu.memory_space<vmem_shared>>
      %dma_start3A_797 = tpu.memref_slice %arg39[%dma_start3A_793] : memref<5x!tpu.dma_semaphore, #tpu.memory_space<semaphore_mem>> -> memref<1x!tpu.dma_semaphore, #tpu.memory_space<semaphore_mem>>
      %dma_start3A_798 = tpu.memref_squeeze %dma_start3A_797 : memref<1x!tpu.dma_semaphore, #tpu.memory_space<semaphore_mem>> -> memref<!tpu.dma_semaphore, #tpu.memory_space<semaphore_mem>>
      tpu.enqueue_indirect_dma source(%arg32 : memref<40x128xf32, #tpu.memory_space<vmem>>) target(%dma_start3A_796 : memref<10000x128xf32, #tpu.memory_space<vmem_shared>>) offsets(%arg27 : memref<40xi32, #tpu.memory_space<vmem>>) semaphore(%dma_start3A_798 : memref<!tpu.dma_semaphore, #tpu.memory_space<semaphore_mem>>) {add = true}
      %dma_start3A_799 = arith.constant 4 : i32
      %dma_start3A_800 = arith.constant 0 : i32
      %dma_start3A_801 = tpu.memref_slice %arg36[%dma_start3A_800] : memref<10000xf32, #tpu.memory_space<vmem_shared>> -> memref<10000xf32, #tpu.memory_space<vmem_shared>>
      %dma_start3A_802 = tpu.memref_slice %arg39[%dma_start3A_799] : memref<5x!tpu.dma_semaphore, #tpu.memory_space<semaphore_mem>> -> memref<1x!tpu.dma_semaphore, #tpu.memory_space<semaphore_mem>>
      %dma_start3A_803 = tpu.memref_squeeze %dma_start3A_802 : memref<1x!tpu.dma_semaphore, #tpu.memory_space<semaphore_mem>> -> memref<!tpu.dma_semaphore, #tpu.memory_space<semaphore_mem>>
      tpu.enqueue_indirect_dma source(%arg33 : memref<40xf32, #tpu.memory_space<vmem>>) target(%dma_start3A_801 : memref<10000xf32, #tpu.memory_space<vmem_shared>>) offsets(%arg27 : memref<40xi32, #tpu.memory_space<vmem>>) semaphore(%dma_start3A_803 : memref<!tpu.dma_semaphore, #tpu.memory_space<semaphore_mem>>) {add = true}
      %sub3A_804 = arith.constant 1 : i32
      %sub3A_805 = arith.subi %add3A_783, %sub3A_804 : i32
      %add3A_806 = arith.constant 5 : i32
      %add3A_807 = arith.addi %add3A_783, %add3A_806 : i32
      %sub3A_808 = arith.constant 1 : i32
      %sub3A_809 = arith.subi %add3A_807, %sub3A_808 : i32
      %ge3A_810 = arith.constant 0 : i32
      %ge3A_811 = arith.cmpi sge, %sub3A_805, %ge3A_810 : i32
      %lt3A_812 = arith.constant 250 : i32
      %lt3A_813 = arith.cmpi slt, %sub3A_809, %lt3A_812 : i32
      %and3A_814 = arith.andi %ge3A_811, %lt3A_813 : i1
      %convert_element_type3A_815 = arith.extui %and3A_814 : i1 to i32
      %cond3A_816 = arith.constant 0 : i32
      %cond3A_817 = arith.cmpi ne, %convert_element_type3A_815, %cond3A_816 : i32
      scf.if %cond3A_817 {
        %dma_wait3A_826 = arith.constant 3 : i32
        %dma_wait3A_827 = arith.constant 0 : i32
        %dma_wait3A_828 = arith.constant 0 : i32
        %dma_wait3A_829 = tpu.memref_slice %arg2[%dma_wait3A_827, %dma_wait3A_828] : memref<10000x128xf32, #tpu.memory_space<hbm>> -> memref<40x128xf32, #tpu.memory_space<hbm>>
        %dma_wait3A_830 = tpu.memref_slice %arg39[%dma_wait3A_826] : memref<5x!tpu.dma_semaphore, #tpu.memory_space<semaphore_mem>> -> memref<1x!tpu.dma_semaphore, #tpu.memory_space<semaphore_mem>>
        %dma_wait3A_831 = tpu.memref_squeeze %dma_wait3A_830 : memref<1x!tpu.dma_semaphore, #tpu.memory_space<semaphore_mem>> -> memref<!tpu.dma_semaphore, #tpu.memory_space<semaphore_mem>>
        %dma_wait3A_832 = arith.constant 0 : i32
        %dma_wait3A_833 = arith.constant 0 : i32
        %dma_wait3A_834 = tpu.memref_slice %arg2[%dma_wait3A_832, %dma_wait3A_833] : memref<10000x128xf32, #tpu.memory_space<hbm>> -> memref<40x128xf32, #tpu.memory_space<hbm>>
        tpu.wait_dma2 semaphore(%dma_wait3A_831 : memref<!tpu.dma_semaphore, #tpu.memory_space<semaphore_mem>>) src(%dma_wait3A_834 : memref<40x128xf32, #tpu.memory_space<hbm>>) dst(%arg31 : memref<40x128xf32, #tpu.memory_space<vmem>>)
        %dma_wait3A_835 = arith.constant 3 : i32
        %dma_wait3A_836 = arith.constant 0 : i32
        %dma_wait3A_837 = tpu.memref_slice %arg6[%dma_wait3A_836] : memref<10000xf32, #tpu.memory_space<hbm>> -> memref<40xf32, #tpu.memory_space<hbm>>
        %dma_wait3A_838 = tpu.memref_slice %arg39[%dma_wait3A_835] : memref<5x!tpu.dma_semaphore, #tpu.memory_space<semaphore_mem>> -> memref<1x!tpu.dma_semaphore, #tpu.memory_space<semaphore_mem>>
        %dma_wait3A_839 = tpu.memref_squeeze %dma_wait3A_838 : memref<1x!tpu.dma_semaphore, #tpu.memory_space<semaphore_mem>> -> memref<!tpu.dma_semaphore, #tpu.memory_space<semaphore_mem>>
        %dma_wait3A_840 = arith.constant 0 : i32
        %dma_wait3A_841 = tpu.memref_slice %arg6[%dma_wait3A_840] : memref<10000xf32, #tpu.memory_space<hbm>> -> memref<40xf32, #tpu.memory_space<hbm>>
        tpu.wait_dma2 semaphore(%dma_wait3A_839 : memref<!tpu.dma_semaphore, #tpu.memory_space<semaphore_mem>>) src(%dma_wait3A_841 : memref<40xf32, #tpu.memory_space<hbm>>) dst(%arg33 : memref<40xf32, #tpu.memory_space<vmem>>)
        %dma_wait3A_842 = arith.constant 3 : i32
        %dma_wait3A_843 = arith.constant 0 : i32
        %dma_wait3A_844 = tpu.memref_slice %arg3[%dma_wait3A_843] : memref<320000xi32, #tpu.memory_space<hbm>> -> memref<40xi32, #tpu.memory_space<hbm>>
        %dma_wait3A_845 = tpu.memref_slice %arg37[%dma_wait3A_842] : memref<10x!tpu.dma_semaphore, #tpu.memory_space<semaphore_mem>> -> memref<1x!tpu.dma_semaphore, #tpu.memory_space<semaphore_mem>>
        %dma_wait3A_846 = tpu.memref_squeeze %dma_wait3A_845 : memref<1x!tpu.dma_semaphore, #tpu.memory_space<semaphore_mem>> -> memref<!tpu.dma_semaphore, #tpu.memory_space<semaphore_mem>>
        %dma_wait3A_847 = arith.constant 0 : i32
        %dma_wait3A_848 = tpu.memref_slice %arg3[%dma_wait3A_847] : memref<320000xi32, #tpu.memory_space<hbm>> -> memref<40xi32, #tpu.memory_space<hbm>>
        tpu.wait_dma2 semaphore(%dma_wait3A_846 : memref<!tpu.dma_semaphore, #tpu.memory_space<semaphore_mem>>) src(%dma_wait3A_848 : memref<40xi32, #tpu.memory_space<hbm>>) dst(%arg11 : memref<40xi32, #tpu.memory_space<vmem>>)
        %dma_wait3A_849 = arith.constant 3 : i32
        %dma_wait3A_850 = arith.constant 0 : i32
        %dma_wait3A_851 = tpu.memref_slice %arg4[%dma_wait3A_850] : memref<320000xi32, #tpu.memory_space<hbm>> -> memref<40xi32, #tpu.memory_space<hbm>>
        %dma_wait3A_852 = tpu.memref_slice %arg37[%dma_wait3A_849] : memref<10x!tpu.dma_semaphore, #tpu.memory_space<semaphore_mem>> -> memref<1x!tpu.dma_semaphore, #tpu.memory_space<semaphore_mem>>
        %dma_wait3A_853 = tpu.memref_squeeze %dma_wait3A_852 : memref<1x!tpu.dma_semaphore, #tpu.memory_space<semaphore_mem>> -> memref<!tpu.dma_semaphore, #tpu.memory_space<semaphore_mem>>
        %dma_wait3A_854 = arith.constant 0 : i32
        %dma_wait3A_855 = tpu.memref_slice %arg4[%dma_wait3A_854] : memref<320000xi32, #tpu.memory_space<hbm>> -> memref<40xi32, #tpu.memory_space<hbm>>
        tpu.wait_dma2 semaphore(%dma_wait3A_853 : memref<!tpu.dma_semaphore, #tpu.memory_space<semaphore_mem>>) src(%dma_wait3A_855 : memref<40xi32, #tpu.memory_space<hbm>>) dst(%arg21 : memref<40xi32, #tpu.memory_space<vmem>>)
        %dma_start3A_856 = arith.constant 3 : i32
        %dma_start3A_857 = arith.constant 0 : i32
        %dma_start3A_858 = arith.constant 0 : i32
        %dma_start3A_859 = tpu.memref_slice %arg2[%dma_start3A_857, %dma_start3A_858] : memref<10000x128xf32, #tpu.memory_space<hbm>> -> memref<10000x128xf32, #tpu.memory_space<hbm>>
        %dma_start3A_860 = tpu.memref_slice %arg38[%dma_start3A_856] : memref<5x!tpu.dma_semaphore, #tpu.memory_space<semaphore_mem>> -> memref<1x!tpu.dma_semaphore, #tpu.memory_space<semaphore_mem>>
        %dma_start3A_861 = tpu.memref_squeeze %dma_start3A_860 : memref<1x!tpu.dma_semaphore, #tpu.memory_space<semaphore_mem>> -> memref<!tpu.dma_semaphore, #tpu.memory_space<semaphore_mem>>
        tpu.enqueue_indirect_dma source(%dma_start3A_859 : memref<10000x128xf32, #tpu.memory_space<hbm>>) target(%arg31 : memref<40x128xf32, #tpu.memory_space<vmem>>) offsets(%arg11 : memref<40xi32, #tpu.memory_space<vmem>>) semaphore(%dma_start3A_861 : memref<!tpu.dma_semaphore, #tpu.memory_space<semaphore_mem>>)
      } else {
      }
      %add3A_818 = arith.constant 9 : i32
      %add3A_819 = arith.addi %add3A_783, %add3A_818 : i32
      %lt3A_820 = arith.constant 250 : i32
      %lt3A_821 = arith.cmpi slt, %add3A_819, %lt3A_820 : i32
      %convert_element_type3A_822 = arith.extui %lt3A_821 : i1 to i32
      %cond3A_823 = arith.constant 0 : i32
      %cond3A_824 = arith.cmpi ne, %convert_element_type3A_822, %cond3A_823 : i32
      scf.if %cond3A_824 {
        %mul3A_826 = arith.constant 40 : i32
        %mul3A_827 = arith.muli %add3A_819, %mul3A_826 : i32
        %add3A_828 = arith.addi %mul3A_2, %mul3A_827 : i32
        %dma_start3A_829 = arith.constant 8 : i32
        %dma_start3A_830 = tpu.memref_slice %arg3[%add3A_828] : memref<320000xi32, #tpu.memory_space<hbm>> -> memref<40xi32, #tpu.memory_space<hbm>>
        %dma_start3A_831 = tpu.memref_slice %arg37[%dma_start3A_829] : memref<10x!tpu.dma_semaphore, #tpu.memory_space<semaphore_mem>> -> memref<1x!tpu.dma_semaphore, #tpu.memory_space<semaphore_mem>>
        %dma_start3A_832 = tpu.memref_squeeze %dma_start3A_831 : memref<1x!tpu.dma_semaphore, #tpu.memory_space<semaphore_mem>> -> memref<!tpu.dma_semaphore, #tpu.memory_space<semaphore_mem>>
        %dma_start3A_833 = tpu.memref_slice %arg3[%add3A_828] : memref<320000xi32, #tpu.memory_space<hbm>> -> memref<40xi32, #tpu.memory_space<hbm>>
        tpu.enqueue_dma source(%dma_start3A_833 : memref<40xi32, #tpu.memory_space<hbm>>) target(%arg16 : memref<40xi32, #tpu.memory_space<vmem>>) target_semaphore(%dma_start3A_832 : memref<!tpu.dma_semaphore, #tpu.memory_space<semaphore_mem>>)
        %mul3A_834 = arith.constant 40 : i32
        %mul3A_835 = arith.muli %add3A_819, %mul3A_834 : i32
        %add3A_836 = arith.addi %mul3A_2, %mul3A_835 : i32
        %dma_start3A_837 = arith.constant 8 : i32
        %dma_start3A_838 = tpu.memref_slice %arg4[%add3A_836] : memref<320000xi32, #tpu.memory_space<hbm>> -> memref<40xi32, #tpu.memory_space<hbm>>
        %dma_start3A_839 = tpu.memref_slice %arg37[%dma_start3A_837] : memref<10x!tpu.dma_semaphore, #tpu.memory_space<semaphore_mem>> -> memref<1x!tpu.dma_semaphore, #tpu.memory_space<semaphore_mem>>
        %dma_start3A_840 = tpu.memref_squeeze %dma_start3A_839 : memref<1x!tpu.dma_semaphore, #tpu.memory_space<semaphore_mem>> -> memref<!tpu.dma_semaphore, #tpu.memory_space<semaphore_mem>>
        %dma_start3A_841 = tpu.memref_slice %arg4[%add3A_836] : memref<320000xi32, #tpu.memory_space<hbm>> -> memref<40xi32, #tpu.memory_space<hbm>>
        tpu.enqueue_dma source(%dma_start3A_841 : memref<40xi32, #tpu.memory_space<hbm>>) target(%arg26 : memref<40xi32, #tpu.memory_space<vmem>>) target_semaphore(%dma_start3A_840 : memref<!tpu.dma_semaphore, #tpu.memory_space<semaphore_mem>>)
      } else {
      }
      %scan3A_825 = arith.constant 0 : i32
      scf.yield %scan3A_825 : i32
    }
    %scan3A_276 = arith.constant 25 : i32
    %dma_wait3A_277 = arith.constant 0 : i32
    %dma_wait3A_278 = arith.constant 0 : i32
    %dma_wait3A_279 = arith.constant 0 : i32
    %dma_wait3A_280 = tpu.memref_slice %arg2[%dma_wait3A_278, %dma_wait3A_279] : memref<10000x128xf32, #tpu.memory_space<hbm>> -> memref<40x128xf32, #tpu.memory_space<hbm>>
    %dma_wait3A_281 = tpu.memref_slice %arg39[%dma_wait3A_277] : memref<5x!tpu.dma_semaphore, #tpu.memory_space<semaphore_mem>> -> memref<1x!tpu.dma_semaphore, #tpu.memory_space<semaphore_mem>>
    %dma_wait3A_282 = tpu.memref_squeeze %dma_wait3A_281 : memref<1x!tpu.dma_semaphore, #tpu.memory_space<semaphore_mem>> -> memref<!tpu.dma_semaphore, #tpu.memory_space<semaphore_mem>>
    %dma_wait3A_283 = arith.constant 0 : i32
    %dma_wait3A_284 = arith.constant 0 : i32
    %dma_wait3A_285 = tpu.memref_slice %arg2[%dma_wait3A_283, %dma_wait3A_284] : memref<10000x128xf32, #tpu.memory_space<hbm>> -> memref<40x128xf32, #tpu.memory_space<hbm>>
    tpu.wait_dma2 semaphore(%dma_wait3A_282 : memref<!tpu.dma_semaphore, #tpu.memory_space<semaphore_mem>>) src(%dma_wait3A_285 : memref<40x128xf32, #tpu.memory_space<hbm>>) dst(%arg28 : memref<40x128xf32, #tpu.memory_space<vmem>>)
    %dma_wait3A_286 = arith.constant 0 : i32
    %dma_wait3A_287 = arith.constant 0 : i32
    %dma_wait3A_288 = tpu.memref_slice %arg6[%dma_wait3A_287] : memref<10000xf32, #tpu.memory_space<hbm>> -> memref<40xf32, #tpu.memory_space<hbm>>
    %dma_wait3A_289 = tpu.memref_slice %arg39[%dma_wait3A_286] : memref<5x!tpu.dma_semaphore, #tpu.memory_space<semaphore_mem>> -> memref<1x!tpu.dma_semaphore, #tpu.memory_space<semaphore_mem>>
    %dma_wait3A_290 = tpu.memref_squeeze %dma_wait3A_289 : memref<1x!tpu.dma_semaphore, #tpu.memory_space<semaphore_mem>> -> memref<!tpu.dma_semaphore, #tpu.memory_space<semaphore_mem>>
    %dma_wait3A_291 = arith.constant 0 : i32
    %dma_wait3A_292 = tpu.memref_slice %arg6[%dma_wait3A_291] : memref<10000xf32, #tpu.memory_space<hbm>> -> memref<40xf32, #tpu.memory_space<hbm>>
    tpu.wait_dma2 semaphore(%dma_wait3A_290 : memref<!tpu.dma_semaphore, #tpu.memory_space<semaphore_mem>>) src(%dma_wait3A_292 : memref<40xf32, #tpu.memory_space<hbm>>) dst(%arg33 : memref<40xf32, #tpu.memory_space<vmem>>)
    %dma_wait3A_293 = arith.constant 1 : i32
    %dma_wait3A_294 = arith.constant 0 : i32
    %dma_wait3A_295 = arith.constant 0 : i32
    %dma_wait3A_296 = tpu.memref_slice %arg2[%dma_wait3A_294, %dma_wait3A_295] : memref<10000x128xf32, #tpu.memory_space<hbm>> -> memref<40x128xf32, #tpu.memory_space<hbm>>
    %dma_wait3A_297 = tpu.memref_slice %arg39[%dma_wait3A_293] : memref<5x!tpu.dma_semaphore, #tpu.memory_space<semaphore_mem>> -> memref<1x!tpu.dma_semaphore, #tpu.memory_space<semaphore_mem>>
    %dma_wait3A_298 = tpu.memref_squeeze %dma_wait3A_297 : memref<1x!tpu.dma_semaphore, #tpu.memory_space<semaphore_mem>> -> memref<!tpu.dma_semaphore, #tpu.memory_space<semaphore_mem>>
    %dma_wait3A_299 = arith.constant 0 : i32
    %dma_wait3A_300 = arith.constant 0 : i32
    %dma_wait3A_301 = tpu.memref_slice %arg2[%dma_wait3A_299, %dma_wait3A_300] : memref<10000x128xf32, #tpu.memory_space<hbm>> -> memref<40x128xf32, #tpu.memory_space<hbm>>
    tpu.wait_dma2 semaphore(%dma_wait3A_298 : memref<!tpu.dma_semaphore, #tpu.memory_space<semaphore_mem>>) src(%dma_wait3A_301 : memref<40x128xf32, #tpu.memory_space<hbm>>) dst(%arg29 : memref<40x128xf32, #tpu.memory_space<vmem>>)
    %dma_wait3A_302 = arith.constant 1 : i32
    %dma_wait3A_303 = arith.constant 0 : i32
    %dma_wait3A_304 = tpu.memref_slice %arg6[%dma_wait3A_303] : memref<10000xf32, #tpu.memory_space<hbm>> -> memref<40xf32, #tpu.memory_space<hbm>>
    %dma_wait3A_305 = tpu.memref_slice %arg39[%dma_wait3A_302] : memref<5x!tpu.dma_semaphore, #tpu.memory_space<semaphore_mem>> -> memref<1x!tpu.dma_semaphore, #tpu.memory_space<semaphore_mem>>
    %dma_wait3A_306 = tpu.memref_squeeze %dma_wait3A_305 : memref<1x!tpu.dma_semaphore, #tpu.memory_space<semaphore_mem>> -> memref<!tpu.dma_semaphore, #tpu.memory_space<semaphore_mem>>
    %dma_wait3A_307 = arith.constant 0 : i32
    %dma_wait3A_308 = tpu.memref_slice %arg6[%dma_wait3A_307] : memref<10000xf32, #tpu.memory_space<hbm>> -> memref<40xf32, #tpu.memory_space<hbm>>
    tpu.wait_dma2 semaphore(%dma_wait3A_306 : memref<!tpu.dma_semaphore, #tpu.memory_space<semaphore_mem>>) src(%dma_wait3A_308 : memref<40xf32, #tpu.memory_space<hbm>>) dst(%arg33 : memref<40xf32, #tpu.memory_space<vmem>>)
    %dma_wait3A_309 = arith.constant 2 : i32
    %dma_wait3A_310 = arith.constant 0 : i32
    %dma_wait3A_311 = arith.constant 0 : i32
    %dma_wait3A_312 = tpu.memref_slice %arg2[%dma_wait3A_310, %dma_wait3A_311] : memref<10000x128xf32, #tpu.memory_space<hbm>> -> memref<40x128xf32, #tpu.memory_space<hbm>>
    %dma_wait3A_313 = tpu.memref_slice %arg39[%dma_wait3A_309] : memref<5x!tpu.dma_semaphore, #tpu.memory_space<semaphore_mem>> -> memref<1x!tpu.dma_semaphore, #tpu.memory_space<semaphore_mem>>
    %dma_wait3A_314 = tpu.memref_squeeze %dma_wait3A_313 : memref<1x!tpu.dma_semaphore, #tpu.memory_space<semaphore_mem>> -> memref<!tpu.dma_semaphore, #tpu.memory_space<semaphore_mem>>
    %dma_wait3A_315 = arith.constant 0 : i32
    %dma_wait3A_316 = arith.constant 0 : i32
    %dma_wait3A_317 = tpu.memref_slice %arg2[%dma_wait3A_315, %dma_wait3A_316] : memref<10000x128xf32, #tpu.memory_space<hbm>> -> memref<40x128xf32, #tpu.memory_space<hbm>>
    tpu.wait_dma2 semaphore(%dma_wait3A_314 : memref<!tpu.dma_semaphore, #tpu.memory_space<semaphore_mem>>) src(%dma_wait3A_317 : memref<40x128xf32, #tpu.memory_space<hbm>>) dst(%arg30 : memref<40x128xf32, #tpu.memory_space<vmem>>)
    %dma_wait3A_318 = arith.constant 2 : i32
    %dma_wait3A_319 = arith.constant 0 : i32
    %dma_wait3A_320 = tpu.memref_slice %arg6[%dma_wait3A_319] : memref<10000xf32, #tpu.memory_space<hbm>> -> memref<40xf32, #tpu.memory_space<hbm>>
    %dma_wait3A_321 = tpu.memref_slice %arg39[%dma_wait3A_318] : memref<5x!tpu.dma_semaphore, #tpu.memory_space<semaphore_mem>> -> memref<1x!tpu.dma_semaphore, #tpu.memory_space<semaphore_mem>>
    %dma_wait3A_322 = tpu.memref_squeeze %dma_wait3A_321 : memref<1x!tpu.dma_semaphore, #tpu.memory_space<semaphore_mem>> -> memref<!tpu.dma_semaphore, #tpu.memory_space<semaphore_mem>>
    %dma_wait3A_323 = arith.constant 0 : i32
    %dma_wait3A_324 = tpu.memref_slice %arg6[%dma_wait3A_323] : memref<10000xf32, #tpu.memory_space<hbm>> -> memref<40xf32, #tpu.memory_space<hbm>>
    tpu.wait_dma2 semaphore(%dma_wait3A_322 : memref<!tpu.dma_semaphore, #tpu.memory_space<semaphore_mem>>) src(%dma_wait3A_324 : memref<40xf32, #tpu.memory_space<hbm>>) dst(%arg33 : memref<40xf32, #tpu.memory_space<vmem>>)
    %dma_wait3A_325 = arith.constant 3 : i32
    %dma_wait3A_326 = arith.constant 0 : i32
    %dma_wait3A_327 = arith.constant 0 : i32
    %dma_wait3A_328 = tpu.memref_slice %arg2[%dma_wait3A_326, %dma_wait3A_327] : memref<10000x128xf32, #tpu.memory_space<hbm>> -> memref<40x128xf32, #tpu.memory_space<hbm>>
    %dma_wait3A_329 = tpu.memref_slice %arg39[%dma_wait3A_325] : memref<5x!tpu.dma_semaphore, #tpu.memory_space<semaphore_mem>> -> memref<1x!tpu.dma_semaphore, #tpu.memory_space<semaphore_mem>>
    %dma_wait3A_330 = tpu.memref_squeeze %dma_wait3A_329 : memref<1x!tpu.dma_semaphore, #tpu.memory_space<semaphore_mem>> -> memref<!tpu.dma_semaphore, #tpu.memory_space<semaphore_mem>>
    %dma_wait3A_331 = arith.constant 0 : i32
    %dma_wait3A_332 = arith.constant 0 : i32
    %dma_wait3A_333 = tpu.memref_slice %arg2[%dma_wait3A_331, %dma_wait3A_332] : memref<10000x128xf32, #tpu.memory_space<hbm>> -> memref<40x128xf32, #tpu.memory_space<hbm>>
    tpu.wait_dma2 semaphore(%dma_wait3A_330 : memref<!tpu.dma_semaphore, #tpu.memory_space<semaphore_mem>>) src(%dma_wait3A_333 : memref<40x128xf32, #tpu.memory_space<hbm>>) dst(%arg31 : memref<40x128xf32, #tpu.memory_space<vmem>>)
    %dma_wait3A_334 = arith.constant 3 : i32
    %dma_wait3A_335 = arith.constant 0 : i32
    %dma_wait3A_336 = tpu.memref_slice %arg6[%dma_wait3A_335] : memref<10000xf32, #tpu.memory_space<hbm>> -> memref<40xf32, #tpu.memory_space<hbm>>
    %dma_wait3A_337 = tpu.memref_slice %arg39[%dma_wait3A_334] : memref<5x!tpu.dma_semaphore, #tpu.memory_space<semaphore_mem>> -> memref<1x!tpu.dma_semaphore, #tpu.memory_space<semaphore_mem>>
    %dma_wait3A_338 = tpu.memref_squeeze %dma_wait3A_337 : memref<1x!tpu.dma_semaphore, #tpu.memory_space<semaphore_mem>> -> memref<!tpu.dma_semaphore, #tpu.memory_space<semaphore_mem>>
    %dma_wait3A_339 = arith.constant 0 : i32
    %dma_wait3A_340 = tpu.memref_slice %arg6[%dma_wait3A_339] : memref<10000xf32, #tpu.memory_space<hbm>> -> memref<40xf32, #tpu.memory_space<hbm>>
    tpu.wait_dma2 semaphore(%dma_wait3A_338 : memref<!tpu.dma_semaphore, #tpu.memory_space<semaphore_mem>>) src(%dma_wait3A_340 : memref<40xf32, #tpu.memory_space<hbm>>) dst(%arg33 : memref<40xf32, #tpu.memory_space<vmem>>)
    %dma_wait3A_341 = arith.constant 4 : i32
    %dma_wait3A_342 = arith.constant 0 : i32
    %dma_wait3A_343 = arith.constant 0 : i32
    %dma_wait3A_344 = tpu.memref_slice %arg2[%dma_wait3A_342, %dma_wait3A_343] : memref<10000x128xf32, #tpu.memory_space<hbm>> -> memref<40x128xf32, #tpu.memory_space<hbm>>
    %dma_wait3A_345 = tpu.memref_slice %arg39[%dma_wait3A_341] : memref<5x!tpu.dma_semaphore, #tpu.memory_space<semaphore_mem>> -> memref<1x!tpu.dma_semaphore, #tpu.memory_space<semaphore_mem>>
    %dma_wait3A_346 = tpu.memref_squeeze %dma_wait3A_345 : memref<1x!tpu.dma_semaphore, #tpu.memory_space<semaphore_mem>> -> memref<!tpu.dma_semaphore, #tpu.memory_space<semaphore_mem>>
    %dma_wait3A_347 = arith.constant 0 : i32
    %dma_wait3A_348 = arith.constant 0 : i32
    %dma_wait3A_349 = tpu.memref_slice %arg2[%dma_wait3A_347, %dma_wait3A_348] : memref<10000x128xf32, #tpu.memory_space<hbm>> -> memref<40x128xf32, #tpu.memory_space<hbm>>
    tpu.wait_dma2 semaphore(%dma_wait3A_346 : memref<!tpu.dma_semaphore, #tpu.memory_space<semaphore_mem>>) src(%dma_wait3A_349 : memref<40x128xf32, #tpu.memory_space<hbm>>) dst(%arg32 : memref<40x128xf32, #tpu.memory_space<vmem>>)
    %dma_wait3A_350 = arith.constant 4 : i32
    %dma_wait3A_351 = arith.constant 0 : i32
    %dma_wait3A_352 = tpu.memref_slice %arg6[%dma_wait3A_351] : memref<10000xf32, #tpu.memory_space<hbm>> -> memref<40xf32, #tpu.memory_space<hbm>>
    %dma_wait3A_353 = tpu.memref_slice %arg39[%dma_wait3A_350] : memref<5x!tpu.dma_semaphore, #tpu.memory_space<semaphore_mem>> -> memref<1x!tpu.dma_semaphore, #tpu.memory_space<semaphore_mem>>
    %dma_wait3A_354 = tpu.memref_squeeze %dma_wait3A_353 : memref<1x!tpu.dma_semaphore, #tpu.memory_space<semaphore_mem>> -> memref<!tpu.dma_semaphore, #tpu.memory_space<semaphore_mem>>
    %dma_wait3A_355 = arith.constant 0 : i32
    %dma_wait3A_356 = tpu.memref_slice %arg6[%dma_wait3A_355] : memref<10000xf32, #tpu.memory_space<hbm>> -> memref<40xf32, #tpu.memory_space<hbm>>
    tpu.wait_dma2 semaphore(%dma_wait3A_354 : memref<!tpu.dma_semaphore, #tpu.memory_space<semaphore_mem>>) src(%dma_wait3A_356 : memref<40xf32, #tpu.memory_space<hbm>>) dst(%arg33 : memref<40xf32, #tpu.memory_space<vmem>>)
    %barrier3A_357 = arith.constant 0 : index
    tpu.barrier barrier_id(%barrier3A_357)
    %scan3A_358 = arith.constant 0 : i32
    %scan3A_359 = arith.constant 0 : i32
    %scan3A_360 = arith.constant 4 : i32
    %scan3A_361 = arith.addi %scan3A_359, %scan3A_360 : i32
    %scan3A_362 = arith.constant 1 : i32
    %scan3A_363 = scf.for %scan3A_377 = %scan3A_359 to %scan3A_361 step %scan3A_362 iter_args(%scan3A_378 = %scan3A_358) -> (i32)  : i32 {
      %mul3A_379 = arith.constant 16 : i32
      %mul3A_380 = arith.muli %scan3A_377, %mul3A_379 : i32
      %add3A_381 = arith.addi %arg1, %mul3A_380 : i32
      %lt3A = arith.constant 50 : i32
      %lt3A_382 = arith.cmpi slt, %add3A_381, %lt3A : i32
      %convert_element_type3A_383 = arith.extui %lt3A_382 : i1 to i32
      %cond3A_384 = arith.constant 0 : i32
      %cond3A_385 = arith.cmpi ne, %convert_element_type3A_383, %cond3A_384 : i32
      scf.if %cond3A_385 {
        %mul3A_387 = arith.constant 200 : i32
        %mul3A_388 = arith.muli %add3A_381, %mul3A_387 : i32
        %dma_start3A_389 = arith.constant 0 : i32
        %dma_start3A_390 = tpu.memref_slice %arg38[%dma_start3A_389] : memref<5x!tpu.dma_semaphore, #tpu.memory_space<semaphore_mem>> -> memref<1x!tpu.dma_semaphore, #tpu.memory_space<semaphore_mem>>
        %dma_start3A_391 = tpu.memref_squeeze %dma_start3A_390 : memref<1x!tpu.dma_semaphore, #tpu.memory_space<semaphore_mem>> -> memref<!tpu.dma_semaphore, #tpu.memory_space<semaphore_mem>>
        %dma_start3A_392 = arith.constant 0 : i32
        %dma_start3A_393 = tpu.memref_slice %arg5[%arg0, %mul3A_388, %dma_start3A_392] : memref<2x10000x128xf32, #tpu.memory_space<hbm>> -> memref<1x200x128xf32, #tpu.memory_space<hbm>>
        %dma_start3A_394 = tpu.memref_squeeze %dma_start3A_393 : memref<1x200x128xf32, #tpu.memory_space<hbm>> -> memref<200x128xf32, #tpu.memory_space<hbm>>
        %dma_start3A_395 = arith.constant 0 : i32
        %dma_start3A_396 = tpu.memref_slice %arg35[%mul3A_388, %dma_start3A_395] : memref<10000x128xf32, #tpu.memory_space<vmem_shared>> -> memref<200x128xf32, #tpu.memory_space<vmem_shared>>
        tpu.enqueue_dma source(%dma_start3A_396 : memref<200x128xf32, #tpu.memory_space<vmem_shared>>) target(%dma_start3A_394 : memref<200x128xf32, #tpu.memory_space<hbm>>) target_semaphore(%dma_start3A_391 : memref<!tpu.dma_semaphore, #tpu.memory_space<semaphore_mem>>)
      } else {
      }
      %scan3A_386 = arith.constant 0 : i32
      scf.yield %scan3A_386 : i32
    }
    %scan3A_364 = arith.constant 4 : i32
    %eq3A_365 = arith.constant 0 : i32
    %eq3A_366 = arith.cmpi eq, %arg1, %eq3A_365 : i32
    %convert_element_type3A_367 = arith.extui %eq3A_366 : i1 to i32
    %cond3A_368 = arith.constant 0 : i32
    %cond3A_369 = arith.cmpi ne, %convert_element_type3A_367, %cond3A_368 : i32
    scf.if %cond3A_369 {
      %eq3A_377 = arith.constant 0 : i32
      %eq3A_378 = arith.cmpi eq, %arg0, %eq3A_377 : i32
      %convert_element_type3A_379 = arith.extui %eq3A_378 : i1 to i32
      %cond3A_380 = arith.constant 0 : i32
      %cond3A_381 = arith.cmpi ne, %convert_element_type3A_379, %cond3A_380 : i32
      scf.if %cond3A_381 {
        %dma_start3A_390 = arith.constant 1 : i32
        %dma_start3A_391 = tpu.memref_slice %arg38[%dma_start3A_390] : memref<5x!tpu.dma_semaphore, #tpu.memory_space<semaphore_mem>> -> memref<1x!tpu.dma_semaphore, #tpu.memory_space<semaphore_mem>>
        %dma_start3A_392 = tpu.memref_squeeze %dma_start3A_391 : memref<1x!tpu.dma_semaphore, #tpu.memory_space<semaphore_mem>> -> memref<!tpu.dma_semaphore, #tpu.memory_space<semaphore_mem>>
        tpu.enqueue_dma source(%arg36 : memref<10000xf32, #tpu.memory_space<vmem_shared>>) target(%arg6 : memref<10000xf32, #tpu.memory_space<hbm>>) target_semaphore(%dma_start3A_392 : memref<!tpu.dma_semaphore, #tpu.memory_space<semaphore_mem>>)
      } else {
      }
      %eq3A_382 = arith.constant 1 : i32
      %eq3A_383 = arith.cmpi eq, %arg0, %eq3A_382 : i32
      %convert_element_type3A_384 = arith.extui %eq3A_383 : i1 to i32
      %cond3A_385 = arith.constant 0 : i32
      %cond3A_386 = arith.cmpi ne, %convert_element_type3A_384, %cond3A_385 : i32
      scf.if %cond3A_386 {
        %dma_start3A_390 = arith.constant 1 : i32
        %dma_start3A_391 = tpu.memref_slice %arg38[%dma_start3A_390] : memref<5x!tpu.dma_semaphore, #tpu.memory_space<semaphore_mem>> -> memref<1x!tpu.dma_semaphore, #tpu.memory_space<semaphore_mem>>
        %dma_start3A_392 = tpu.memref_squeeze %dma_start3A_391 : memref<1x!tpu.dma_semaphore, #tpu.memory_space<semaphore_mem>> -> memref<!tpu.dma_semaphore, #tpu.memory_space<semaphore_mem>>
        tpu.enqueue_dma source(%arg36 : memref<10000xf32, #tpu.memory_space<vmem_shared>>) target(%arg7 : memref<10000xf32, #tpu.memory_space<hbm>>) target_semaphore(%dma_start3A_392 : memref<!tpu.dma_semaphore, #tpu.memory_space<semaphore_mem>>)
      } else {
      }
      %dma_wait3A_387 = arith.constant 1 : i32
      %dma_wait3A_388 = tpu.memref_slice %arg38[%dma_wait3A_387] : memref<5x!tpu.dma_semaphore, #tpu.memory_space<semaphore_mem>> -> memref<1x!tpu.dma_semaphore, #tpu.memory_space<semaphore_mem>>
      %dma_wait3A_389 = tpu.memref_squeeze %dma_wait3A_388 : memref<1x!tpu.dma_semaphore, #tpu.memory_space<semaphore_mem>> -> memref<!tpu.dma_semaphore, #tpu.memory_space<semaphore_mem>>
      tpu.wait_dma2 semaphore(%dma_wait3A_389 : memref<!tpu.dma_semaphore, #tpu.memory_space<semaphore_mem>>) src(%arg36 : memref<10000xf32, #tpu.memory_space<vmem_shared>>) dst(%arg6 : memref<10000xf32, #tpu.memory_space<hbm>>)
    } else {
    }
    %scan3A_370 = arith.constant 0 : i32
    %scan3A_371 = arith.constant 0 : i32
    %scan3A_372 = arith.constant 4 : i32
    %scan3A_373 = arith.addi %scan3A_371, %scan3A_372 : i32
    %scan3A_374 = arith.constant 1 : i32
    %scan3A_375 = scf.for %scan3A_377 = %scan3A_371 to %scan3A_373 step %scan3A_374 iter_args(%scan3A_378 = %scan3A_370) -> (i32)  : i32 {
      %mul3A_379 = arith.constant 16 : i32
      %mul3A_380 = arith.muli %scan3A_377, %mul3A_379 : i32
      %add3A_381 = arith.addi %arg1, %mul3A_380 : i32
      %lt3A = arith.constant 50 : i32
      %lt3A_382 = arith.cmpi slt, %add3A_381, %lt3A : i32
      %convert_element_type3A_383 = arith.extui %lt3A_382 : i1 to i32
      %cond3A_384 = arith.constant 0 : i32
      %cond3A_385 = arith.cmpi ne, %convert_element_type3A_383, %cond3A_384 : i32
      scf.if %cond3A_385 {
        %dma_wait3A_387 = arith.constant 0 : i32
        %dma_wait3A_388 = arith.constant 0 : i32
        %dma_wait3A_389 = tpu.memref_slice %arg38[%dma_wait3A_388] : memref<5x!tpu.dma_semaphore, #tpu.memory_space<semaphore_mem>> -> memref<1x!tpu.dma_semaphore, #tpu.memory_space<semaphore_mem>>
        %dma_wait3A_390 = tpu.memref_squeeze %dma_wait3A_389 : memref<1x!tpu.dma_semaphore, #tpu.memory_space<semaphore_mem>> -> memref<!tpu.dma_semaphore, #tpu.memory_space<semaphore_mem>>
        %dma_wait3A_391 = arith.constant 0 : i32
        %dma_wait3A_392 = arith.constant 0 : i32
        %dma_wait3A_393 = tpu.memref_slice %arg5[%dma_wait3A_387, %dma_wait3A_391, %dma_wait3A_392] : memref<2x10000x128xf32, #tpu.memory_space<hbm>> -> memref<1x200x128xf32, #tpu.memory_space<hbm>>
        %dma_wait3A_394 = tpu.memref_squeeze %dma_wait3A_393 : memref<1x200x128xf32, #tpu.memory_space<hbm>> -> memref<200x128xf32, #tpu.memory_space<hbm>>
        %dma_wait3A_395 = arith.constant 0 : i32
        %dma_wait3A_396 = arith.constant 0 : i32
        %dma_wait3A_397 = tpu.memref_slice %arg35[%dma_wait3A_395, %dma_wait3A_396] : memref<10000x128xf32, #tpu.memory_space<vmem_shared>> -> memref<200x128xf32, #tpu.memory_space<vmem_shared>>
        tpu.wait_dma2 semaphore(%dma_wait3A_390 : memref<!tpu.dma_semaphore, #tpu.memory_space<semaphore_mem>>) src(%dma_wait3A_397 : memref<200x128xf32, #tpu.memory_space<vmem_shared>>) dst(%dma_wait3A_394 : memref<200x128xf32, #tpu.memory_space<hbm>>)
      } else {
      }
      %scan3A_386 = arith.constant 0 : i32
      scf.yield %scan3A_386 : i32
    }
    %scan3A_376 = arith.constant 4 : i32
    return
  }
}

module attributes {stable_mosaic.version = 14 : i64} {
  func.func @_tc_body(%arg0: i32, %arg1: memref<2000x128xf32, #tpu.memory_space<vmem>>, %arg2: memref<2x2000x128xf32, #tpu.memory_space<vmem>>, %arg3: memref<2000x1xf32, #tpu.memory_space<vmem>>, %arg4: memref<2000x1xf32, #tpu.memory_space<vmem>>, %arg5: memref<128x128xf32, #tpu.memory_space<vmem>>, %arg6: memref<128x128xf32, #tpu.memory_space<vmem>>, %arg7: memref<1x128xf32, #tpu.memory_space<vmem>>, %arg8: memref<2000x128xf32, #tpu.memory_space<vmem>>) attributes {dimension_semantics = [#tpu.dimension_semantics<arbitrary>], iteration_bounds = array<i64: 5>, scalar_prefetch = 0 : i64, scratch_operands = 0 : i64, tpu.core_type = #tpu.core_type<tc>, window_params = [{transform_indices = @transform_0, window_bounds = array<i64: 2000, 128>}, {transform_indices = @transform_1, window_bounds = array<i64: 2, 2000, 128>}, {transform_indices = @transform_2, window_bounds = array<i64: 2000, 1>}, {transform_indices = @transform_3, window_bounds = array<i64: 2000, 1>}, {pipeline_mode = #tpu.pipeline_mode<synchronous>, transform_indices = @transform_4, window_bounds = array<i64: 128, 128>}, {pipeline_mode = #tpu.pipeline_mode<synchronous>, transform_indices = @transform_5, window_bounds = array<i64: 128, 128>}, {pipeline_mode = #tpu.pipeline_mode<synchronous>, transform_indices = @transform_6, window_bounds = array<i64: 1, 128>}, {transform_indices = @transform_7, window_bounds = array<i64: 2000, 128>}]} {
    %get3A = arith.constant 0 : index
    %get3A_0 = arith.constant 0 : index
    %get3A_1 = vector.load %arg1[%get3A, %get3A_0] : memref<2000x128xf32, #tpu.memory_space<vmem>>, vector<2000x128xf32>
    %get3A_2 = arith.constant 0 : index
    %get3A_3 = arith.constant 0 : index
    %get3A_4 = arith.constant 0 : index
    %get3A_5 = vector.load %arg2[%get3A_2, %get3A_3, %get3A_4] : memref<2x2000x128xf32, #tpu.memory_space<vmem>>, vector<1x2000x128xf32>
    %get3A_6 = vector.shape_cast %get3A_5 : vector<1x2000x128xf32> to vector<2000x128xf32>
    %get3A_7 = arith.constant 1 : index
    %get3A_8 = arith.constant 0 : index
    %get3A_9 = arith.constant 0 : index
    %get3A_10 = vector.load %arg2[%get3A_7, %get3A_8, %get3A_9] : memref<2x2000x128xf32, #tpu.memory_space<vmem>>, vector<1x2000x128xf32>
    %get3A_11 = vector.shape_cast %get3A_10 : vector<1x2000x128xf32> to vector<2000x128xf32>
    %add3A = arith.addf %get3A_6, %get3A_11 : vector<2000x128xf32>
    %get3A_12 = arith.constant 0 : index
    %get3A_13 = arith.constant 0 : index
    %get3A_14 = vector.load %arg3[%get3A_12, %get3A_13] : memref<2000x1xf32, #tpu.memory_space<vmem>>, vector<2000x1xf32>
    %get3A_15 = arith.constant 0 : index
    %get3A_16 = arith.constant 0 : index
    %get3A_17 = vector.load %arg4[%get3A_15, %get3A_16] : memref<2000x1xf32, #tpu.memory_space<vmem>>, vector<2000x1xf32>
    %add3A_18 = arith.addf %get3A_14, %get3A_17 : vector<2000x1xf32>
    %max3A = arith.constant 1.000000e+00 : f32
    %max3A_19 = vector.broadcast %max3A : f32 to vector<2000x1xf32>
    %max3A_20 = arith.maximumf %add3A_18, %max3A_19 : vector<2000x1xf32>
    %div3A = arith.constant 1.000000e+00 : f32
    %div3A_21 = vector.broadcast %div3A : f32 to vector<2000x1xf32>
    %div3A_22 = arith.divf %div3A_21, %max3A_20 : vector<2000x1xf32>
    %mul3A = vector.broadcast %div3A_22 : vector<2000x1xf32> to vector<2000x128xf32>
    %mul3A_23 = arith.mulf %add3A, %mul3A : vector<2000x128xf32>
    %get3A_24 = arith.constant 0 : index
    %get3A_25 = arith.constant 0 : index
    %get3A_26 = vector.load %arg5[%get3A_24, %get3A_25] : memref<128x128xf32, #tpu.memory_space<vmem>>, vector<128x128xf32>
    %dot_general3A = arith.constant dense<0.000000e+00> : vector<2000x128xf32>
    %dot_general3A_27 = tpu.matmul %mul3A_23, %get3A_26, %dot_general3A {dimension_numbers = #tpu.dot_dimension_numbers<[1], [1], [0], [0], [0, 0, 1, 0], [], []>, transpose_lhs_hint = false} : vector<2000x128xf32>, vector<128x128xf32>, vector<2000x128xf32> -> vector<2000x128xf32>
    %get3A_28 = arith.constant 0 : index
    %get3A_29 = arith.constant 0 : index
    %get3A_30 = vector.load %arg7[%get3A_28, %get3A_29] : memref<1x128xf32, #tpu.memory_space<vmem>>, vector<1x128xf32>
    %add3A_31 = vector.broadcast %get3A_30 : vector<1x128xf32> to vector<2000x128xf32>
    %add3A_32 = arith.addf %dot_general3A_27, %add3A_31 : vector<2000x128xf32>
    %get3A_33 = arith.constant 0 : index
    %get3A_34 = arith.constant 0 : index
    %get3A_35 = vector.load %arg6[%get3A_33, %get3A_34] : memref<128x128xf32, #tpu.memory_space<vmem>>, vector<128x128xf32>
    %dot_general3A_36 = arith.constant dense<0.000000e+00> : vector<2000x128xf32>
    %dot_general3A_37 = tpu.matmul %get3A_1, %get3A_35, %dot_general3A_36 {dimension_numbers = #tpu.dot_dimension_numbers<[1], [1], [0], [0], [0, 0, 1, 0], [], []>, transpose_lhs_hint = false} : vector<2000x128xf32>, vector<128x128xf32>, vector<2000x128xf32> -> vector<2000x128xf32>
    %add3A_38 = arith.addf %add3A_32, %dot_general3A_37 : vector<2000x128xf32>
    %max3A_39 = arith.constant 0.000000e+00 : f32
    %max3A_40 = vector.broadcast %max3A_39 : f32 to vector<2000x128xf32>
    %max3A_41 = arith.maximumf %add3A_38, %max3A_40 : vector<2000x128xf32>
    %add3A_42 = arith.addf %get3A_1, %max3A_41 : vector<2000x128xf32>
    %swap3A = arith.constant 0 : index
    %swap3A_43 = arith.constant 0 : index
    %swap3A_44 = vector.load %arg8[%swap3A, %swap3A_43] : memref<2000x128xf32, #tpu.memory_space<vmem>>, vector<2000x128xf32>
    tpu.vector_store %arg8[%swap3A, %swap3A_43], %add3A_42 {strides = array<i32>} : memref<2000x128xf32, #tpu.memory_space<vmem>>, vector<2000x128xf32>,
    return
  }
  func.func @transform_0(%arg0: i32) -> (i32, i32) {
    %c0_i32 = arith.constant 0 : i32
    %c0_i32_0 = arith.constant 0 : i32
    return %arg0, %c0_i32 : i32, i32
  }
  func.func @transform_1(%arg0: i32) -> (i32, i32, i32) {
    %c0_i32 = arith.constant 0 : i32
    %c0_i32_0 = arith.constant 0 : i32
    %c0_i32_1 = arith.constant 0 : i32
    return %c0_i32, %arg0, %c0_i32_0 : i32, i32, i32
  }
  func.func @transform_2(%arg0: i32) -> (i32, i32) {
    %c0_i32 = arith.constant 0 : i32
    %c0_i32_0 = arith.constant 0 : i32
    return %arg0, %c0_i32 : i32, i32
  }
  func.func @transform_3(%arg0: i32) -> (i32, i32) {
    %c0_i32 = arith.constant 0 : i32
    %c0_i32_0 = arith.constant 0 : i32
    return %arg0, %c0_i32 : i32, i32
  }
  func.func @transform_4(%arg0: i32) -> (i32, i32) {
    %c0_i32 = arith.constant 0 : i32
    %c0_i32_0 = arith.constant 0 : i32
    %c0_i32_1 = arith.constant 0 : i32
    return %c0_i32, %c0_i32_0 : i32, i32
  }
  func.func @transform_5(%arg0: i32) -> (i32, i32) {
    %c0_i32 = arith.constant 0 : i32
    %c0_i32_0 = arith.constant 0 : i32
    %c0_i32_1 = arith.constant 0 : i32
    return %c0_i32, %c0_i32_0 : i32, i32
  }
  func.func @transform_6(%arg0: i32) -> (i32, i32) {
    %c0_i32 = arith.constant 0 : i32
    %c0_i32_0 = arith.constant 0 : i32
    %c0_i32_1 = arith.constant 0 : i32
    return %c0_i32, %c0_i32_0 : i32, i32
  }
  func.func @transform_7(%arg0: i32) -> (i32, i32) {
    %c0_i32 = arith.constant 0 : i32
    %c0_i32_0 = arith.constant 0 : i32
    return %arg0, %c0_i32 : i32, i32
  }
}

</mosaic_0001>

<sc_bundles>
// kernel: kernel.4.cloned.1.call-start
scs
__scs_entry_jumppad:
0x0: {  	(pc) =	sbr.rel $0x88, $3  }
0x1: {  	(tag) =	ssettag $0x0;
	lr =	simm.s32 $0x1  }
0x2: {  	[smem:$0x3F9C] =	sst lr;
	_ =	strace $0xD0000000  }
0x3: {  	_ = 	snop  }
0x4: {  	_ = 	snop  }
0x5: {  	_ = 	snop  }
0x6: {  	_ = 	snop  }
0x7: {  	_ = 	snop  }
__scs_overlays_trampoline_lowered:
0x8: {  	[smem:$0x3FAB] =	sst s0  }
0x9: {  	[smem:$0x3FAC] =	sst s1  }
0xa: {  	[smem:$0x3FAD] =	sst s2  }
0xb: {  	[smem:$0x3FAE] =	sst s3  }
0xc: {  	[smem:$0x3FAF] =	sst s4  }
0xd: {  	[smem:$0x3FB0] =	sst s5  }
0xe: {  	[smem:$0x3FB1] =	sst s6  }
0xf: {  	[smem:$0x3FB2] =	sst s7  }
0x10: {  	[smem:$0x3FB3] =	sst s8  }
0x11: {  	[smem:$0x3FB4] =	sst s9;
	s0 =	simm.s32 @!p0 $0x0  }
0x12: {  	s1 =	sld [smem:$0x3F9A];
	s0 =	simm.s32 @p0 $0x1  }
0x13: {  	[smem:$0x3FB5] =	sst s0;
	s0 =	simm.s32 @!p1 $0x0  }
0x14: {  	s2 =	sld [smem:$0x3F99];
	s0 =	simm.s32 @p1 $0x1  }
0x15: {  	[smem:$0x3FB6] =	sst s0;
	s0 =	simm.s32 @!p2 $0x0  }
0x16: {  	s3 =	sld [smem:$0x3FDB];
	s0 =	simm.s32 @p2 $0x1  }
0x17: {  	s4 =	simm.s32 $0x1BF5;
	[smem:$0x3FB8] =	sst s0  }
0x18: {  	s0 =	sld [smem:$0x3F9B];
	_ =	swait.ge [sflag:s4], $0x0  }
0x19: {  	s7 =	sld [smem:$0x3F9C]  }
0x1a: {  	s8 =	sadd.s32 $0xFFFFE003, lr  }
0x1b: {  	s9 =	sadd.s32 $0xFFFFFEF7, lr;
	s5 =	simm.s32 $0xFFFFFFFF;
	p2 =	slt.u32 s8, $0xFFFFF086  }
0x1c: {  	p1 =	slt.u32 s9, $0xF7A;
	s5 =	simm.s32 @!p2 $0x0  }
0x1d: {  	s5 =	simm.s32 @p1 $0x1;
	p0 =	seq.s32 s7, s2  }
0x1e: {  	s7 =	smul.u32 @!p0 $0xF7A, s2;
	p2 =	seq.s32 @!p0 s5, $0x0  }
0x1f: {  	s9 =	smul.u32 $0xF7A, s1;
	s8 =	simm.s32 @!p0 $0x1BF5;
	p2 =	por !p2, p0  }
0x20: {  	[sflag:s8] =	ssyncset.s32 @!p0 $0xFFFFF086;
	s6 =	sadd.s32 @!p0 s3, s7;
	s7 =	simm.s32 @!p0 $0x108  }
0x21: {  	s3 =	sadd.s32 s3, s9;
	s6 =	sadd.s32 @!p0 $0x88, s6;
	s7 =	simm.s32 @p2 $0x1082  }
0x22: {  	[simem:s7], [sflag:s8] =	dma.local @!p0 [hbm:s6], $0xF7A  }
0x23: {  	s9 =	sor.u32 $0xD0000000, s2;
	s6 =	simm.s32 $0x108;
	_ =	swait.ge @!p0 [sflag:s8], $0x0  }
0x24: {  	s3 =	sadd.s32 $0x88, s3;
	s6 =	simm.s32 @!p1 $0x1082;
	[sflag:s4] =	ssyncset.s32 $0xFFFFF086  }
0x25: {  	[simem:s6], [sflag:s4] =	dma.local [hbm:s3], $0xF7A  }
0x26: {  	[smem:$0x3F9C] =	sst s1;
	(tag) =	ssettag s2;
	_ =	strace s9  }
0x27: {  	s1 =	sld [smem:$0x3FAC]  }
0x28: {  	s2 =	sld [smem:$0x3FAD]  }
0x29: {  	s4 =	sld [smem:$0x3FAF]  }
0x2a: {  	p0 =	seq.s32 s5, $0x0;
	s5 =	sld [smem:$0x3FB0]  }
0x2b: {  	s6 =	sld [smem:$0x3FB1]  }
0x2c: {  	s7 =	sld [smem:$0x3FB2]  }
0x2d: {  	s3 =	simm.s32 $0x108;
	s8 =	sld [smem:$0x3FB3]  }
0x2e: {  	s3 =	simm.s32 @!p0 $0x1082;
	s9 =	sld [smem:$0x3FB4]  }
0x2f: {  	lr =	sadd.s32 s0, s3;
	s0 =	sld [smem:$0x3FAB]  }
0x30: {  	s3 =	sld [smem:$0x3FAE]  }
0x31: {  	[smem:$0x3FB7] =	sst s10  }
0x32: {  	s10 =	sld [smem:$0x3FB5];
	_ =	sdelay $0x3  }
0x33: {  	p0 =	seq.s32 s10, $0x1;
	s10 =	sld [smem:$0x3FB7];
	_ =	sdelay $0x3  }
0x34: {  	[smem:$0x3FB7] =	sst s10  }
0x35: {  	s10 =	sld [smem:$0x3FB6];
	_ =	sdelay $0x3  }
0x36: {  	p1 =	seq.s32 s10, $0x1;
	s10 =	sld [smem:$0x3FB7];
	_ =	sdelay $0x3  }
0x37: {  	[smem:$0x3FB7] =	sst s10  }
0x38: {  	s10 =	sld [smem:$0x3FB8]  }
0x39: {  	_ = 	snop;
	(pc) =	sbr.ind lr, $3  }
0x3a: {  	_ = 	snop  }
0x3b: {  	_ = 	snop  }
0x3c: {  	p2 =	seq.s32 s10, $0x1;
	s10 =	sld [smem:$0x3FB7]  }
0x3d: {  	_ =	shalt  }
0x3e: {  	_ =	shalt  }
0x3f: {  	_ =	shalt  }
0x40: {  	_ =	shalt  }
0x41: {  	_ =	shalt  }
0x42: {  	_ =	shalt  }
0x43: {  	_ =	shalt  }
0x44: {  	_ =	shalt  }
0x45: {  	_ =	shalt  }
0x46: {  	_ =	shalt  }
0x47: {  	_ =	shalt  }
0x48: {  	_ =	shalt  }
0x49: {  	_ =	shalt  }
0x4a: {  	_ =	shalt  }
0x4b: {  	_ =	shalt  }
0x4c: {  	_ =	shalt  }
0x4d: {  	_ =	shalt  }
0x4e: {  	_ =	shalt  }
0x4f: {  	_ =	shalt  }
0x50: {  	_ =	shalt  }
0x51: {  	_ =	shalt  }
0x52: {  	_ =	shalt  }
0x53: {  	_ =	shalt  }
0x54: {  	_ =	shalt  }
0x55: {  	_ =	shalt  }
0x56: {  	_ =	shalt  }
0x57: {  	_ =	shalt  }
0x58: {  	_ =	shalt  }
0x59: {  	_ =	shalt  }
0x5a: {  	_ =	shalt  }
0x5b: {  	_ =	shalt  }
0x5c: {  	_ =	shalt  }
0x5d: {  	_ =	shalt  }
0x5e: {  	_ =	shalt  }
0x5f: {  	_ =	shalt  }
0x60: {  	_ =	shalt  }
0x61: {  	_ =	shalt  }
0x62: {  	_ =	shalt  }
0x63: {  	_ =	shalt  }
0x64: {  	_ =	shalt  }
0x65: {  	_ =	shalt  }
0x66: {  	_ =	shalt  }
0x67: {  	_ =	shalt  }
0x68: {  	_ =	shalt  }
0x69: {  	_ =	shalt  }
0x6a: {  	_ =	shalt  }
0x6b: {  	_ =	shalt  }
0x6c: {  	_ =	shalt  }
0x6d: {  	_ =	shalt  }
0x6e: {  	_ =	shalt  }
0x6f: {  	_ =	shalt  }
0x70: {  	_ =	shalt  }
0x71: {  	_ =	shalt  }
0x72: {  	_ =	shalt  }
0x73: {  	_ =	shalt  }
0x74: {  	_ =	shalt  }
0x75: {  	_ =	shalt  }
0x76: {  	_ =	shalt  }
0x77: {  	_ =	shalt  }
0x78: {  	_ =	shalt  }
0x79: {  	_ =	shalt  }
0x7a: {  	_ =	shalt  }
0x7b: {  	_ =	shalt  }
0x7c: {  	_ =	shalt  }
0x7d: {  	_ =	shalt  }
0x7e: {  	_ =	shalt  }
0x7f: {  	_ =	shalt  }
0x80: {  	_ =	shalt  }
0x81: {  	_ =	shalt  }
0x82: {  	_ =	shalt  }
0x83: {  	_ =	shalt  }
0x84: {  	_ =	shalt  }
0x85: {  	_ =	shalt  }
0x86: {  	_ =	shalt  }
0x87: {  	_ =	shalt  }
.Lfunc_end0:
.L_simem_size_0:
called_computation_lowered:
.L_overlay_start_0:
0x88: {  	s2 =	sld [smem:$0x3FD9]  }
0x89: {  	s3 =	sld [smem:$0x3FFE];
	_ =	sdelay $0x1  }
0x8a: {  	s1 =	srdreg.scid  }
0x8b: {  	s0 =	sand.u32 $0x1, s1  }
0x8c: {  	s17 =	sshll.u32 s0, $0xA;
	s2 =	sadd.s32 s3, s2  }
0x8d: {  	s2 =	sadd.s32 s2, s17  }
0x8e: {  	[smem:$0x3FC3] =	sst s2  }
0x8f: {  	_ = 	snop  }
0x90: {  	s2 =	sld [smem:$0x3FC9]  }
0x91: {  	s18 =	sld [smem:$0x3FD0];
	(tm) =	ssettm $0x1  }
0x92: {  	s4 =	sld [smem:$0x3FFB];
	_ =	sdelay $0x3  }
0x93: {  	_ =	strace s4  }
0x94: {  	s4 =	sld [smem:$0x3FFC];
	_ =	sdelay $0x3  }
0x95: {  	_ =	strace s4  }
0x96: {  	s4 =	sld [smem:$0x3FFD];
	_ =	sdelay $0x3  }
0x97: {  	_ =	strace s4  }
0x98: {  	_ =	strace $0x8FFFFFFF  }
0x99: {  	s19 =	sld [smem:$0x3FDB];
	_ =	sdelay $0x1  }
0x9a: {  	s5 =	simm.s32 $_scs_section_size  }
0x9b: {  	s6 =	simm.s32 $_size__tile_overlayer_lowered;
	s7 =	simm.s32 $_tile_overlayer_lowered  }
0x9c: {  	s22 =	simm.s32 $0x1BFF;
	s21 =	sshll.u32 s7, $0x1;
	s4 =	sadd.s32 s5, s19  }
0x9d: {  	s8 =	simm.s32 $0x0;
	s20 =	sshll.u32 s6, $0x1;
	s6 =	sadd.s32 s21, s4  }
0x9e: {  	[timem:s8], [sflag:s22] =	dma.local [hbm:s6], s20  }
0x9f: {  	_ =	swait.ge [sflag:s22], s20  }
0xa0: {  	s5 =	ssub.s32 $0x0, s20;
	[sflag:s22] =	ssyncset.done $0x0  }
0xa1: {  	[sflag:s22] =	ssyncadd.s32 s5;
	_ =	sdelay $0x1  }
0xa2: {  	s23 =	simm.s32 $0x1B8B  }
0xa3: {  	_ =	swait.ge [sflag:s23], $0x1  }
0xa4: {  	[sflag:s23] =	ssyncset.done $0x0  }
0xa5: {  	s25 =	simm.s32 $0x1B8E;
	s24 =	sld [smem:$0x3FFE];
	[sflag:s23] =	ssyncadd.s32 $0xFFFFFFFF  }
0xa6: {  	s26 =	simm.s32 $execute0_lowered;
	[smem:$0x3FD2] =	sst s25  }
0xa7: {  	s6 =	sshll.u32 s26, $0x1;
	_ =	strace $0x80000046;
	[dreg:$0x1] =	wrdreg $0xFFFFFFFF  }
0xa8: {  	s28 =	simm.s32 $_size_execute0_lowered;
	s4 =	sadd.s32 s4, s6;
	[dreg:$0x0] =	wrdreg $0x0  }
0xa9: {  	s6 =	sshll.u32 s28, $0x1;
	[dreg:$0x2] =	wrdreg s4  }
0xaa: {  	[dreg:$0x3] =	wrdreg s6  }
0xab: {  	[dreg:$0x4] =	wrdreg $0xC0  }
0xac: {  	_ =	task [dreg:s8], $0x5FFFF  }
0xad: {  	[dreg:$0x1] =	wrdreg $0xFFFFFFFF  }
0xae: {  	[dreg:$0x0] =	wrdreg $0x60  }
0xaf: {  	[dreg:$0x2] =	wrdreg s2  }
0xb0: {  	[dreg:$0x3] =	wrdreg s24  }
0xb1: {  	[dreg:$0x4] =	wrdreg s18  }
0xb2: {  	[dreg:$0x5] =	wrdreg $0x76800  }
0xb3: {  	[dreg:$0x6] =	wrdreg $0x1AF000  }
0xb4: {  	[dreg:$0x7] =	wrdreg $0x9  }
0xb5: {  	_ =	task.clear_ibuf [dreg:s8], $0x8FFFF;
	_ =	strace $0x90000046  }
0xb6: {  	s29 =	simm.s32 $0x9;
	_ =	strace $0x80000048  }
0xb7: {  	_ =	swait.ge [sflag:s29], $0x1  }
0xb8: {  	[sflag:s29] =	ssyncadd.s32 $0xFFFFFFFF  }
0xb9: {  	_ =	strace $0x90000048  }
0xba: {  	_ =	sfence  }
0xbb: {  	s30 =	sld [smem:$0x0];
	_ =	sdelay $0x2  }
0xbc: {  	s31 =	sshll.u32 s1, $0xD;
	s1 =	sshrl.u32 s1, $0x2  }
0xbd: {  	s3 =	sand.u32 $0x4000, s31;
	s1 =	sadd.s32 s1, s30  }
0xbe: {  	s0 =	sor.u32 s3, s0;
	s1 =	sshll.u32 s1, $0x11  }
0xbf: {  	s0 =	sor.u32 s1, s0  }
0xc0: {  	s0 =	sadd.s32 $0x8F2B, s0  }
0xc1: {  	[sflag:s0] =	ssyncadd.remote.s32 $0x1  }
0xc2: {  	_ =	sfence.sel $0xFFFF  }
0xc3: {  	[dreg:$0x0] =	wrdreg $0xFFFFFFFF;
	(pc) =	sbr.abs _section_cstart, $3  }
0xc4: {  	[dreg:$0x1] =	wrdreg $0xFFFFFFFF  }
0xc5: {  	_ =	task.clear_ibuf [dreg:s8], $0x2FFFF;
	_ =	strace $0x9FFFFFFF  }
0xc6: {  	(tm) =	ssettm $0x7FFFFFFF  }
0xc7: {  	_ =	shalt  }
tec
execute0_lowered:
.L_overlay_start_1:
0x0: {  	(tag) =	ssettag $0x1  }
0x1: {  	s23 =	rddreg [dreg:$0x0]  }
0x2: {  	s1 =	rddreg [dreg:$0x1]  }
0x3: {  	s6 =	rddreg [dreg:$0x2]  }
0x4: {  	s0 =	rddreg [dreg:$0x3]  }
0x5: {  	s2 =	srdreg.scid;
	s4 =	rddreg [dreg:$0x4];
	s21 =	simm.s32 $0x0  }
0x6: {  	s20 =	stileid.u32;
	s8 =	sand.u32 $0x1, s2;
	[smem:$0x7FF] =	sst s21  }
0x7: {  	s22 =	sadd.s32 $0x1000, s1;
	s10 =	sadd.s32 $0xBA00, s1;
	s30 =	smul.u32 $0x6400, s20  }
0x8: {  	p3 =	sgt.u32 s20, $0x9;
	p5 =	sgt.u32 s20, $0x1;
	s2 =	sshll.u32 s8, $0x4  }
0x9: {  	_ =	strace $0x80000047;
	s25 =	ssub.s32 $0x2, s8;
	s13 =	smul.u32 $0x138800, s8  }
0xa: {  	p0 =	seq.s32 s8, $0x1;
	s8 =	smul.u32 $0x27100, s8;
	s2 =	sor.u32 s20, s2  }
0xb: {  	[dreg:$0x6] =	wrdreg s22;
	s3 =	sshrl.u32 s25, $0x1;
	s9 =	smul.u32 $0x2710, s2  }
0xc: {  	s11 =	ssub.s32 s25, s3;
	s3 =	sor.u32 $0x20, s20;
	s17 =	sadd.s32 s13, s30  }
0xd: {  	s18 =	smul.u32 $0x6400, s3;
	s17 =	sshrl.u32 s17, $0x3;
	s7 =	sadd.s32 $0x28, s9  }
0xe: {  	s12 =	sshrl.u32 s9, $0x3;
	s15 =	sadd.s32 $0x78, s9;
	s17 =	sadd.s32 s10, s17  }
0xf: {  	s24 =	sadd.s32 $0xC8, s9;
	s30 =	sadd.s32 $0x118, s9;
	s26 =	sshrl.u32 s7, $0x3  }
0x10: {  	s14 =	sadd.s32 $0xA, s12;
	s7 =	sor.u32 $0x30, s20;
	s18 =	sadd.s32 s13, s18  }
0x11: {  	[dreg:$0x9] =	wrdreg s17;
	s25 =	sadd.s32 $0x14, s12;
	s28 =	sadd.s32 s22, s26  }
0x12: {  	s2 =	sadd.s32 s6, s26;
	s19 =	smul.u32 $0x6400, s7;
	s5 =	sshrl.u32 s18, $0x3  }
0x13: {  	s17 =	sadd.s32 s6, s14;
	s18 =	sshrl.u32 s15, $0x3;
	[dreg:$0x7] =	wrdreg s28  }
0x14: {  	s26 =	sadd.s32 s22, s25;
	s15 =	sadd.s32 s22, s12;
	[dreg:$0x8] =	wrdreg s2  }
0x15: {  	s2 =	sor.u32 $0x10, s20;
	[dreg:$0x12] =	wrdreg s26;
	s26 =	smul.u32 $0x5000, s3  }
0x16: {  	p1 =	sgt.u32 s7, $0x31;
	[dreg:$0xf] =	wrdreg s17;
	s16 =	smul.u32 $0x6400, s2  }
0x17: {  	[dreg:$0x1a] =	wrdreg s15;
	s17 =	sadd.s32 $0x28, s12;
	s3 =	smul.u32 $0x19000, s3  }
0x18: {  	s16 =	sadd.s32 s13, s16;
	s13 =	sadd.s32 s13, s19;
	s19 =	sadd.s32 s22, s18  }
0x19: {  	s16 =	sshrl.u32 s16, $0x3;
	[dreg:$0x10] =	wrdreg s19;
	s19 =	sadd.s32 s22, s17  }
0x1a: {  	p4 =	sne.s32 @!p1 s20, $0x0;
	s16 =	sadd.s32 s10, s16;
	[dreg:$0x1c] =	wrdreg s19  }
0x1b: {  	s13 =	sshrl.u32 s13, $0x3;
	[dreg:$0xa] =	wrdreg s16;
	s16 =	sadd.s32 s10, s5  }
0x1c: {  	s3 =	sshrl.u32 s3, $0x2;
	s10 =	sadd.s32 s10, s13;
	[dreg:$0xb] =	wrdreg s16  }
0x1d: {  	s5 =	sadd.s32 $0x1E, s12;
	[dreg:$0xc] =	wrdreg s10;
	s10 =	sadd.s32 s6, s18  }
0x1e: {  	s3 =	sadd.s32 s3, s0;
	s9 =	sadd.s32 s6, s5;
	[dreg:$0x11] =	wrdreg s10  }
0x1f: {  	s16 =	simm.s32 $0xB400;
	s10 =	sadd.s32 s6, s25;
	[dreg:$0x17] =	wrdreg s9  }
0x20: {  	s16 =	simm.s32 @!p0 $0xAE00;
	s25 =	smax.u32 s11, $0x1;
	[dreg:$0x13] =	wrdreg s10  }
0x21: {  	s18 =	smul.u32 $0x5000, s20;
	s1 =	sadd.s32 s16, s1;
	[dreg:$0x1e] =	wrdreg s25  }
0x22: {  	s13 =	smul.u32 $0x2710, s20;
	s16 =	sadd.s32 s22, s14;
	[dreg:$0xd] =	wrdreg s1  }
0x23: {  	s9 =	sshrl.u32 s18, $0x2;
	s10 =	sshrl.u32 s26, $0x2;
	[dreg:$0xe] =	wrdreg s16  }
0x24: {  	s1 =	sadd.s32 s13, s8;
	s8 =	sshrl.u32 s24, $0x3;
	s24 =	smul.u32 $0x5000, s2  }
0x25: {  	s13 =	sadd.s32 s22, s5;
	s16 =	sadd.s32 s6, s12;
	s5 =	smul.u32 $0x19000, s20  }
0x26: {  	s2 =	smul.u32 $0x19000, s2;
	s28 =	sadd.s32 s22, s8;
	[dreg:$0x16] =	wrdreg s13  }
0x27: {  	s8 =	sadd.s32 s6, s8;
	[dreg:$0x1b] =	wrdreg s16;
	s13 =	sadd.s32 s9, s0  }
0x28: {  	s18 =	sadd.s32 $0x2D0, s1;
	s26 =	sadd.s32 $0x280, s1;
	[dreg:$0x14] =	wrdreg s28  }
0x29: {  	s12 =	sadd.s32 $0x230, s1;
	[dreg:$0x15] =	wrdreg s8;
	s8 =	sshrl.u32 s30, $0x3  }
0x2a: {  	s28 =	smul.u32 $0x5000, s7;
	s30 =	sor.u32 $0xF0, s20;
	s2 =	sshrl.u32 s2, $0x2  }
0x2b: {  	s7 =	smul.u32 $0x19000, s7;
	[dreg:$0x1f] =	wrdreg s13;
	s14 =	sadd.s32 s22, s8  }
0x2c: {  	s8 =	sadd.s32 s6, s8;
	p0 =	sgt.u32 s30, $0xF9;
	s11 =	smul.u32 $0x5000, s30  }
0x2d: {  	s2 =	sadd.s32 s2, s0;
	s30 =	sadd.s32 $0x258, s1;
	[dreg:$0x18] =	wrdreg s14  }
0x2e: {  	[dreg:$0x19] =	wrdreg s8;
	s8 =	sadd.s32 s6, s17;
	s9 =	sshrl.u32 s28, $0x2  }
0x2f: {  	s14 =	sadd.s32 s10, s0;
	s17 =	sshrl.u32 s5, $0x2;
	[dreg:$0x1d] =	wrdreg s8  }
0x30: {  	p2 =	sne.s32 @!p0 s20, $0x0;
	s20 =	sadd.s32 $0xA0000, s13;
	[smem:$0x7D5] =	sst s14  }
0x31: {  	s10 =	sshrl.u32 s26, $0x3;
	s15 =	sadd.s32 s9, s0;
	[smem:$0x7F7] =	sst s20  }
0x32: {  	s7 =	sshrl.u32 s7, $0x2;
	s5 =	sadd.s32 s10, s6;
	[smem:$0x7D6] =	sst s15  }
0x33: {  	s8 =	sshrl.u32 s24, $0x2;
	s10 =	sadd.s32 s10, s22;
	[smem:$0x7DC] =	sst s5  }
0x34: {  	s14 =	sshrl.u32 s12, $0x3;
	s12 =	sadd.s32 $0xFA0, s4;
	[smem:$0x7DD] =	sst s10  }
0x35: {  	s9 =	sshrl.u32 s18, $0x3;
	s8 =	sadd.s32 s8, s0;
	[smem:$0x7F0] =	sst s12  }
0x36: {  	s16 =	sshrl.u32 s11, $0x2;
	s19 =	sadd.s32 s9, s6;
	[smem:$0x7D4] =	sst s8  }
0x37: {  	s24 =	sadd.s32 $0x2A8, s1;
	s9 =	sadd.s32 s9, s22;
	[smem:$0x7D8] =	sst s19  }
0x38: {  	s25 =	sshrl.u32 s24, $0x3;
	s8 =	sadd.s32 s16, s0;
	[smem:$0x7D9] =	sst s9  }
0x39: {  	s7 =	sadd.s32 s7, s0;
	s28 =	sadd.s32 s25, s6;
	[smem:$0x7D7] =	sst s8  }
0x3a: {  	s15 =	sadd.s32 $0x208, s1;
	s9 =	sadd.s32 s25, s22;
	[smem:$0x7DA] =	sst s28  }
0x3b: {  	s10 =	sshrl.u32 s15, $0x3;
	s16 =	sadd.s32 s14, s6;
	[smem:$0x7DB] =	sst s9  }
0x3c: {  	s25 =	sadd.s32 $0x1B8, s1;
	s15 =	sadd.s32 $0x1F40, s4;
	[smem:$0x7E0] =	sst s16  }
0x3d: {  	s8 =	sadd.s32 s17, s0;
	s19 =	sadd.s32 s10, s6;
	[smem:$0x7F2] =	sst s15  }
0x3e: {  	s17 =	sadd.s32 $0x1E0, s1;
	s10 =	sadd.s32 s10, s22;
	[smem:$0x7E2] =	sst s19  }
0x3f: {  	s28 =	sadd.s32 $0x168, s1;
	s1 =	sadd.s32 $0x190, s1;
	[smem:$0x7E3] =	sst s10  }
0x40: {  	s0 =	sshrl.u32 s30, $0x3;
	s16 =	sadd.s32 $0x50000, s13;
	[smem:$0x7E8] =	sst s1  }
0x41: {  	s26 =	sshrl.u32 s25, $0x3;
	s25 =	sadd.s32 $0xDC000, s13;
	[smem:$0x7F3] =	sst s16  }
0x42: {  	s29 =	simm.s32 $0x780;
	s11 =	sadd.s32 s0, s6;
	[smem:$0x7FA] =	sst s25  }
0x43: {  	s31 =	simm.s32 $0x6E00;
	s9 =	sadd.s32 s0, s22;
	[smem:$0x7DE] =	sst s11  }
0x44: {  	p4 =	por p4, p1;
	s30 =	sadd.s32 s26, s6;
	[smem:$0x7DF] =	sst s9  }
0x45: {  	p2 =	por p2, p0;
	s8 =	sshrl.u32 s8, $0x3;
	[smem:$0x7E6] =	sst s30  }
0x46: {  	s20 =	simm.s32 $0x5A00;
	s10 =	sshrl.u32 s3, $0x3;
	[smem:$0x7EB] =	sst s8  }
0x47: {  	s12 =	simm.s32 $0x28;
	s1 =	sshrl.u32 @!p1 s7, $0x3;
	[smem:$0x7ED] =	sst s10  }
0x48: {  	s18 =	sshrl.u32 s17, $0x3;
	s17 =	sadd.s32 $0x64000, s13;
	[smem:$0x7EE] =	sst s1  }
0x49: {  	s15 =	simm.s32 $0x400;
	s19 =	sadd.s32 $0x8C000, s13;
	[smem:$0x7F4] =	sst s17  }
0x4a: {  	s0 =	sshrl.u32 s28, $0x3;
	s28 =	sadd.s32 $0x104000, s13;
	[smem:$0x7F6] =	sst s19  }
0x4b: {  	s7 =	simm.s32 $0x80;
	s9 =	sadd.s32 s14, s22;
	[smem:$0x7FC] =	sst s28  }
0x4c: {  	s3 =	simm.s32 $0x700;
	s24 =	sadd.s32 s18, s6;
	[smem:$0x7E1] =	sst s9  }
0x4d: {  	s16 =	simm.s32 $0x5A00;
	s5 =	sadd.s32 s0, s6;
	[smem:$0x7E4] =	sst s24  }
0x4e: {  	s25 =	simm.s32 $0xF;
	s6 =	sadd.s32 s0, s22;
	[smem:$0x7E9] =	sst s5  }
0x4f: {  	s11 =	sadd.s32 $0x7D0, s4;
	s14 =	sadd.s32 $0x1770, s4;
	[smem:$0x7EA] =	sst s6  }
0x50: {  	s30 =	sadd.s32 $0x118000, s13;
	s8 =	simm.s32 $0x600;
	[smem:$0x7EF] =	sst s11  }
0x51: {  	s17 =	simm.s32 $0x4600;
	s10 =	simm.s32 $0x13;
	[smem:$0x7F1] =	sst s14  }
0x52: {  	s0 =	simm.s32 $0x0;
	s9 =	sadd.s32 s18, s22;
	[smem:$0x7FD] =	sst s30  }
0x53: {  	s19 =	simm.s32 $0x400;
	s18 =	sadd.s32 $0x78000, s13;
	[smem:$0x7E5] =	sst s9  }
0x54: {  	s24 =	sadd.s32 $0xC8000, s13;
	s14 =	simm.s32 $0x200;
	[smem:$0x7F5] =	sst s18  }
.Ltmp0:
0x55: {  	s9 =	sadd.s32 s26, s22;
	[smem:$0x7F9] =	sst s24;
	(pc) =	sbr.rel .LBB2_1-.Ltmp0, $4  }
0x56: {  	s22 =	sadd.s32 $0xB4000, s13;
	s26 =	sadd.s32 $0xF0000, s13;
	[smem:$0x7E7] =	sst s9  }
0x57: {  	s13 =	simm.s32 $0x100;
	s24 =	simm.s32 $0x0;
	[smem:$0x7F8] =	sst s22  }
0x58: {  	s9 =	sshrl.u32 s2, $0x3;
	[smem:$0x7FB] =	sst s26;
	s26 =	simm.s32 $0x880  }
0x59: {  	v0 =	vimm.f32 $1.000000000e+00;
	v1 =	vimm.f32 $0.0e+00;
	s2 =	simm.s32 $0x3200;
	[smem:$0x7EC] =	sst s9;
	s9 =	simm.s32 $0x680  }
.LBB2_8:
0x5a: {  	s0 =	simm.s32 $0x10  }
0x5b: {  	_ =	swait.ge [sflag:s0], $0x1400  }
0x5c: {  	[sflag:s0] =	ssyncset.done $0x0  }
0x5d: {  	[sflag:s0] =	ssyncadd.s32 $0xFFFFEC00  }
0x5e: {  	_ =	swait.ge [sflag:s0], $0x28  }
0x5f: {  	[sflag:s0] =	ssyncset.done $0x0  }
0x60: {  	s17 =	simm.s32 $0x11;
	[sflag:s0] =	ssyncadd.s32 $0xFFFFFFD8  }
0x61: {  	_ =	swait.ge [sflag:s17], $0x1400  }
0x62: {  	[sflag:s17] =	ssyncset.done $0x0  }
0x63: {  	[sflag:s17] =	ssyncadd.s32 $0xFFFFEC00  }
0x64: {  	_ =	swait.ge [sflag:s17], $0x28  }
0x65: {  	[sflag:s17] =	ssyncset.done $0x0  }
0x66: {  	s18 =	simm.s32 $0x12;
	[sflag:s17] =	ssyncadd.s32 $0xFFFFFFD8  }
0x67: {  	_ =	swait.ge [sflag:s18], $0x1400  }
0x68: {  	[sflag:s18] =	ssyncset.done $0x0  }
0x69: {  	[sflag:s18] =	ssyncadd.s32 $0xFFFFEC00  }
0x6a: {  	_ =	swait.ge [sflag:s18], $0x28  }
0x6b: {  	[sflag:s18] =	ssyncset.done $0x0  }
0x6c: {  	[sflag:s18] =	ssyncadd.s32 $0xFFFFFFD8  }
0x6d: {  	_ =	swait.ge [sflag:s10], $0x1400  }
0x6e: {  	[sflag:s10] =	ssyncset.done $0x0  }
0x6f: {  	[sflag:s10] =	ssyncadd.s32 $0xFFFFEC00  }
0x70: {  	_ =	swait.ge [sflag:s10], $0x28  }
0x71: {  	[sflag:s10] =	ssyncset.done $0x0  }
0x72: {  	s21 =	simm.s32 $0x14;
	[sflag:s10] =	ssyncadd.s32 $0xFFFFFFD8  }
0x73: {  	_ =	swait.ge [sflag:s21], $0x1400  }
0x74: {  	[sflag:s21] =	ssyncset.done $0x0  }
0x75: {  	[sflag:s21] =	ssyncadd.s32 $0xFFFFEC00  }
0x76: {  	_ =	swait.ge [sflag:s21], $0x28  }
0x77: {  	[sflag:s21] =	ssyncset.done $0x0  }
0x78: {  	[sflag:s21] =	ssyncadd.s32 $0xFFFFFFD8  }
0x79: {  	[bflag:$0x0] =	sbarrier.arrive $0xFFFF  }
0x7a: {  	s1 =	stileid.u32;
	s7 =	sld [smem:$0x7EB]  }
0x7b: {  	s1 =	sshll.u32 s1, $0x6  }
0x7c: {  	s1 =	sor.u32 $0x1C0B, s1;
	s6 =	rddreg [dreg:$0x9]  }
0x7d: {  	[hbm:s6], [sflag:s1] =	dma.local [spmem:s7], $0xC80  }
0x7e: {  	s7 =	sld [smem:$0x7EC];
	_ =	sdelay $0x1  }
0x7f: {  	s6 =	rddreg [dreg:$0xa]  }
0x80: {  	[hbm:s6], [sflag:s1] =	dma.local [spmem:s7], $0xC80  }
0x81: {  	s7 =	sld [smem:$0x7ED];
	_ =	sdelay $0x1  }
0x82: {  	s6 =	rddreg [dreg:$0xb]  }
0x83: {  	[hbm:s6], [sflag:s1] =	dma.local [spmem:s7], $0xC80  }
0x84: {  	s7 =	sld [smem:$0x7EE];
	_ =	sdelay $0x1  }
0x85: {  	s6 =	rddreg [dreg:$0xc]  }
0x86: {  	[hbm:s6], [sflag:s1] =	dma.local @!p1 [spmem:s7], $0xC80  }
0x87: {  	s0 =	rddreg [dreg:$0x4]  }
0x88: {  	s6 =	simm.s32 @!p4 $0x1C0C;
	s7 =	rddreg [dreg:$0xd];
	s1 =	sshrl.u32 @!p4 s0, $0x3  }
0x89: {  	[hbm:s7], [sflag:s6] =	dma.local @!p4 [spmem:s1], $0x4F0  }
0x8a: {  	s1 =	simm.s32 @!p4 $0xC  }
0x8b: {  	_ =	swait.ge @!p4 [sflag:s1], $0x4F0  }
0x8c: {  	[sflag:s1] =	ssyncset.done @!p4 $0x0  }
0x8d: {  	s22 =	simm.s32 $0xB;
	[sflag:s1] =	ssyncadd.s32 @!p4 $0xFFFFFB10  }
0x8e: {  	_ =	swait.ge [sflag:s22], $0xC80  }
0x8f: {  	[sflag:s22] =	ssyncset.done $0x0  }
0x90: {  	[sflag:s22] =	ssyncadd.s32 $0xFFFFF380  }
0x91: {  	_ =	swait.ge [sflag:s22], $0xC80  }
0x92: {  	[sflag:s22] =	ssyncset.done $0x0  }
0x93: {  	[sflag:s22] =	ssyncadd.s32 $0xFFFFF380  }
0x94: {  	_ =	swait.ge [sflag:s22], $0xC80  }
0x95: {  	[sflag:s22] =	ssyncset.done $0x0  }
0x96: {  	s1 =	simm.s32 @!p5 $0xB;
	[sflag:s22] =	ssyncadd.s32 $0xFFFFF380  }
0x97: {  	_ =	swait.ge @!p5 [sflag:s1], $0xC80  }
0x98: {  	s28 =	sld [smem:$0x7D3];
	_ =	sdelay $0x2  }
0x99: {  	s30 =	rddreg [dreg:$0x1e];
	s0 =	sadd.s32 $0x1, s28  }
0x9a: {  	p6 =	sne.s32 s0, s30  }
.Ltmp1:
0x9b: {  	_ = 	snop;
	(pc) =	sbr.rel @!p6 .LBB2_9-.Ltmp1, $4  }
0x9c: {  	_ = 	snop  }
0x9d: {  	s13 =	simm.s32 $0x100;
	s14 =	simm.s32 $0x200  }
0x9e: {  	s15 =	simm.s32 $0x400;
	s17 =	simm.s32 $0x4600;
	[sflag:s1] =	ssyncset.done @!p5 $0x0  }
0x9f: {  	s21 =	simm.s32 $0x0;
	s7 =	simm.s32 $0x80;
	[sflag:s1] =	ssyncadd.s32 @!p5 $0xFFFFF380  }
.LBB2_1:
0xa0: {  	[smem:$0x7D3] =	sst s0  }
0xa1: {  	s1 =	rddreg [dreg:$0x1a]  }
0xa2: {  	[tilespmem:s21], [sflag:$0x1] =	stream.linear.gather [hbm4b:s1+s21], $0x28, $0x38;
	[tilespmem:$0x1B178] =	vst v63  }
0xa3: {  	s22 =	rddreg [dreg:$0x1b];
	s28 =	simm.s32 $0x500  }
0xa4: {  	[tilespmem:s28], [sflag:$0x1] =	stream.linear.gather [hbm4b:s22+s21], $0x28, $0x38;
	[tilespmem:$0x1B178] =	vst v63  }
0xa5: {  	s30 =	rddreg [dreg:$0x7]  }
0xa6: {  	[tilespmem:s7], [sflag:$0x2] =	stream.linear.gather [hbm4b:s30+s21], $0x28, $0x38;
	[tilespmem:$0x1B178] =	vst v63  }
0xa7: {  	s0 =	rddreg [dreg:$0x8];
	s4 =	simm.s32 $0x580  }
0xa8: {  	[tilespmem:s4], [sflag:$0x2] =	stream.linear.gather [hbm4b:s0+s21], $0x28, $0x38;
	[tilespmem:$0x1B178] =	vst v63  }
0xa9: {  	s5 =	rddreg [dreg:$0xe]  }
0xaa: {  	[tilespmem:s13], [sflag:$0x3] =	stream.linear.gather [hbm4b:s5+s21], $0x28, $0x38;
	[tilespmem:$0x1B178] =	vst v63  }
0xab: {  	s6 =	rddreg [dreg:$0xf]  }
0xac: {  	[tilespmem:s8], [sflag:$0x3] =	stream.linear.gather [hbm4b:s6+s21], $0x28, $0x38;
	[tilespmem:$0x1B178] =	vst v63  }
0xad: {  	s11 =	rddreg [dreg:$0x10];
	s6 =	simm.s32 $0x180  }
0xae: {  	[tilespmem:s6], [sflag:$0x4] =	stream.linear.gather [hbm4b:s11+s21], $0x28, $0x38;
	[tilespmem:$0x1B178] =	vst v63  }
0xaf: {  	s18 =	rddreg [dreg:$0x11]  }
0xb0: {  	[tilespmem:s9], [sflag:$0x4] =	stream.linear.gather [hbm4b:s18+s21], $0x28, $0x38;
	[tilespmem:$0x1B178] =	vst v63  }
0xb1: {  	s22 =	rddreg [dreg:$0x12]  }
0xb2: {  	[tilespmem:s14], [sflag:$0x5] =	stream.linear.gather [hbm4b:s22+s21], $0x28, $0x38;
	[tilespmem:$0x1B178] =	vst v63  }
0xb3: {  	s28 =	rddreg [dreg:$0x13]  }
0xb4: {  	[tilespmem:s3], [sflag:$0x5] =	stream.linear.gather [hbm4b:s28+s21], $0x28, $0x38;
	[tilespmem:$0x1B178] =	vst v63  }
0xb5: {  	s30 =	rddreg [dreg:$0x14];
	s0 =	simm.s32 $0x280  }
0xb6: {  	[tilespmem:s0], [sflag:$0x6] =	stream.linear.gather [hbm4b:s30+s21], $0x28, $0x38;
	[tilespmem:$0x1B178] =	vst v63  }
0xb7: {  	s4 =	rddreg [dreg:$0x15]  }
0xb8: {  	[tilespmem:s29], [sflag:$0x6] =	stream.linear.gather [hbm4b:s4+s21], $0x28, $0x38;
	[tilespmem:$0x1B178] =	vst v63  }
0xb9: {  	s5 =	rddreg [dreg:$0x16];
	s6 =	simm.s32 $0x300  }
0xba: {  	[tilespmem:s6], [sflag:$0x7] =	stream.linear.gather [hbm4b:s5+s21], $0x28, $0x38;
	[tilespmem:$0x1B178] =	vst v63  }
0xbb: {  	s8 =	rddreg [dreg:$0x17];
	s9 =	simm.s32 $0x800  }
0xbc: {  	[tilespmem:s9], [sflag:$0x7] =	stream.linear.gather [hbm4b:s8+s21], $0x28, $0x38;
	[tilespmem:$0x1B178] =	vst v63  }
0xbd: {  	s11 =	rddreg [dreg:$0x18];
	s18 =	simm.s32 $0x380  }
0xbe: {  	[tilespmem:s18], [sflag:$0x8] =	stream.linear.gather [hbm4b:s11+s21], $0x28, $0x38;
	[tilespmem:$0x1B178] =	vst v63  }
0xbf: {  	s22 =	rddreg [dreg:$0x19]  }
0xc0: {  	[tilespmem:s26], [sflag:$0x8] =	stream.linear.gather [hbm4b:s22+s21], $0x28, $0x38;
	[tilespmem:$0x1B178] =	vst v63  }
0xc1: {  	s28 =	rddreg [dreg:$0x1c]  }
0xc2: {  	[tilespmem:s15], [sflag:$0x9] =	stream.linear.gather [hbm4b:s28+s21], $0x28, $0x38;
	[tilespmem:$0x1B178] =	vst v63  }
0xc3: {  	s30 =	simm.s32 $0x900;
	s29 =	rddreg [dreg:$0x1d]  }
0xc4: {  	[tilespmem:s30], [sflag:$0x9] =	stream.linear.gather [hbm4b:s29+s21], $0x28, $0x38;
	[tilespmem:$0x1B178] =	vst v63  }
0xc5: {  	[tilespmem:$0x6E00] =	vst v0  }
0xc6: {  	[tilespmem:$0x6E10] =	vst v0  }
0xc7: {  	s1 =	simm.s32 $0x70;
	s11 =	simm.s32 $0x3C0;
	[tilespmem:$0x6E18] =	vst v0  }
.LBB2_2:
0xc8: {  	p6 =	sne.s32 s11, $0x4FC0;
	[tilespmem:s1+$0xA00] =	vst v1  }
0xc9: {  	[tilespmem:s1+$0x990] =	vst v1  }
0xca: {  	[tilespmem:s1+$0x9A0] =	vst v1  }
.Ltmp2:
0xcb: {  	[tilespmem:s1+$0x9B0] =	vst v1;
	(pc) =	sbr.rel @p6 .LBB2_2-.Ltmp2, $4  }
0xcc: {  	[tilespmem:s1+$0x9C0] =	vst v1  }
0xcd: {  	[tilespmem:s1+$0x9D0] =	vst v1  }
0xce: {  	[tilespmem:s1+$0x9E0] =	vst v1  }
0xcf: {  	[tilespmem:s1+$0x9F0] =	vst v1;
	s1 =	sshra.s32 s11, $0x2;
	s11 =	sadd.s32 $0x200, s11  }
0xd0: {  	[tilespmem:s1+$0xA00] =	vst v1  }
0xd1: {  	[tilespmem:s1+$0x990] =	vst v1  }
0xd2: {  	[tilespmem:s1+$0x9A0] =	vst v1  }
0xd3: {  	[tilespmem:s1+$0x9B0] =	vst v1  }
0xd4: {  	[tilespmem:s1+$0x9C0] =	vst v1  }
0xd5: {  	[tilespmem:s1+$0x9D0] =	vst v1  }
0xd6: {  	[tilespmem:s1+$0x9E0] =	vst v1  }
0xd7: {  	[tilespmem:s1+$0x9F0] =	vst v1;
	s1 =	simm.s32 $0x40;
	s11 =	simm.s32 $0x0  }
.LBB2_4:
0xd8: {  	p6 =	sne.s32 s1, $0x1F00;
	[tilespmem:s11+$0x6E80] =	vst v1;
	s11 =	smov.u32 s1;
	s1 =	sadd.s32 $0x40, s1  }
.Ltmp3:
0xd9: {  	(pc) =	sbr.rel @p6 .LBB2_4-.Ltmp3, $2  }
0xda: {  	_ =	sdelay $0x2  }
0xdb: {  	s11 =	sshra.s32 s11, $0x2  }
0xdc: {  	s1 =	rddreg [dreg:$0x1f]  }
0xdd: {  	[tilespmem:s11+$0x6E80] =	vst v1;
	s3 =	simm.s32 $0xA00;
	s8 =	sld [smem:$0x7D4]  }
0xde: {  	[spmem:s1] =	stream.linear.scatter [tilespmem:s3], [sflag:$0x10], $0x1400, $0x38;
	[tilespmem:$0x1B178] =	vst v63  }
0xdf: {  	s9 =	sld [smem:$0x7D5]  }
0xe0: {  	[spmem:s8] =	stream.linear.scatter [tilespmem:s3], [sflag:$0x10], $0x1400, $0x38;
	[tilespmem:$0x1B178] =	vst v63  }
0xe1: {  	s11 =	sld [smem:$0x7D6]  }
0xe2: {  	[spmem:s9] =	stream.linear.scatter [tilespmem:s3], [sflag:$0x10], $0x1400, $0x38;
	[tilespmem:$0x1B178] =	vst v63  }
0xe3: {  	s18 =	sld [smem:$0x7F3]  }
0xe4: {  	[spmem:s11] =	stream.linear.scatter [tilespmem:s3], [sflag:$0x10], $0x1400, $0x38;
	[tilespmem:$0x1B178] =	vst v63  }
0xe5: {  	s22 =	sld [smem:$0x7F4]  }
0xe6: {  	[spmem:s18] =	stream.linear.scatter [tilespmem:s3], [sflag:$0x10], $0x1400, $0x38;
	[tilespmem:$0x1B178] =	vst v63  }
0xe7: {  	s26 =	sld [smem:$0x7F5]  }
0xe8: {  	[spmem:s22] =	stream.linear.scatter [tilespmem:s3], [sflag:$0x10], $0x1400, $0x38;
	[tilespmem:$0x1B178] =	vst v63  }
0xe9: {  	s28 =	sld [smem:$0x7F6]  }
0xea: {  	[spmem:s26] =	stream.linear.scatter [tilespmem:s3], [sflag:$0x10], $0x1400, $0x38;
	[tilespmem:$0x1B178] =	vst v63  }
0xeb: {  	s29 =	sld [smem:$0x7F7]  }
0xec: {  	[spmem:s28] =	stream.linear.scatter [tilespmem:s3], [sflag:$0x10], $0x1400, $0x38;
	[tilespmem:$0x1B178] =	vst v63  }
0xed: {  	s30 =	sld [smem:$0x7F8]  }
0xee: {  	[spmem:s29] =	stream.linear.scatter [tilespmem:s3], [sflag:$0x10], $0x1400, $0x38;
	[tilespmem:$0x1B178] =	vst v63  }
0xef: {  	s0 =	sld [smem:$0x7F9]  }
0xf0: {  	[spmem:s30] =	stream.linear.scatter [tilespmem:s3], [sflag:$0x10], $0x1400, $0x38;
	[tilespmem:$0x1B178] =	vst v63  }
0xf1: {  	s4 =	sld [smem:$0x7FA]  }
0xf2: {  	[spmem:s0] =	stream.linear.scatter [tilespmem:s3], [sflag:$0x10], $0x1400, $0x38;
	[tilespmem:$0x1B178] =	vst v63  }
0xf3: {  	s5 =	sld [smem:$0x7FB]  }
0xf4: {  	[spmem:s4] =	stream.linear.scatter [tilespmem:s3], [sflag:$0x10], $0x1400, $0x38;
	[tilespmem:$0x1B178] =	vst v63  }
0xf5: {  	s6 =	sld [smem:$0x7FC]  }
0xf6: {  	[spmem:s5] =	stream.linear.scatter [tilespmem:s3], [sflag:$0x10], $0x1400, $0x38;
	[tilespmem:$0x1B178] =	vst v63  }
0xf7: {  	s8 =	sld [smem:$0x7FD]  }
0xf8: {  	[spmem:s6] =	stream.linear.scatter [tilespmem:s3], [sflag:$0x10], $0x1400, $0x38;
	[tilespmem:$0x1B178] =	vst v63  }
0xf9: {  	s6 =	sld [smem:$0x7D7]  }
0xfa: {  	[spmem:s8] =	stream.linear.scatter [tilespmem:s3], [sflag:$0x10], $0x1400, $0x38;
	[tilespmem:$0x1B178] =	vst v63  }
0xfb: {  	s1 =	simm.s32 @!p0 $0xA00;
	s0 =	rddreg [dreg:$0x4]  }
0xfc: {  	[spmem:s6] =	stream.linear.scatter @!p0 [tilespmem:s1], [sflag:$0x10], $0x1400, $0x38;
	[tilespmem:$0x1B178] =	vst v63  }
0xfd: {  	s1 =	simm.s32 @!p2 $0x6E80;
	s6 =	sld [smem:$0x7EF]  }
0xfe: {  	[spmem:s0] =	stream.linear.scatter @!p2 [tilespmem:s1], [sflag:$0x11], $0x7D0, $0x38;
	[tilespmem:$0x1B178] =	vst v63  }
0xff: {  	_ = 	snop  }
0x100: {  	[spmem:s6] =	stream.linear.scatter @!p2 [tilespmem:s1], [sflag:$0x11], $0x7D0, $0x38;
	[tilespmem:$0x1B178] =	vst v63  }
0x101: {  	s6 =	sld [smem:$0x7F0];
	_ =	sdelay $0x2  }
0x102: {  	[spmem:s6] =	stream.linear.scatter @!p2 [tilespmem:s1], [sflag:$0x11], $0x7D0, $0x38;
	[tilespmem:$0x1B178] =	vst v63  }
0x103: {  	s6 =	sld [smem:$0x7F1];
	_ =	sdelay $0x2  }
0x104: {  	[spmem:s6] =	stream.linear.scatter @!p2 [tilespmem:s1], [sflag:$0x11], $0x7D0, $0x38;
	[tilespmem:$0x1B178] =	vst v63  }
0x105: {  	s6 =	sld [smem:$0x7F2];
	_ =	sdelay $0x2  }
0x106: {  	[spmem:s6] =	stream.linear.scatter @!p2 [tilespmem:s1], [sflag:$0x11], $0x7D0, $0x38;
	[tilespmem:$0x1B178] =	vst v63  }
0x107: {  	s1 =	simm.s32 @!p2 $0x11  }
0x108: {  	_ =	swait.ge @!p2 [sflag:s1], $0x7D0  }
0x109: {  	[sflag:s1] =	ssyncset.done @!p2 $0x0  }
0x10a: {  	[sflag:s1] =	ssyncadd.s32 @!p2 $0xFFFFF830  }
0x10b: {  	_ =	swait.ge @!p2 [sflag:s1], $0x7D0  }
0x10c: {  	[sflag:s1] =	ssyncset.done @!p2 $0x0  }
0x10d: {  	[sflag:s1] =	ssyncadd.s32 @!p2 $0xFFFFF830  }
0x10e: {  	_ =	swait.ge @!p2 [sflag:s1], $0x7D0  }
0x10f: {  	[sflag:s1] =	ssyncset.done @!p2 $0x0  }
0x110: {  	[sflag:s1] =	ssyncadd.s32 @!p2 $0xFFFFF830  }
0x111: {  	_ =	swait.ge @!p2 [sflag:s1], $0x7D0  }
0x112: {  	[sflag:s1] =	ssyncset.done @!p2 $0x0  }
0x113: {  	[sflag:s1] =	ssyncadd.s32 @!p2 $0xFFFFF830  }
0x114: {  	_ =	swait.ge @!p2 [sflag:s1], $0x7D0  }
0x115: {  	[sflag:s1] =	ssyncset.done @!p2 $0x0  }
0x116: {  	s9 =	simm.s32 $0x2;
	[sflag:s1] =	ssyncadd.s32 @!p2 $0xFFFFF830  }
0x117: {  	_ =	swait.ge [sflag:s9], $0x28  }
0x118: {  	[sflag:s9] =	ssyncset.done $0x0  }
0x119: {  	[sflag:s9] =	ssyncadd.s32 $0xFFFFFFD8  }
0x11a: {  	_ =	swait.ge [sflag:s9], $0x28  }
0x11b: {  	[sflag:s9] =	ssyncset.done $0x0  }
0x11c: {  	s11 =	simm.s32 $0x1E00;
	s18 =	simm.s32 $0x3;
	[sflag:s9] =	ssyncadd.s32 $0xFFFFFFD8  }
0x11d: {  	[tilespmem:s11], [sflag:$0xC] =	stream.indirect.gather [hbm4b:s23+s12], $0x80, s7, s12, $0xb8;
	[tilespmem:$0x1B178] =	vst v63  }
0x11e: {  	_ =	swait.ge [sflag:s18], $0x28  }
0x11f: {  	[sflag:s18] =	ssyncset.done $0x0  }
0x120: {  	[sflag:s18] =	ssyncadd.s32 $0xFFFFFFD8  }
0x121: {  	_ =	swait.ge [sflag:s18], $0x28  }
0x122: {  	[sflag:s18] =	ssyncset.done $0x0  }
0x123: {  	s22 =	simm.s32 $0x4;
	[sflag:s18] =	ssyncadd.s32 $0xFFFFFFD8  }
0x124: {  	[tilespmem:s2], [sflag:$0xD] =	stream.indirect.gather [hbm4b:s23+s12], $0x80, s13, s12, $0xb8;
	[tilespmem:$0x1B178] =	vst v63  }
0x125: {  	_ =	swait.ge [sflag:s22], $0x28  }
0x126: {  	[sflag:s22] =	ssyncset.done $0x0  }
0x127: {  	[sflag:s22] =	ssyncadd.s32 $0xFFFFFFD8  }
0x128: {  	_ =	swait.ge [sflag:s22], $0x28  }
0x129: {  	[sflag:s22] =	ssyncset.done $0x0  }
0x12a: {  	s26 =	simm.s32 $0x180;
	s28 =	simm.s32 $0x5;
	[sflag:s22] =	ssyncadd.s32 $0xFFFFFFD8  }
0x12b: {  	[tilespmem:s17], [sflag:$0xE] =	stream.indirect.gather [hbm4b:s23+s12], $0x80, s26, s12, $0xb8;
	[tilespmem:$0x1B178] =	vst v63  }
0x12c: {  	_ =	swait.ge [sflag:s28], $0x28  }
0x12d: {  	[sflag:s28] =	ssyncset.done $0x0  }
0x12e: {  	[sflag:s28] =	ssyncadd.s32 $0xFFFFFFD8  }
0x12f: {  	_ =	swait.ge [sflag:s28], $0x28  }
0x130: {  	[sflag:s28] =	ssyncset.done $0x0  }
0x131: {  	s29 =	simm.s32 $0x10;
	[sflag:s28] =	ssyncadd.s32 $0xFFFFFFD8  }
0x132: {  	[tilespmem:s16], [sflag:$0xF] =	stream.indirect.gather [hbm4b:s23+s12], $0x80, s14, s12, $0xb8;
	[tilespmem:$0x1B178] =	vst v63  }
0x133: {  	_ =	swait.ge [sflag:s29], $0x1400  }
0x134: {  	[sflag:s29] =	ssyncset.done $0x0  }
0x135: {  	[sflag:s29] =	ssyncadd.s32 $0xFFFFEC00  }
0x136: {  	_ =	swait.ge [sflag:s29], $0x1400  }
0x137: {  	[sflag:s29] =	ssyncset.done $0x0  }
0x138: {  	[sflag:s29] =	ssyncadd.s32 $0xFFFFEC00  }
0x139: {  	_ =	swait.ge [sflag:s29], $0x1400  }
0x13a: {  	[sflag:s29] =	ssyncset.done $0x0  }
0x13b: {  	[sflag:s29] =	ssyncadd.s32 $0xFFFFEC00  }
0x13c: {  	_ =	swait.ge [sflag:s29], $0x1400  }
0x13d: {  	[sflag:s29] =	ssyncset.done $0x0  }
0x13e: {  	[sflag:s29] =	ssyncadd.s32 $0xFFFFEC00  }
0x13f: {  	_ =	swait.ge [sflag:s29], $0x1400  }
0x140: {  	[sflag:s29] =	ssyncset.done $0x0  }
0x141: {  	[sflag:s29] =	ssyncadd.s32 $0xFFFFEC00  }
0x142: {  	_ =	swait.ge [sflag:s29], $0x1400  }
0x143: {  	[sflag:s29] =	ssyncset.done $0x0  }
0x144: {  	[sflag:s29] =	ssyncadd.s32 $0xFFFFEC00  }
0x145: {  	_ =	swait.ge [sflag:s29], $0x1400  }
0x146: {  	[sflag:s29] =	ssyncset.done $0x0  }
0x147: {  	[sflag:s29] =	ssyncadd.s32 $0xFFFFEC00  }
0x148: {  	_ =	swait.ge [sflag:s29], $0x1400  }
0x149: {  	[sflag:s29] =	ssyncset.done $0x0  }
0x14a: {  	[sflag:s29] =	ssyncadd.s32 $0xFFFFEC00  }
0x14b: {  	_ =	swait.ge [sflag:s29], $0x1400  }
0x14c: {  	[sflag:s29] =	ssyncset.done $0x0  }
0x14d: {  	[sflag:s29] =	ssyncadd.s32 $0xFFFFEC00  }
0x14e: {  	_ =	swait.ge [sflag:s29], $0x1400  }
0x14f: {  	[sflag:s29] =	ssyncset.done $0x0  }
0x150: {  	[sflag:s29] =	ssyncadd.s32 $0xFFFFEC00  }
0x151: {  	_ =	swait.ge [sflag:s29], $0x1400  }
0x152: {  	[sflag:s29] =	ssyncset.done $0x0  }
0x153: {  	[sflag:s29] =	ssyncadd.s32 $0xFFFFEC00  }
0x154: {  	_ =	swait.ge [sflag:s29], $0x1400  }
0x155: {  	[sflag:s29] =	ssyncset.done $0x0  }
0x156: {  	[sflag:s29] =	ssyncadd.s32 $0xFFFFEC00  }
0x157: {  	_ =	swait.ge [sflag:s29], $0x1400  }
0x158: {  	[sflag:s29] =	ssyncset.done $0x0  }
0x159: {  	[sflag:s29] =	ssyncadd.s32 $0xFFFFEC00  }
0x15a: {  	_ =	swait.ge [sflag:s29], $0x1400  }
0x15b: {  	[sflag:s29] =	ssyncset.done $0x0  }
0x15c: {  	[sflag:s29] =	ssyncadd.s32 $0xFFFFEC00  }
0x15d: {  	_ =	swait.ge [sflag:s29], $0x1400  }
0x15e: {  	[sflag:s29] =	ssyncset.done $0x0  }
0x15f: {  	s1 =	simm.s32 @!p3 $0x10;
	[sflag:s29] =	ssyncadd.s32 $0xFFFFEC00  }
0x160: {  	_ =	swait.ge @!p3 [sflag:s1], $0x1400  }
0x161: {  	[sflag:s1] =	ssyncset.done @!p3 $0x0  }
0x162: {  	s30 =	simm.s32 $0x1;
	[sflag:s1] =	ssyncadd.s32 @!p3 $0xFFFFEC00  }
0x163: {  	_ =	swait.ge [sflag:s30], $0x28  }
0x164: {  	[sflag:s30] =	ssyncset.done $0x0  }
0x165: {  	[sflag:s30] =	ssyncadd.s32 $0xFFFFFFD8  }
0x166: {  	_ =	swait.ge [sflag:s30], $0x28  }
0x167: {  	[sflag:s30] =	ssyncset.done $0x0  }
0x168: {  	s1 =	simm.s32 $0x0;
	[sflag:s30] =	ssyncadd.s32 $0xFFFFFFD8  }
0x169: {  	[tilespmem:s3], [sflag:$0xB] =	stream.indirect.gather [hbm4b:s23+s12], $0x80, s1, s12, $0xb8;
	[tilespmem:$0x1B178] =	vst v63  }
0x16a: {  	[bflag:$0x0] =	sbarrier.arrive $0xFFFF  }
0x16b: {  	s11 =	sld [smem:$0x7E8]  }
.LBB2_6:
0x16c: {  	s2 =	simm.s32 $0xB  }
0x16d: {  	_ =	swait.ge [sflag:s2], $0x1400  }
0x16e: {  	[sflag:s2] =	ssyncset.done $0x0  }
0x16f: {  	s6 =	simm.s32 $0x500;
	[sflag:s2] =	ssyncadd.s32 $0xFFFFEC00  }
0x170: {  	s7 =	simm.s32 $0xA00;
	p6 =	seq.s32 s1, $0x0;
	s5 =	rddreg [dreg:$0x3]  }
0x171: {  	[spmem:s5] =	stream.indirect.scatter.add.f32 [tilespmem:s7], [sflag:$0x10], $0x80, s6, s12, $0xb8;
	[tilespmem:$0x1B178] =	vst v63  }
0x172: {  	s13 =	simm.s32 @!p6 $0x14;
	s28 =	rddreg [dreg:$0x4]  }
0x173: {  	[spmem:s28] =	stream.indirect.scatter.add.f32 [tilespmem:s31], [sflag:$0x10], $0x1, s6, s12, $0xb8;
	[tilespmem:$0x1B178] =	vst v63  }
0x174: {  	_ =	swait.ge @!p6 [sflag:s13], $0x1400  }
0x175: {  	[sflag:s13] =	ssyncset.done @!p6 $0x0  }
0x176: {  	[sflag:s13] =	ssyncadd.s32 @!p6 $0xFFFFEC00  }
0x177: {  	_ =	swait.ge @!p6 [sflag:s13], $0x28  }
0x178: {  	[sflag:s13] =	ssyncset.done @!p6 $0x0  }
0x179: {  	[sflag:s13] =	ssyncadd.s32 @!p6 $0xFFFFFFD8;
	s13 =	simm.s32 @!p6 $0x5  }
0x17a: {  	_ =	swait.ge @!p6 [sflag:s13], $0x28  }
0x17b: {  	[sflag:s13] =	ssyncset.done @!p6 $0x0  }
0x17c: {  	[sflag:s13] =	ssyncadd.s32 @!p6 $0xFFFFFFD8  }
0x17d: {  	s14 =	simm.s32 @!p6 $0x200;
	_ =	swait.ge @!p6 [sflag:s13], $0x28  }
0x17e: {  	s16 =	simm.s32 @!p6 $0x5A00;
	[sflag:s13] =	ssyncset.done @!p6 $0x0;
	s18 =	sld [smem:$0x7EA]  }
0x17f: {  	s26 =	sld [smem:$0x7E9];
	[sflag:s13] =	ssyncadd.s32 @!p6 $0xFFFFFFD8;
	s13 =	simm.s32 @!p6 $0x28  }
0x180: {  	[tilespmem:s16], [sflag:$0xF] =	stream.indirect.gather @!p6 [hbm4b:s23+s13], $0x80, s14, s13, $0xb8;
	[tilespmem:$0x1B178] =	vst v63  }
0x181: {  	s22 =	sadd.s32 s1, s18;
	s18 =	simm.s32 $0x480  }
0x182: {  	[tilespmem:s18], [sflag:$0xA] =	stream.linear.gather [hbm4b:s22+s21], $0x28, $0x38;
	[tilespmem:$0x1B178] =	vst v63  }
0x183: {  	s0 =	simm.s32 $0x980;
	s3 =	simm.s32 $0xC;
	s30 =	sadd.s32 s1, s26  }
0x184: {  	[tilespmem:s0], [sflag:$0xA] =	stream.linear.gather [hbm4b:s30+s21], $0x28, $0x38;
	[tilespmem:$0x1B178] =	vst v63  }
0x185: {  	_ =	swait.ge [sflag:s3], $0x1400  }
0x186: {  	[sflag:s3] =	ssyncset.done $0x0  }
0x187: {  	s4 =	simm.s32 $0x580;
	s9 =	simm.s32 $0x1E00;
	[sflag:s3] =	ssyncadd.s32 $0xFFFFEC00  }
0x188: {  	[spmem:s5] =	stream.indirect.scatter.add.f32 [tilespmem:s9], [sflag:$0x11], $0x80, s4, s12, $0xb8;
	[tilespmem:$0x1B178] =	vst v63  }
0x189: {  	s8 =	simm.s32 $0x10  }
0x18a: {  	[spmem:s28] =	stream.indirect.scatter.add.f32 [tilespmem:s31], [sflag:$0x11], $0x1, s4, s12, $0xb8;
	[tilespmem:$0x1B178] =	vst v63  }
0x18b: {  	_ =	swait.ge [sflag:s8], $0x1400  }
0x18c: {  	[sflag:s8] =	ssyncset.done $0x0  }
0x18d: {  	[sflag:s8] =	ssyncadd.s32 $0xFFFFEC00  }
0x18e: {  	_ =	swait.ge [sflag:s8], $0x28  }
0x18f: {  	[sflag:s8] =	ssyncset.done $0x0  }
0x190: {  	s13 =	simm.s32 $0x6;
	[sflag:s8] =	ssyncadd.s32 $0xFFFFFFD8  }
0x191: {  	_ =	swait.ge [sflag:s13], $0x28  }
0x192: {  	[sflag:s13] =	ssyncset.done $0x0  }
0x193: {  	[sflag:s13] =	ssyncadd.s32 $0xFFFFFFD8  }
0x194: {  	p6 =	seq.s32 s1, $0x4B0;
	_ =	swait.ge [sflag:s13], $0x28  }
0x195: {  	s14 =	sshrl.u32 @!p6 s11, $0x3;
	[sflag:s13] =	ssyncset.done $0x0  }
0x196: {  	s3 =	simm.s32 $0x280;
	s6 =	rddreg [dreg:$0x6];
	[sflag:s13] =	ssyncadd.s32 $0xFFFFFFD8  }
0x197: {  	[tilespmem:s7], [sflag:$0xB] =	stream.indirect.gather [hbm4b:s23+s12], $0x80, s3, s12, $0xb8;
	[tilespmem:$0x1B178] =	vst v63  }
0x198: {  	s16 =	sadd.s32 @!p6 s6, s14;
	s13 =	simm.s32 @!p6 $0x0;
	s6 =	rddreg [dreg:$0x2]  }
0x199: {  	[tilespmem:s13], [sflag:$0x1] =	stream.linear.gather @!p6 [hbm4b:s16+s13], $0x28, $0x38;
	[tilespmem:$0x1B178] =	vst v63  }
0x19a: {  	s4 =	simm.s32 $0xD;
	s14 =	sadd.s32 @!p6 s6, s14;
	s16 =	simm.s32 @!p6 $0x500  }
0x19b: {  	[tilespmem:s16], [sflag:$0x1] =	stream.linear.gather @!p6 [hbm4b:s14+s13], $0x28, $0x38;
	[tilespmem:$0x1B178] =	vst v63  }
0x19c: {  	_ =	swait.ge [sflag:s4], $0x1400  }
0x19d: {  	[sflag:s4] =	ssyncset.done $0x0  }
0x19e: {  	s26 =	simm.s32 $0x3200;
	s14 =	simm.s32 $0x600;
	[sflag:s4] =	ssyncadd.s32 $0xFFFFEC00  }
0x19f: {  	[spmem:s5] =	stream.indirect.scatter.add.f32 [tilespmem:s26], [sflag:$0x12], $0x80, s14, s12, $0xb8;
	[tilespmem:$0x1B178] =	vst v63  }
0x1a0: {  	s16 =	simm.s32 $0x11  }
0x1a1: {  	[spmem:s28] =	stream.indirect.scatter.add.f32 [tilespmem:s31], [sflag:$0x12], $0x1, s14, s12, $0xb8;
	[tilespmem:$0x1B178] =	vst v63  }
0x1a2: {  	_ =	swait.ge [sflag:s16], $0x1400  }
0x1a3: {  	[sflag:s16] =	ssyncset.done $0x0  }
0x1a4: {  	[sflag:s16] =	ssyncadd.s32 $0xFFFFEC00  }
0x1a5: {  	_ =	swait.ge [sflag:s16], $0x28  }
0x1a6: {  	[sflag:s16] =	ssyncset.done $0x0  }
0x1a7: {  	s21 =	simm.s32 $0x7;
	[sflag:s16] =	ssyncadd.s32 $0xFFFFFFD8  }
0x1a8: {  	_ =	swait.ge [sflag:s21], $0x28  }
0x1a9: {  	[sflag:s21] =	ssyncset.done $0x0  }
0x1aa: {  	[sflag:s21] =	ssyncadd.s32 $0xFFFFFFD8  }
0x1ab: {  	_ =	swait.ge [sflag:s21], $0x28  }
0x1ac: {  	[sflag:s21] =	ssyncset.done $0x0;
	s6 =	sld [smem:$0x7E7]  }
0x1ad: {  	s22 =	simm.s32 $0x300;
	[sflag:s21] =	ssyncadd.s32 $0xFFFFFFD8  }
0x1ae: {  	[tilespmem:s9], [sflag:$0xC] =	stream.indirect.gather [hbm4b:s23+s12], $0x80, s22, s12, $0xb8;
	[tilespmem:$0x1B178] =	vst v63  }
0x1af: {  	s14 =	sadd.s32 @!p6 s1, s6;
	s6 =	sld [smem:$0x7E6]  }
0x1b0: {  	s16 =	simm.s32 @!p6 $0x80  }
0x1b1: {  	[tilespmem:s16], [sflag:$0x2] =	stream.linear.gather @!p6 [hbm4b:s14+s13], $0x28, $0x38;
	[tilespmem:$0x1B178] =	vst v63  }
0x1b2: {  	s30 =	simm.s32 $0xE;
	s21 =	simm.s32 @!p6 $0x580;
	s14 =	sadd.s32 @!p6 s1, s6  }
0x1b3: {  	[tilespmem:s21], [sflag:$0x2] =	stream.linear.gather @!p6 [hbm4b:s14+s13], $0x28, $0x38;
	[tilespmem:$0x1B178] =	vst v63  }
0x1b4: {  	_ =	swait.ge [sflag:s30], $0x1400  }
0x1b5: {  	[sflag:s30] =	ssyncset.done $0x0  }
0x1b6: {  	s3 =	simm.s32 $0x680;
	[sflag:s30] =	ssyncadd.s32 $0xFFFFEC00  }
0x1b7: {  	[spmem:s5] =	stream.indirect.scatter.add.f32 [tilespmem:s17], [sflag:$0x13], $0x80, s3, s12, $0xb8;
	[tilespmem:$0x1B178] =	vst v63  }
0x1b8: {  	s6 =	simm.s32 $0x12  }
0x1b9: {  	[spmem:s28] =	stream.indirect.scatter.add.f32 [tilespmem:s31], [sflag:$0x13], $0x1, s3, s12, $0xb8;
	[tilespmem:$0x1B178] =	vst v63  }
0x1ba: {  	_ =	swait.ge [sflag:s6], $0x1400  }
0x1bb: {  	[sflag:s6] =	ssyncset.done $0x0  }
0x1bc: {  	[sflag:s6] =	ssyncadd.s32 $0xFFFFEC00  }
0x1bd: {  	_ =	swait.ge [sflag:s6], $0x28  }
0x1be: {  	[sflag:s6] =	ssyncset.done $0x0  }
0x1bf: {  	s14 =	simm.s32 $0x8;
	[sflag:s6] =	ssyncadd.s32 $0xFFFFFFD8  }
0x1c0: {  	_ =	swait.ge [sflag:s14], $0x28  }
0x1c1: {  	[sflag:s14] =	ssyncset.done $0x0  }
0x1c2: {  	[sflag:s14] =	ssyncadd.s32 $0xFFFFFFD8  }
0x1c3: {  	_ =	swait.ge [sflag:s14], $0x28  }
0x1c4: {  	[sflag:s14] =	ssyncset.done $0x0;
	s6 =	sld [smem:$0x7E5]  }
0x1c5: {  	s21 =	simm.s32 $0x380;
	[sflag:s14] =	ssyncadd.s32 $0xFFFFFFD8  }
0x1c6: {  	[tilespmem:s26], [sflag:$0xD] =	stream.indirect.gather [hbm4b:s23+s12], $0x80, s21, s12, $0xb8;
	[tilespmem:$0x1B178] =	vst v63  }
0x1c7: {  	s14 =	sadd.s32 @!p6 s1, s6;
	s6 =	sld [smem:$0x7E4]  }
0x1c8: {  	s21 =	simm.s32 @!p6 $0x100  }
0x1c9: {  	[tilespmem:s21], [sflag:$0x3] =	stream.linear.gather @!p6 [hbm4b:s14+s13], $0x28, $0x38;
	[tilespmem:$0x1B178] =	vst v63  }
0x1ca: {  	s22 =	simm.s32 @!p6 $0x600;
	s14 =	sadd.s32 @!p6 s1, s6  }
0x1cb: {  	[tilespmem:s22], [sflag:$0x3] =	stream.linear.gather @!p6 [hbm4b:s14+s13], $0x28, $0x38;
	[tilespmem:$0x1B178] =	vst v63  }
0x1cc: {  	_ =	swait.ge [sflag:s25], $0x1400  }
0x1cd: {  	[sflag:s25] =	ssyncset.done $0x0  }
0x1ce: {  	s22 =	simm.s32 $0x700;
	[sflag:s25] =	ssyncadd.s32 $0xFFFFEC00  }
0x1cf: {  	[spmem:s5] =	stream.indirect.scatter.add.f32 [tilespmem:s20], [sflag:$0x14], $0x80, s22, s12, $0xb8;
	[tilespmem:$0x1B178] =	vst v63  }
0x1d0: {  	_ = 	snop  }
0x1d1: {  	[spmem:s28] =	stream.indirect.scatter.add.f32 [tilespmem:s31], [sflag:$0x14], $0x1, s22, s12, $0xb8;
	[tilespmem:$0x1B178] =	vst v63  }
0x1d2: {  	_ =	swait.ge [sflag:s10], $0x1400  }
0x1d3: {  	[sflag:s10] =	ssyncset.done $0x0  }
0x1d4: {  	[sflag:s10] =	ssyncadd.s32 $0xFFFFEC00  }
0x1d5: {  	_ =	swait.ge [sflag:s10], $0x28  }
0x1d6: {  	[sflag:s10] =	ssyncset.done $0x0  }
0x1d7: {  	s30 =	simm.s32 $0x9;
	[sflag:s10] =	ssyncadd.s32 $0xFFFFFFD8  }
0x1d8: {  	_ =	swait.ge [sflag:s30], $0x28  }
0x1d9: {  	[sflag:s30] =	ssyncset.done $0x0  }
0x1da: {  	[sflag:s30] =	ssyncadd.s32 $0xFFFFFFD8  }
0x1db: {  	_ =	swait.ge [sflag:s30], $0x28  }
0x1dc: {  	[sflag:s30] =	ssyncset.done $0x0;
	s6 =	sld [smem:$0x7E3]  }
0x1dd: {  	[sflag:s30] =	ssyncadd.s32 $0xFFFFFFD8  }
0x1de: {  	[tilespmem:s17], [sflag:$0xE] =	stream.indirect.gather [hbm4b:s23+s12], $0x80, s15, s12, $0xb8;
	[tilespmem:$0x1B178] =	vst v63  }
0x1df: {  	s14 =	sadd.s32 @!p6 s1, s6;
	s6 =	sld [smem:$0x7E2]  }
0x1e0: {  	s22 =	simm.s32 @!p6 $0x180  }
0x1e1: {  	[tilespmem:s22], [sflag:$0x4] =	stream.linear.gather @!p6 [hbm4b:s14+s13], $0x28, $0x38;
	[tilespmem:$0x1B178] =	vst v63  }
0x1e2: {  	s22 =	simm.s32 @!p6 $0x680;
	s14 =	sadd.s32 @!p6 s1, s6  }
0x1e3: {  	[tilespmem:s22], [sflag:$0x4] =	stream.linear.gather @!p6 [hbm4b:s14+s13], $0x28, $0x38;
	[tilespmem:$0x1B178] =	vst v63  }
0x1e4: {  	_ =	swait.ge [sflag:s2], $0x1400  }
0x1e5: {  	[sflag:s2] =	ssyncset.done $0x0  }
0x1e6: {  	[sflag:s2] =	ssyncadd.s32 $0xFFFFEC00;
	s2 =	simm.s32 $0x780  }
0x1e7: {  	[spmem:s5] =	stream.indirect.scatter.add.f32 [tilespmem:s7], [sflag:$0x10], $0x80, s2, s12, $0xb8;
	[tilespmem:$0x1B178] =	vst v63  }
0x1e8: {  	s7 =	simm.s32 $0x14  }
0x1e9: {  	[spmem:s28] =	stream.indirect.scatter.add.f32 [tilespmem:s31], [sflag:$0x10], $0x1, s2, s12, $0xb8;
	[tilespmem:$0x1B178] =	vst v63  }
0x1ea: {  	_ =	swait.ge [sflag:s7], $0x1400  }
0x1eb: {  	[sflag:s7] =	ssyncset.done $0x0  }
0x1ec: {  	[sflag:s7] =	ssyncadd.s32 $0xFFFFEC00  }
0x1ed: {  	_ =	swait.ge [sflag:s7], $0x28  }
0x1ee: {  	[sflag:s7] =	ssyncset.done $0x0  }
0x1ef: {  	s14 =	simm.s32 $0xA;
	[sflag:s7] =	ssyncadd.s32 $0xFFFFFFD8  }
0x1f0: {  	_ =	swait.ge [sflag:s14], $0x28  }
0x1f1: {  	[sflag:s14] =	ssyncset.done $0x0  }
0x1f2: {  	[sflag:s14] =	ssyncadd.s32 $0xFFFFFFD8  }
0x1f3: {  	_ =	swait.ge [sflag:s14], $0x28  }
0x1f4: {  	[sflag:s14] =	ssyncset.done $0x0  }
0x1f5: {  	[sflag:s14] =	ssyncadd.s32 $0xFFFFFFD8;
	s14 =	simm.s32 @p6 $0xC  }
0x1f6: {  	[tilespmem:s20], [sflag:$0xF] =	stream.indirect.gather [hbm4b:s23+s12], $0x80, s18, s12, $0xb8;
	[tilespmem:$0x1B178] =	vst v63  }
0x1f7: {  	_ =	swait.ge @p6 [sflag:s14], $0x1400  }
0x1f8: {  	s17 =	simm.s32 @p6 $0x28;
	s22 =	simm.s32 @p6 $0x1E00;
	[sflag:s14] =	ssyncset.done @p6 $0x0  }
0x1f9: {  	s6 =	sld [smem:$0x7E1];
	[sflag:s14] =	ssyncadd.s32 @p6 $0xFFFFEC00;
	s14 =	simm.s32 @p6 $0x800  }
0x1fa: {  	[spmem:s5] =	stream.indirect.scatter.add.f32 @p6 [tilespmem:s22], [sflag:$0x11], $0x80, s14, s17, $0xb8;
	[tilespmem:$0x1B178] =	vst v63  }
0x1fb: {  	s18 =	simm.s32 @p6 $0x6E00  }
0x1fc: {  	[spmem:s28] =	stream.indirect.scatter.add.f32 @p6 [tilespmem:s18], [sflag:$0x11], $0x1, s14, s17, $0xb8;
	[tilespmem:$0x1B178] =	vst v63  }
0x1fd: {  	s14 =	sadd.s32 @!p6 s1, s6;
	s6 =	sld [smem:$0x7E0]  }
0x1fe: {  	s22 =	simm.s32 @!p6 $0x200  }
0x1ff: {  	[tilespmem:s22], [sflag:$0x5] =	stream.linear.gather @!p6 [hbm4b:s14+s13], $0x28, $0x38;
	[tilespmem:$0x1B178] =	vst v63  }
0x200: {  	s22 =	simm.s32 @!p6 $0x700;
	s14 =	sadd.s32 @!p6 s1, s6  }
0x201: {  	[tilespmem:s22], [sflag:$0x5] =	stream.linear.gather @!p6 [hbm4b:s14+s13], $0x28, $0x38;
	[tilespmem:$0x1B178] =	vst v63  }
0x202: {  	s14 =	simm.s32 @!p6 $0xC  }
0x203: {  	_ =	swait.ge @!p6 [sflag:s14], $0x1400  }
0x204: {  	s30 =	simm.s32 @!p6 $0x800;
	[sflag:s14] =	ssyncset.done @!p6 $0x0  }
0x205: {  	s6 =	simm.s32 @!p6 $0x1E00;
	[sflag:s14] =	ssyncadd.s32 @!p6 $0xFFFFEC00;
	s14 =	simm.s32 @!p6 $0x28  }
0x206: {  	[spmem:s5] =	stream.indirect.scatter.add.f32 @!p6 [tilespmem:s6], [sflag:$0x11], $0x80, s30, s14, $0xb8;
	[tilespmem:$0x1B178] =	vst v63  }
0x207: {  	s7 =	simm.s32 @!p6 $0x10;
	s22 =	simm.s32 @!p6 $0x6E00  }
0x208: {  	[spmem:s28] =	stream.indirect.scatter.add.f32 @!p6 [tilespmem:s22], [sflag:$0x11], $0x1, s30, s14, $0xb8;
	[tilespmem:$0x1B178] =	vst v63  }
0x209: {  	_ =	swait.ge @!p6 [sflag:s7], $0x1400  }
0x20a: {  	[sflag:s7] =	ssyncset.done @!p6 $0x0  }
0x20b: {  	[sflag:s7] =	ssyncadd.s32 @!p6 $0xFFFFEC00  }
0x20c: {  	_ =	swait.ge @!p6 [sflag:s7], $0x28  }
0x20d: {  	[sflag:s7] =	ssyncset.done @!p6 $0x0  }
0x20e: {  	[sflag:s7] =	ssyncadd.s32 @!p6 $0xFFFFFFD8;
	s7 =	simm.s32 @!p6 $0x1  }
0x20f: {  	_ =	swait.ge @!p6 [sflag:s7], $0x28  }
0x210: {  	[sflag:s7] =	ssyncset.done @!p6 $0x0  }
0x211: {  	[sflag:s7] =	ssyncadd.s32 @!p6 $0xFFFFFFD8  }
0x212: {  	_ =	swait.ge @!p6 [sflag:s7], $0x28  }
0x213: {  	[sflag:s7] =	ssyncset.done @!p6 $0x0  }
0x214: {  	[sflag:s7] =	ssyncadd.s32 @!p6 $0xFFFFFFD8;
	s7 =	simm.s32 @!p6 $0xA00  }
0x215: {  	[tilespmem:s7], [sflag:$0xB] =	stream.indirect.gather @!p6 [hbm4b:s23+s14], $0x80, s13, s14, $0xb8;
	[tilespmem:$0x1B178] =	vst v63  }
0x216: {  	s7 =	sld [smem:$0x7DF];
	_ =	sdelay $0x2  }
0x217: {  	s15 =	simm.s32 @!p6 $0x280;
	s7 =	sadd.s32 @!p6 s1, s7  }
0x218: {  	[tilespmem:s15], [sflag:$0x6] =	stream.linear.gather @!p6 [hbm4b:s7+s13], $0x28, $0x38;
	[tilespmem:$0x1B178] =	vst v63  }
0x219: {  	s7 =	sld [smem:$0x7DE];
	_ =	sdelay $0x2  }
0x21a: {  	s15 =	simm.s32 @!p6 $0x780;
	s7 =	sadd.s32 @!p6 s1, s7  }
0x21b: {  	[tilespmem:s15], [sflag:$0x6] =	stream.linear.gather @!p6 [hbm4b:s7+s13], $0x28, $0x38;
	[tilespmem:$0x1B178] =	vst v63  }
0x21c: {  	_ =	swait.ge [sflag:s4], $0x1400  }
0x21d: {  	[sflag:s4] =	ssyncset.done $0x0  }
0x21e: {  	s15 =	simm.s32 $0x880;
	[sflag:s4] =	ssyncadd.s32 $0xFFFFEC00  }
0x21f: {  	[spmem:s5] =	stream.indirect.scatter.add.f32 [tilespmem:s26], [sflag:$0x12], $0x80, s15, s12, $0xb8;
	[tilespmem:$0x1B178] =	vst v63  }
0x220: {  	s7 =	simm.s32 @p6 $0xE  }
0x221: {  	[spmem:s28] =	stream.indirect.scatter.add.f32 [tilespmem:s31], [sflag:$0x12], $0x1, s15, s12, $0xb8;
	[tilespmem:$0x1B178] =	vst v63  }
0x222: {  	_ =	swait.ge @p6 [sflag:s7], $0x1400  }
0x223: {  	[sflag:s7] =	ssyncset.done @p6 $0x0  }
0x224: {  	s15 =	simm.s32 @p6 $0x4600;
	[sflag:s7] =	ssyncadd.s32 @p6 $0xFFFFEC00;
	s7 =	simm.s32 @p6 $0x900  }
0x225: {  	[spmem:s5] =	stream.indirect.scatter.add.f32 @p6 [tilespmem:s15], [sflag:$0x13], $0x80, s7, s17, $0xb8;
	[tilespmem:$0x1B178] =	vst v63  }
0x226: {  	_ = 	snop  }
0x227: {  	[spmem:s28] =	stream.indirect.scatter.add.f32 @p6 [tilespmem:s18], [sflag:$0x13], $0x1, s7, s17, $0xb8;
	[tilespmem:$0x1B178] =	vst v63  }
0x228: {  	s7 =	simm.s32 @!p6 $0x11  }
0x229: {  	_ =	swait.ge @!p6 [sflag:s7], $0x1400  }
0x22a: {  	[sflag:s7] =	ssyncset.done @!p6 $0x0  }
0x22b: {  	[sflag:s7] =	ssyncadd.s32 @!p6 $0xFFFFEC00  }
0x22c: {  	_ =	swait.ge @!p6 [sflag:s7], $0x28  }
0x22d: {  	[sflag:s7] =	ssyncset.done @!p6 $0x0  }
0x22e: {  	[sflag:s7] =	ssyncadd.s32 @!p6 $0xFFFFFFD8;
	s7 =	simm.s32 @!p6 $0x2  }
0x22f: {  	_ =	swait.ge @!p6 [sflag:s7], $0x28  }
0x230: {  	[sflag:s7] =	ssyncset.done @!p6 $0x0  }
0x231: {  	[sflag:s7] =	ssyncadd.s32 @!p6 $0xFFFFFFD8  }
0x232: {  	_ =	swait.ge @!p6 [sflag:s7], $0x28  }
0x233: {  	[sflag:s7] =	ssyncset.done @!p6 $0x0  }
0x234: {  	[sflag:s7] =	ssyncadd.s32 @!p6 $0xFFFFFFD8  }
0x235: {  	[tilespmem:s6], [sflag:$0xC] =	stream.indirect.gather @!p6 [hbm4b:s23+s14], $0x80, s16, s14, $0xb8;
	[tilespmem:$0x1B178] =	vst v63  }
0x236: {  	s6 =	sld [smem:$0x7DD];
	_ =	sdelay $0x2  }
0x237: {  	s7 =	simm.s32 @!p6 $0x300;
	s6 =	sadd.s32 @!p6 s1, s6  }
0x238: {  	[tilespmem:s7], [sflag:$0x7] =	stream.linear.gather @!p6 [hbm4b:s6+s13], $0x28, $0x38;
	[tilespmem:$0x1B178] =	vst v63  }
0x239: {  	s6 =	sld [smem:$0x7DC];
	_ =	sdelay $0x2  }
0x23a: {  	s6 =	sadd.s32 @!p6 s1, s6  }
0x23b: {  	[tilespmem:s30], [sflag:$0x7] =	stream.linear.gather @!p6 [hbm4b:s6+s13], $0x28, $0x38;
	[tilespmem:$0x1B178] =	vst v63  }
0x23c: {  	s6 =	simm.s32 @!p6 $0xE  }
0x23d: {  	_ =	swait.ge @!p6 [sflag:s6], $0x1400  }
0x23e: {  	[sflag:s6] =	ssyncset.done @!p6 $0x0  }
0x23f: {  	s7 =	simm.s32 @!p6 $0x4600;
	[sflag:s6] =	ssyncadd.s32 @!p6 $0xFFFFEC00;
	s6 =	simm.s32 @!p6 $0x900  }
0x240: {  	[spmem:s5] =	stream.indirect.scatter.add.f32 @!p6 [tilespmem:s7], [sflag:$0x13], $0x80, s6, s14, $0xb8;
	[tilespmem:$0x1B178] =	vst v63  }
0x241: {  	_ = 	snop  }
0x242: {  	[spmem:s28] =	stream.indirect.scatter.add.f32 @!p6 [tilespmem:s22], [sflag:$0x13], $0x1, s6, s14, $0xb8;
	[tilespmem:$0x1B178] =	vst v63  }
0x243: {  	s6 =	simm.s32 @!p6 $0x12  }
0x244: {  	_ =	swait.ge @!p6 [sflag:s6], $0x1400  }
0x245: {  	[sflag:s6] =	ssyncset.done @!p6 $0x0  }
0x246: {  	[sflag:s6] =	ssyncadd.s32 @!p6 $0xFFFFEC00  }
0x247: {  	_ =	swait.ge @!p6 [sflag:s6], $0x28  }
0x248: {  	[sflag:s6] =	ssyncset.done @!p6 $0x0  }
0x249: {  	[sflag:s6] =	ssyncadd.s32 @!p6 $0xFFFFFFD8;
	s6 =	simm.s32 @!p6 $0x3  }
0x24a: {  	_ =	swait.ge @!p6 [sflag:s6], $0x28  }
0x24b: {  	[sflag:s6] =	ssyncset.done @!p6 $0x0  }
0x24c: {  	[sflag:s6] =	ssyncadd.s32 @!p6 $0xFFFFFFD8  }
0x24d: {  	_ =	swait.ge @!p6 [sflag:s6], $0x28  }
0x24e: {  	[sflag:s6] =	ssyncset.done @!p6 $0x0  }
0x24f: {  	[sflag:s6] =	ssyncadd.s32 @!p6 $0xFFFFFFD8;
	s6 =	simm.s32 @!p6 $0x3200  }
0x250: {  	[tilespmem:s6], [sflag:$0xD] =	stream.indirect.gather @!p6 [hbm4b:s23+s14], $0x80, s21, s14, $0xb8;
	[tilespmem:$0x1B178] =	vst v63  }
0x251: {  	s6 =	sld [smem:$0x7DB];
	_ =	sdelay $0x2  }
0x252: {  	s7 =	simm.s32 @!p6 $0x380;
	s6 =	sadd.s32 @!p6 s1, s6  }
0x253: {  	[tilespmem:s7], [sflag:$0x8] =	stream.linear.gather @!p6 [hbm4b:s6+s13], $0x28, $0x38;
	[tilespmem:$0x1B178] =	vst v63  }
0x254: {  	s6 =	sld [smem:$0x7DA];
	_ =	sdelay $0x2  }
0x255: {  	s29 =	simm.s32 $0x780;
	s7 =	simm.s32 @!p6 $0x880;
	s6 =	sadd.s32 @!p6 s1, s6  }
0x256: {  	[tilespmem:s7], [sflag:$0x8] =	stream.linear.gather @!p6 [hbm4b:s6+s13], $0x28, $0x38;
	[tilespmem:$0x1B178] =	vst v63  }
0x257: {  	s0 =	simm.s32 $0x4600;
	s8 =	simm.s32 $0x600;
	_ =	swait.ge [sflag:s25], $0x1400  }
.Ltmp4:
0x258: {  	s9 =	simm.s32 $0x680;
	[sflag:s25] =	ssyncset.done $0x0;
	(pc) =	sbr.rel @p6 .LBB2_8-.Ltmp4, $4  }
0x259: {  	s3 =	simm.s32 $0x700;
	s30 =	simm.s32 $0x980;
	[sflag:s25] =	ssyncadd.s32 $0xFFFFEC00  }
0x25a: {  	[spmem:s5] =	stream.indirect.scatter.add.f32 [tilespmem:s20], [sflag:$0x14], $0x80, s30, s12, $0xb8;
	[tilespmem:$0x1B178] =	vst v63  }
0x25b: {  	s2 =	simm.s32 $0x3200;
	s26 =	simm.s32 $0x880;
	s16 =	simm.s32 $0x5A00  }
0x25c: {  	[spmem:s28] =	stream.indirect.scatter.add.f32 [tilespmem:s31], [sflag:$0x14], $0x1, s30, s12, $0xb8;
	[tilespmem:$0x1B178] =	vst v63  }
0x25d: {  	_ =	swait.ge [sflag:s10], $0x1400  }
0x25e: {  	[sflag:s10] =	ssyncset.done $0x0  }
0x25f: {  	[sflag:s10] =	ssyncadd.s32 $0xFFFFEC00  }
0x260: {  	_ =	swait.ge [sflag:s10], $0x28  }
0x261: {  	[sflag:s10] =	ssyncset.done $0x0  }
0x262: {  	s2 =	simm.s32 $0x4;
	[sflag:s10] =	ssyncadd.s32 $0xFFFFFFD8  }
0x263: {  	_ =	swait.ge [sflag:s2], $0x28  }
0x264: {  	[sflag:s2] =	ssyncset.done $0x0  }
0x265: {  	[sflag:s2] =	ssyncadd.s32 $0xFFFFFFD8  }
0x266: {  	_ =	swait.ge [sflag:s2], $0x28  }
0x267: {  	s6 =	simm.s32 $0x180;
	[sflag:s2] =	ssyncset.done $0x0  }
0x268: {  	s3 =	simm.s32 $0x900;
	s29 =	sld [smem:$0x7D9];
	[sflag:s2] =	ssyncadd.s32 $0xFFFFFFD8  }
0x269: {  	[tilespmem:s0], [sflag:$0xE] =	stream.indirect.gather [hbm4b:s23+s12], $0x80, s6, s12, $0xb8;
	[tilespmem:$0x1B178] =	vst v63  }
.Ltmp5:
0x26a: {  	s11 =	sadd.s32 $0x190, s11;
	s30 =	sld [smem:$0x7D8];
	(pc) =	sbr.rel .LBB2_6-.Ltmp5, $4  }
0x26b: {  	s21 =	simm.s32 $0x0;
	s15 =	simm.s32 $0x400;
	s6 =	sadd.s32 s1, s29  }
0x26c: {  	[tilespmem:s19], [sflag:$0x9] =	stream.linear.gather [hbm4b:s6+s24], $0x28, $0x38;
	[tilespmem:$0x1B178] =	vst v63  }
0x26d: {  	s17 =	simm.s32 $0x4600;
	s6 =	sadd.s32 s1, s30;
	s1 =	sadd.s32 $0x32, s1  }
0x26e: {  	[tilespmem:s3], [sflag:$0x9] =	stream.linear.gather [hbm4b:s6+s24], $0x28, $0x38;
	[tilespmem:$0x1B178] =	vst v63  }
.LBB2_9:
0x26f: {  	_ =	sfence.sel $0x180000  }
0x270: {  	[bflag:$0x0] =	sbarrier.arrive $0xFFFF  }
0x271: {  	_ =	strace $0x90000047  }
0x272: {  	s0 =	stileid.u32;
	[bflag:$0x2] =	sbarrier.arrive $0xFFFF  }
0x273: {  	p0 =	sne.s32 s0, $0x0;
	s0 =	rddreg [dreg:$0x5]  }
0x274: {  	s0 =	sadd.s32 @!p0 $0x100000, s0  }
0x275: {  	[sflag:s0] =	ssyncadd.tile.s32 @!p0 $0x1;
	_ =	shalt  }
.Lfunc_end2:
_tile_overlayer_lowered:
.L_overlay_start_2:
0x276: {  	(tag) =	ssettag $0x2  }
0x277: {  	s0 =	rddreg [dreg:$0x0];
	s2 =	stileid.u32  }
0x278: {  	s1 =	rddreg [dreg:$0x1];
	p0 =	sne.s32 s2, $0x0  }
0x279: {  	s3 =	rddreg [dreg:$0x2];
	[bflag:$0x3] =	sbarrier.arrive $0xFFFF;
	s2 =	simm.s32 @!p0 $0x1C15  }
0x27a: {  	[timem:s3], [sflag:s2] =	dma.local @!p0 [hbm:s0], s1  }
0x27b: {  	s0 =	simm.s32 @!p0 $0x15  }
0x27c: {  	_ =	swait.ge @!p0 [sflag:s0], s1  }
0x27d: {  	s1 =	ssub.s32 @!p0 $0x0, s1;
	[sflag:s0] =	ssyncset.done @!p0 $0x0  }
0x27e: {  	[sflag:s0] =	ssyncadd.s32 @!p0 s1  }
0x27f: {  	[bflag:$0x3] =	sbarrier.arrive $0xFFFF  }
0x280: {  	_ =	shalt  }

</sc_bundles>
